<compile_context>
chip_gen: v7x
topology: tpu7x:2x2x1
jax: 0.10.2.dev20260603
libtpu: 0.0.44.dev20260713+nightly
codegen_flags: <defaults>
</compile_context>

<pallas_src>
import functools

import jax
import jax.numpy as jnp
from jax import lax
from jax.experimental import pallas as pl
from jax.experimental.pallas import tpu as pltpu
from jax.experimental.pallas import tpu_sc as plsc

C = 512
HW = 4096
K = 4096
TOPK = 819
KSEL = 1024
DUMP = KSEL + HW
KT = 512
NKT = K // KT
PT = 512
NPT = HW // PT
EPS = 1e-8


def _excl_prefix(mask_f32):
    ia = lax.broadcasted_iota(jnp.int32, (128, 128), 0)
    ib = lax.broadcasted_iota(jnp.int32, (128, 128), 1)
    upper_incl = (ia <= ib).astype(jnp.float32)
    incl = jnp.dot(mask_f32, upper_incl, preferred_element_type=jnp.float32)
    tot = incl[:, 127:128]
    ra = lax.broadcasted_iota(jnp.int32, (32, 32), 0)
    rb = lax.broadcasted_iota(jnp.int32, (32, 32), 1)
    lower_strict = (rb < ra).astype(jnp.float32)
    offs = jnp.dot(lower_strict, tot, preferred_element_type=jnp.float32)
    return incl - mask_f32 + offs


def _select_topk(bits, k):
    def bs(_, lohi):
        lo, hi = lohi
        mid = lo + ((hi - lo + 1) >> 1)
        cnt = jnp.sum((bits >= mid).astype(jnp.int32))
        big = cnt >= k
        return (jnp.where(big, mid, lo), jnp.where(big, hi, mid - 1))

    thr, _ = lax.fori_loop(0, 31, bs, (jnp.int32(0), jnp.int32(0x3F7FFFFF)))
    gt = bits > thr
    eq = bits == thr
    need = (k - jnp.sum(gt.astype(jnp.int32))).astype(jnp.float32)
    excl = _excl_prefix(eq.astype(jnp.float32))
    return gt | (eq & (excl < need))


def _select_transpose_body(r_ref, a_ref, rf_ref, sidx_ref, inv_ref, o_ref):
    @pl.when(pl.program_id(0) == 0)
    def _():
        r = r_ref[...]
        bits = lax.bitcast_convert_type(r, jnp.int32)
        keep = _select_topk(bits, TOPK)
        rf_ref[...] = r * keep.astype(jnp.float32)
        sel = _select_topk(bits, KSEL)
        pos = _excl_prefix(sel.astype(jnp.float32)).astype(jnp.int32)
        rowi = lax.broadcasted_iota(jnp.int32, (32, 128), 0)
        coli = lax.broadcasted_iota(jnp.int32, (32, 128), 1)
        p = rowi * 128 + coli
        sidx_ref[...] = jnp.where(sel, pos, KSEL + p)
        inv_ref[...] = jnp.where(sel, pos, -1)

    o_ref[...] = jnp.transpose(a_ref[...])


def _stage_select_transpose(r2d, a_mat, interpret=False):
    return pl.pallas_call(
        _select_transpose_body,
        grid=(NPT,),
        in_specs=[
            pl.BlockSpec((32, 128), lambda i: (0, 0)),
            pl.BlockSpec((C, PT), lambda i: (0, i)),
        ],
        out_specs=[
            pl.BlockSpec((32, 128), lambda i: (0, 0)),
            pl.BlockSpec((32, 128), lambda i: (0, 0)),
            pl.BlockSpec((32, 128), lambda i: (0, 0)),
            pl.BlockSpec((PT, C), lambda i: (i, 0)),
        ],
        out_shape=[
            jax.ShapeDtypeStruct((32, 128), jnp.float32),
            jax.ShapeDtypeStruct((32, 128), jnp.int32),
            jax.ShapeDtypeStruct((32, 128), jnp.int32),
            jax.ShapeDtypeStruct((HW, C), jnp.float32),
        ],
        interpret=interpret,
    )(r2d, a_mat)


@functools.cache
def _sc_gather_fc_kernel():
    mesh = plsc.VectorSubcoreMesh(core_axis_name="c", subcore_axis_name="s")

    @functools.partial(
        pl.kernel,
        out_type=jax.ShapeDtypeStruct((KSEL, C), jnp.float32),
        mesh=mesh,
        compiler_params=pltpu.CompilerParams(needs_layout_passes=False),
        scratch_types=[
            pltpu.VMEM((HW,), jnp.int32),
            pltpu.VMEM((DUMP,), jnp.int32),
            pltpu.VMEM((32, C), jnp.float32),
            pltpu.SemaphoreType.DMA,
        ],
    )
    def _sc_gather_fc(sidx_hbm, table_hbm, out_hbm,
                      sidx_v, compact_v, rows_v, sem):
        wid = lax.axis_index("s") * 2 + lax.axis_index("c")
        base = wid * 32
        pltpu.sync_copy(sidx_hbm, sidx_v)

        for i in range(HW // 16):
            dest = sidx_v[pl.ds(i * 16, 16)]
            pvals = i * 16 + lax.iota(jnp.int32, 16)
            plsc.store_scatter(compact_v, [dest], pvals)
        pltpu.async_copy(
            table_hbm.at[compact_v.at[pl.ds(base, 32)]], rows_v, sem).wait()
        pltpu.sync_copy(rows_v, out_hbm.at[pl.ds(base, 32)])

    return _sc_gather_fc


@functools.cache
def _sc_chain_gather_kernel(npos):
    mesh = plsc.VectorSubcoreMesh(core_axis_name="c", subcore_axis_name="s")
    per_tile = npos // 32

    @functools.partial(
        pl.kernel,
        out_type=jax.ShapeDtypeStruct((npos, C), jnp.float32),
        mesh=mesh,
        compiler_params=pltpu.CompilerParams(needs_layout_passes=False),
        scratch_types=[
            pltpu.VMEM((per_tile,), jnp.int32),
            pltpu.VMEM((KSEL,), jnp.int32),
            pltpu.VMEM((per_tile,), jnp.int32),
            pltpu.VMEM((per_tile, C), jnp.float32),
            pltpu.SemaphoreType.DMA,
        ],
    )
    def _sc_chain(inv_hbm, gc_hbm, table_hbm, out_hbm,
                  inv_v, gc_v, g_v, rows_v, sem):
        wid = lax.axis_index("s") * 2 + lax.axis_index("c")
        base = wid * per_tile
        pltpu.sync_copy(inv_hbm.at[pl.ds(base, per_tile)], inv_v)
        pltpu.sync_copy(gc_hbm, gc_v)
        for j in range(per_tile // 16):
            ivec = inv_v[pl.ds(j * 16, 16)]
            selv = ivec >= 0
            gathered = plsc.load_gather(gc_v, [jnp.maximum(ivec, 0)])
            dummy = base + j * 16 + lax.iota(jnp.int32, 16)
            g_v[pl.ds(j * 16, 16)] = jnp.where(selv, gathered, dummy)
        pltpu.async_copy(table_hbm.at[g_v], rows_v, sem).wait()
        pltpu.sync_copy(rows_v, out_hbm.at[pl.ds(base, per_tile)])

    return _sc_chain


def _matmul_argmax_body(fc_ref, cb_ref, g_ref, fct_ref, max_ref, idx_ref):
    step = pl.program_id(0)

    @pl.when(step == 0)
    def _():
        fct_ref[:, 0:512] = jnp.transpose(fc_ref[0:512, :])
        fct_ref[:, 512:1024] = jnp.transpose(fc_ref[512:1024, :])

    sim = jnp.dot(cb_ref[...], fct_ref[...],
                  preferred_element_type=jnp.float32)
    ids = lax.broadcasted_iota(jnp.int32, (KT, KSEL), 0) + step * KT
    bmax = jnp.max(sim, axis=0, keepdims=True)
    bidx = jnp.min(jnp.where(sim == bmax, ids, K), axis=0, keepdims=True)

    @pl.when(step == 0)
    def _():
        max_ref[...] = bmax
        idx_ref[...] = bidx

    @pl.when(step > 0)
    def _():
        take = bmax > max_ref[...]
        idx_ref[...] = jnp.where(take, bidx, idx_ref[...])
        max_ref[...] = jnp.where(take, bmax, max_ref[...])

    @pl.when(step == NKT - 1)
    def _():
        g_ref[...] = idx_ref[...]


def _stage_matmul(f_c, cb, interpret=False):
    return pl.pallas_call(
        _matmul_argmax_body,
        grid=(NKT,),
        in_specs=[
            pl.BlockSpec((KSEL, C), lambda i: (0, 0)),
            pl.BlockSpec((KT, C), lambda i: (i, 0)),
        ],
        out_specs=pl.BlockSpec((1, KSEL), lambda i: (0, 0)),
        out_shape=jax.ShapeDtypeStruct((1, KSEL), jnp.int32),
        scratch_shapes=[
            pltpu.VMEM((C, KSEL), jnp.float32),
            pltpu.VMEM((1, KSEL), jnp.float32),
            pltpu.VMEM((1, KSEL), jnp.int32),
        ],
        interpret=interpret,
    )(f_c, cb)


def _final_body(a_ref, cbg_ref, rf_ref, o_ref):
    cbg_t = jnp.transpose(cbg_ref[...])
    prod = a_ref[...] * cbg_t
    denom = jnp.sum(prod, axis=0, keepdims=True)
    o_ref[...] = prod * (rf_ref[...] / (denom + EPS))


def _stage_final(a_mat, cbg, rf_row, interpret=False):
    width = cbg.shape[0]
    return pl.pallas_call(
        _final_body,
        grid=(width // PT,),
        in_specs=[
            pl.BlockSpec((C, PT), lambda i: (0, i)),
            pl.BlockSpec((PT, C), lambda i: (i, 0)),
            pl.BlockSpec((1, PT), lambda i: (0, i)),
        ],
        out_specs=pl.BlockSpec((C, PT), lambda i: (0, i)),
        out_shape=jax.ShapeDtypeStruct((C, width), jnp.float32),
        interpret=interpret,
    )(a_mat, cbg, rf_row)


def kernel(a, r, compare_bank):
    a_mat = a.reshape(C, HW)
    r2d = r.reshape(32, 128)
    rf, sidx, inv, f_full = _stage_select_transpose(r2d, a_mat)
    f_c = _sc_gather_fc_kernel()(sidx.reshape(HW), f_full)
    g_c = _stage_matmul(f_c, compare_bank).reshape(KSEL)
    cbg = _sc_chain_gather_kernel(HW)(inv.reshape(HW), g_c, compare_bank)
    out = _stage_final(a_mat, cbg, rf.reshape(1, HW))
    return out.reshape(a.shape)

# --- scband reference (transcript-rebuilt; emitter-appended) ---
"""Pipeline reference for scband-relevance-propagation-feature-matching-54958401519659 (READ-ONLY COPY).

The authoritative reference and input builder live on the scoring server;
editing this copy changes nothing except your own understanding.
"""

import jax, jax.numpy as jnp
import numpy as np

TOP_K = 0.2
EPS = 1e-05


def setup_inputs(seed: int = 0) -> dict:
    key = jax.random.key(seed)
    k1, k2, k3 = jax.random.split(key, 3)
    a = jax.random.normal(k1, (1, 512, 64, 64), dtype=jnp.float32)
    r = jax.random.uniform(k2, (4096,), dtype=jnp.float32)
    compare_bank = jax.random.normal(k3, (4096, 512), dtype=jnp.float32)
    return {"a": a, "r": r, "compare_bank": compare_bank}


def relevance_filter(r, top_k_percent):
    # keep top-k percent of relevance values, zero the rest
    k = max(1, int(top_k_percent * r.shape[-1]))
    vals, idx = jax.lax.top_k(r, k)
    return jnp.zeros_like(r).at[idx].set(vals)


def reference(a, r, compare_bank):
    # relevance_filter (top_k != 0 branch)
    r = relevance_filter(r, TOP_K)
    C = a.shape[1]
    # f_i = a.reshape(a.shape[1], -1).permute(1, 0)  (batch == 1)
    f_i = a.reshape(C, -1).T  # [HW, C]
    # layer.forward(a): FeatureMatching computes gaussian_indices as the
    # best-matching compare_bank entry per spatial position
    sim = f_i @ compare_bank.T  # [HW, K]
    gaussian_indices = jnp.argmax(sim, axis=1)  # [HW]
    c_k = compare_bank[gaussian_indices]  # [HW, C] gather
    s = f_i * c_k
    s = s / (jnp.sum(s, axis=1, keepdims=True) + 1e-08)
    r_out = (r[:, None] * s).T.reshape(a.shape)
    return r_out

if __name__ == "__main__":
    import jax
    _d = setup_inputs()
    print(jax.jit(kernel)(*tuple(_d.values())))

</pallas_src>

<mosaic_0001>
#map = affine_map<(d0, d1) -> (0)>
#map1 = affine_map<(d0, d1) -> (0, 0)>
module attributes {stable_mosaic.version = 14 : i64} {
  func.func @_sc_chain(%arg0: i32, %arg1: i32, %arg2: memref<4096xi32, #tpu.memory_space<hbm>>, %arg3: memref<1024xi32, #tpu.memory_space<hbm>>, %arg4: memref<4096x512xf32, #tpu.memory_space<hbm>>, %arg5: memref<4096x512xf32, #tpu.memory_space<hbm>>, %arg6: memref<128xi32, #tpu.memory_space<vmem>>, %arg7: memref<1024xi32, #tpu.memory_space<vmem>>, %arg8: memref<128xi32, #tpu.memory_space<vmem>>, %arg9: memref<128x512xf32, #tpu.memory_space<vmem>>, %arg10: memref<!tpu.dma_semaphore, #tpu.memory_space<semaphore_mem>>) attributes {dimension_semantics = [#tpu.dimension_semantics<core_parallel>, #tpu.dimension_semantics<subcore_parallel>], iteration_bounds = array<i64: 2, 16>, scalar_prefetch = 0 : i64, scratch_operands = 5 : i64, tpu.core_type = #tpu.core_type<sc_vector_subcore>, window_params = [{transform_indices = #map}, {transform_indices = #map}, {transform_indices = #map1}, {transform_indices = #map1}]} {
    %mul3A = arith.constant 2 : i32
    %mul3A_0 = arith.muli %arg1, %mul3A : i32
    %add3A = arith.addi %mul3A_0, %arg0 : i32
    %mul3A_1 = arith.constant 128 : i32
    %mul3A_2 = arith.muli %add3A, %mul3A_1 : i32
    "tpu.region"() ({
      %run_scoped3A = tpu.sem_alloc : memref<!tpu.dma_semaphore, #tpu.memory_space<semaphore_mem>>
      %dma_start3A_136 = tpu.memref_slice %arg2[%mul3A_2] : memref<4096xi32, #tpu.memory_space<hbm>> -> memref<128xi32, #tpu.memory_space<hbm>>
      %dma_start3A_137 = tpu.memref_slice %arg2[%mul3A_2] : memref<4096xi32, #tpu.memory_space<hbm>> -> memref<128xi32, #tpu.memory_space<hbm>>
      tpu.enqueue_dma source(%dma_start3A_137 : memref<128xi32, #tpu.memory_space<hbm>>) target(%arg6 : memref<128xi32, #tpu.memory_space<vmem>>) target_semaphore(%run_scoped3A : memref<!tpu.dma_semaphore, #tpu.memory_space<semaphore_mem>>)
      %dma_wait3A_138 = tpu.memref_slice %arg2[%mul3A_2] : memref<4096xi32, #tpu.memory_space<hbm>> -> memref<128xi32, #tpu.memory_space<hbm>>
      %dma_wait3A_139 = tpu.memref_slice %arg2[%mul3A_2] : memref<4096xi32, #tpu.memory_space<hbm>> -> memref<128xi32, #tpu.memory_space<hbm>>
      tpu.wait_dma2 semaphore(%run_scoped3A : memref<!tpu.dma_semaphore, #tpu.memory_space<semaphore_mem>>) src(%dma_wait3A_139 : memref<128xi32, #tpu.memory_space<hbm>>) dst(%arg6 : memref<128xi32, #tpu.memory_space<vmem>>)
      tpu.yield
    }) : () -> ()
    "tpu.region"() ({
      %run_scoped3A = tpu.sem_alloc : memref<!tpu.dma_semaphore, #tpu.memory_space<semaphore_mem>>
      tpu.enqueue_dma source(%arg3 : memref<1024xi32, #tpu.memory_space<hbm>>) target(%arg7 : memref<1024xi32, #tpu.memory_space<vmem>>) target_semaphore(%run_scoped3A : memref<!tpu.dma_semaphore, #tpu.memory_space<semaphore_mem>>)
      tpu.wait_dma2 semaphore(%run_scoped3A : memref<!tpu.dma_semaphore, #tpu.memory_space<semaphore_mem>>) src(%arg3 : memref<1024xi32, #tpu.memory_space<hbm>>) dst(%arg7 : memref<1024xi32, #tpu.memory_space<vmem>>)
      tpu.yield
    }) : () -> ()
    %get3A = arith.constant 0 : index
    %get3A_3 = tpu.vector_load %arg6[%get3A] {strides = array<i32>} : memref<128xi32, #tpu.memory_space<vmem>>, vector<16xi32>,
    %ge3A = arith.constant 0 : i32
    %ge3A_4 = vector.broadcast %ge3A : i32 to vector<16xi32>
    %ge3A_5 = arith.cmpi sge, %get3A_3, %ge3A_4 : vector<16xi32>
    %max3A = arith.constant 0 : i32
    %max3A_6 = vector.broadcast %max3A : i32 to vector<16xi32>
    %max3A_7 = arith.maxsi %get3A_3, %max3A_6 : vector<16xi32>
    %gather3A = tpu.vector_load_idx %arg7[%max3A_7] : memref<1024xi32, #tpu.memory_space<vmem>>[vector<16xi32>], vector<16xi32>,
    %add3A_8 = arith.constant 0 : i32
    %add3A_9 = arith.addi %mul3A_2, %add3A_8 : i32
    %iota3A = tpu.iota {dimensions = array<i32: 0>} : vector<16xi32>
    %add3A_10 = vector.broadcast %add3A_9 : i32 to vector<16xi32>
    %add3A_11 = arith.addi %add3A_10, %iota3A : vector<16xi32>
    %select_n3A = arith.select %ge3A_5, %gather3A, %add3A_11 : vector<16xi1>, vector<16xi32>
    %swap3A = arith.constant 0 : index
    %swap3A_12 = tpu.vector_load %arg8[%swap3A] {strides = array<i32>} : memref<128xi32, #tpu.memory_space<vmem>>, vector<16xi32>,
    tpu.vector_store %arg8[%swap3A], %select_n3A {strides = array<i32>} : memref<128xi32, #tpu.memory_space<vmem>>, vector<16xi32>,
    %get3A_13 = arith.constant 16 : index
    %get3A_14 = tpu.vector_load %arg6[%get3A_13] {strides = array<i32>} : memref<128xi32, #tpu.memory_space<vmem>>, vector<16xi32>,
    %ge3A_15 = arith.constant 0 : i32
    %ge3A_16 = vector.broadcast %ge3A_15 : i32 to vector<16xi32>
    %ge3A_17 = arith.cmpi sge, %get3A_14, %ge3A_16 : vector<16xi32>
    %max3A_18 = arith.constant 0 : i32
    %max3A_19 = vector.broadcast %max3A_18 : i32 to vector<16xi32>
    %max3A_20 = arith.maxsi %get3A_14, %max3A_19 : vector<16xi32>
    %gather3A_21 = tpu.vector_load_idx %arg7[%max3A_20] : memref<1024xi32, #tpu.memory_space<vmem>>[vector<16xi32>], vector<16xi32>,
    %add3A_22 = arith.constant 16 : i32
    %add3A_23 = arith.addi %mul3A_2, %add3A_22 : i32
    %iota3A_24 = tpu.iota {dimensions = array<i32: 0>} : vector<16xi32>
    %add3A_25 = vector.broadcast %add3A_23 : i32 to vector<16xi32>
    %add3A_26 = arith.addi %add3A_25, %iota3A_24 : vector<16xi32>
    %select_n3A_27 = arith.select %ge3A_17, %gather3A_21, %add3A_26 : vector<16xi1>, vector<16xi32>
    %swap3A_28 = arith.constant 16 : index
    %swap3A_29 = tpu.vector_load %arg8[%swap3A_28] {strides = array<i32>} : memref<128xi32, #tpu.memory_space<vmem>>, vector<16xi32>,
    tpu.vector_store %arg8[%swap3A_28], %select_n3A_27 {strides = array<i32>} : memref<128xi32, #tpu.memory_space<vmem>>, vector<16xi32>,
    %get3A_30 = arith.constant 32 : index
    %get3A_31 = tpu.vector_load %arg6[%get3A_30] {strides = array<i32>} : memref<128xi32, #tpu.memory_space<vmem>>, vector<16xi32>,
    %ge3A_32 = arith.constant 0 : i32
    %ge3A_33 = vector.broadcast %ge3A_32 : i32 to vector<16xi32>
    %ge3A_34 = arith.cmpi sge, %get3A_31, %ge3A_33 : vector<16xi32>
    %max3A_35 = arith.constant 0 : i32
    %max3A_36 = vector.broadcast %max3A_35 : i32 to vector<16xi32>
    %max3A_37 = arith.maxsi %get3A_31, %max3A_36 : vector<16xi32>
    %gather3A_38 = tpu.vector_load_idx %arg7[%max3A_37] : memref<1024xi32, #tpu.memory_space<vmem>>[vector<16xi32>], vector<16xi32>,
    %add3A_39 = arith.constant 32 : i32
    %add3A_40 = arith.addi %mul3A_2, %add3A_39 : i32
    %iota3A_41 = tpu.iota {dimensions = array<i32: 0>} : vector<16xi32>
    %add3A_42 = vector.broadcast %add3A_40 : i32 to vector<16xi32>
    %add3A_43 = arith.addi %add3A_42, %iota3A_41 : vector<16xi32>
    %select_n3A_44 = arith.select %ge3A_34, %gather3A_38, %add3A_43 : vector<16xi1>, vector<16xi32>
    %swap3A_45 = arith.constant 32 : index
    %swap3A_46 = tpu.vector_load %arg8[%swap3A_45] {strides = array<i32>} : memref<128xi32, #tpu.memory_space<vmem>>, vector<16xi32>,
    tpu.vector_store %arg8[%swap3A_45], %select_n3A_44 {strides = array<i32>} : memref<128xi32, #tpu.memory_space<vmem>>, vector<16xi32>,
    %get3A_47 = arith.constant 48 : index
    %get3A_48 = tpu.vector_load %arg6[%get3A_47] {strides = array<i32>} : memref<128xi32, #tpu.memory_space<vmem>>, vector<16xi32>,
    %ge3A_49 = arith.constant 0 : i32
    %ge3A_50 = vector.broadcast %ge3A_49 : i32 to vector<16xi32>
    %ge3A_51 = arith.cmpi sge, %get3A_48, %ge3A_50 : vector<16xi32>
    %max3A_52 = arith.constant 0 : i32
    %max3A_53 = vector.broadcast %max3A_52 : i32 to vector<16xi32>
    %max3A_54 = arith.maxsi %get3A_48, %max3A_53 : vector<16xi32>
    %gather3A_55 = tpu.vector_load_idx %arg7[%max3A_54] : memref<1024xi32, #tpu.memory_space<vmem>>[vector<16xi32>], vector<16xi32>,
    %add3A_56 = arith.constant 48 : i32
    %add3A_57 = arith.addi %mul3A_2, %add3A_56 : i32
    %iota3A_58 = tpu.iota {dimensions = array<i32: 0>} : vector<16xi32>
    %add3A_59 = vector.broadcast %add3A_57 : i32 to vector<16xi32>
    %add3A_60 = arith.addi %add3A_59, %iota3A_58 : vector<16xi32>
    %select_n3A_61 = arith.select %ge3A_51, %gather3A_55, %add3A_60 : vector<16xi1>, vector<16xi32>
    %swap3A_62 = arith.constant 48 : index
    %swap3A_63 = tpu.vector_load %arg8[%swap3A_62] {strides = array<i32>} : memref<128xi32, #tpu.memory_space<vmem>>, vector<16xi32>,
    tpu.vector_store %arg8[%swap3A_62], %select_n3A_61 {strides = array<i32>} : memref<128xi32, #tpu.memory_space<vmem>>, vector<16xi32>,
    %get3A_64 = arith.constant 64 : index
    %get3A_65 = tpu.vector_load %arg6[%get3A_64] {strides = array<i32>} : memref<128xi32, #tpu.memory_space<vmem>>, vector<16xi32>,
    %ge3A_66 = arith.constant 0 : i32
    %ge3A_67 = vector.broadcast %ge3A_66 : i32 to vector<16xi32>
    %ge3A_68 = arith.cmpi sge, %get3A_65, %ge3A_67 : vector<16xi32>
    %max3A_69 = arith.constant 0 : i32
    %max3A_70 = vector.broadcast %max3A_69 : i32 to vector<16xi32>
    %max3A_71 = arith.maxsi %get3A_65, %max3A_70 : vector<16xi32>
    %gather3A_72 = tpu.vector_load_idx %arg7[%max3A_71] : memref<1024xi32, #tpu.memory_space<vmem>>[vector<16xi32>], vector<16xi32>,
    %add3A_73 = arith.constant 64 : i32
    %add3A_74 = arith.addi %mul3A_2, %add3A_73 : i32
    %iota3A_75 = tpu.iota {dimensions = array<i32: 0>} : vector<16xi32>
    %add3A_76 = vector.broadcast %add3A_74 : i32 to vector<16xi32>
    %add3A_77 = arith.addi %add3A_76, %iota3A_75 : vector<16xi32>
    %select_n3A_78 = arith.select %ge3A_68, %gather3A_72, %add3A_77 : vector<16xi1>, vector<16xi32>
    %swap3A_79 = arith.constant 64 : index
    %swap3A_80 = tpu.vector_load %arg8[%swap3A_79] {strides = array<i32>} : memref<128xi32, #tpu.memory_space<vmem>>, vector<16xi32>,
    tpu.vector_store %arg8[%swap3A_79], %select_n3A_78 {strides = array<i32>} : memref<128xi32, #tpu.memory_space<vmem>>, vector<16xi32>,
    %get3A_81 = arith.constant 80 : index
    %get3A_82 = tpu.vector_load %arg6[%get3A_81] {strides = array<i32>} : memref<128xi32, #tpu.memory_space<vmem>>, vector<16xi32>,
    %ge3A_83 = arith.constant 0 : i32
    %ge3A_84 = vector.broadcast %ge3A_83 : i32 to vector<16xi32>
    %ge3A_85 = arith.cmpi sge, %get3A_82, %ge3A_84 : vector<16xi32>
    %max3A_86 = arith.constant 0 : i32
    %max3A_87 = vector.broadcast %max3A_86 : i32 to vector<16xi32>
    %max3A_88 = arith.maxsi %get3A_82, %max3A_87 : vector<16xi32>
    %gather3A_89 = tpu.vector_load_idx %arg7[%max3A_88] : memref<1024xi32, #tpu.memory_space<vmem>>[vector<16xi32>], vector<16xi32>,
    %add3A_90 = arith.constant 80 : i32
    %add3A_91 = arith.addi %mul3A_2, %add3A_90 : i32
    %iota3A_92 = tpu.iota {dimensions = array<i32: 0>} : vector<16xi32>
    %add3A_93 = vector.broadcast %add3A_91 : i32 to vector<16xi32>
    %add3A_94 = arith.addi %add3A_93, %iota3A_92 : vector<16xi32>
    %select_n3A_95 = arith.select %ge3A_85, %gather3A_89, %add3A_94 : vector<16xi1>, vector<16xi32>
    %swap3A_96 = arith.constant 80 : index
    %swap3A_97 = tpu.vector_load %arg8[%swap3A_96] {strides = array<i32>} : memref<128xi32, #tpu.memory_space<vmem>>, vector<16xi32>,
    tpu.vector_store %arg8[%swap3A_96], %select_n3A_95 {strides = array<i32>} : memref<128xi32, #tpu.memory_space<vmem>>, vector<16xi32>,
    %get3A_98 = arith.constant 96 : index
    %get3A_99 = tpu.vector_load %arg6[%get3A_98] {strides = array<i32>} : memref<128xi32, #tpu.memory_space<vmem>>, vector<16xi32>,
    %ge3A_100 = arith.constant 0 : i32
    %ge3A_101 = vector.broadcast %ge3A_100 : i32 to vector<16xi32>
    %ge3A_102 = arith.cmpi sge, %get3A_99, %ge3A_101 : vector<16xi32>
    %max3A_103 = arith.constant 0 : i32
    %max3A_104 = vector.broadcast %max3A_103 : i32 to vector<16xi32>
    %max3A_105 = arith.maxsi %get3A_99, %max3A_104 : vector<16xi32>
    %gather3A_106 = tpu.vector_load_idx %arg7[%max3A_105] : memref<1024xi32, #tpu.memory_space<vmem>>[vector<16xi32>], vector<16xi32>,
    %add3A_107 = arith.constant 96 : i32
    %add3A_108 = arith.addi %mul3A_2, %add3A_107 : i32
    %iota3A_109 = tpu.iota {dimensions = array<i32: 0>} : vector<16xi32>
    %add3A_110 = vector.broadcast %add3A_108 : i32 to vector<16xi32>
    %add3A_111 = arith.addi %add3A_110, %iota3A_109 : vector<16xi32>
    %select_n3A_112 = arith.select %ge3A_102, %gather3A_106, %add3A_111 : vector<16xi1>, vector<16xi32>
    %swap3A_113 = arith.constant 96 : index
    %swap3A_114 = tpu.vector_load %arg8[%swap3A_113] {strides = array<i32>} : memref<128xi32, #tpu.memory_space<vmem>>, vector<16xi32>,
    tpu.vector_store %arg8[%swap3A_113], %select_n3A_112 {strides = array<i32>} : memref<128xi32, #tpu.memory_space<vmem>>, vector<16xi32>,
    %get3A_115 = arith.constant 112 : index
    %get3A_116 = tpu.vector_load %arg6[%get3A_115] {strides = array<i32>} : memref<128xi32, #tpu.memory_space<vmem>>, vector<16xi32>,
    %ge3A_117 = arith.constant 0 : i32
    %ge3A_118 = vector.broadcast %ge3A_117 : i32 to vector<16xi32>
    %ge3A_119 = arith.cmpi sge, %get3A_116, %ge3A_118 : vector<16xi32>
    %max3A_120 = arith.constant 0 : i32
    %max3A_121 = vector.broadcast %max3A_120 : i32 to vector<16xi32>
    %max3A_122 = arith.maxsi %get3A_116, %max3A_121 : vector<16xi32>
    %gather3A_123 = tpu.vector_load_idx %arg7[%max3A_122] : memref<1024xi32, #tpu.memory_space<vmem>>[vector<16xi32>], vector<16xi32>,
    %add3A_124 = arith.constant 112 : i32
    %add3A_125 = arith.addi %mul3A_2, %add3A_124 : i32
    %iota3A_126 = tpu.iota {dimensions = array<i32: 0>} : vector<16xi32>
    %add3A_127 = vector.broadcast %add3A_125 : i32 to vector<16xi32>
    %add3A_128 = arith.addi %add3A_127, %iota3A_126 : vector<16xi32>
    %select_n3A_129 = arith.select %ge3A_119, %gather3A_123, %add3A_128 : vector<16xi1>, vector<16xi32>
    %swap3A_130 = arith.constant 112 : index
    %swap3A_131 = tpu.vector_load %arg8[%swap3A_130] {strides = array<i32>} : memref<128xi32, #tpu.memory_space<vmem>>, vector<16xi32>,
    tpu.vector_store %arg8[%swap3A_130], %select_n3A_129 {strides = array<i32>} : memref<128xi32, #tpu.memory_space<vmem>>, vector<16xi32>,
    %dma_start3A = arith.constant 0 : i32
    %dma_start3A_132 = arith.constant 0 : i32
    %dma_start3A_133 = tpu.memref_slice %arg4[%dma_start3A, %dma_start3A_132] : memref<4096x512xf32, #tpu.memory_space<hbm>> -> memref<4096x512xf32, #tpu.memory_space<hbm>>
    tpu.enqueue_indirect_dma source(%dma_start3A_133 : memref<4096x512xf32, #tpu.memory_space<hbm>>) target(%arg9 : memref<128x512xf32, #tpu.memory_space<vmem>>) offsets(%arg8 : memref<128xi32, #tpu.memory_space<vmem>>) semaphore(%arg10 : memref<!tpu.dma_semaphore, #tpu.memory_space<semaphore_mem>>)
    %dma_wait3A = arith.constant 0 : i32
    %dma_wait3A_134 = arith.constant 0 : i32
    %dma_wait3A_135 = tpu.memref_slice %arg4[%dma_wait3A, %dma_wait3A_134] : memref<4096x512xf32, #tpu.memory_space<hbm>> -> memref<4096x512xf32, #tpu.memory_space<hbm>>
    tpu.wait_indirect_dma semaphore(%arg10 : memref<!tpu.dma_semaphore, #tpu.memory_space<semaphore_mem>>) src(%dma_wait3A_135 : memref<4096x512xf32, #tpu.memory_space<hbm>>) dst(%arg9 : memref<128x512xf32, #tpu.memory_space<vmem>>)
    "tpu.region"() ({
      %run_scoped3A = tpu.sem_alloc : memref<!tpu.dma_semaphore, #tpu.memory_space<semaphore_mem>>
      %dma_start3A_136 = arith.constant 0 : i32
      %dma_start3A_137 = tpu.memref_slice %arg5[%mul3A_2, %dma_start3A_136] : memref<4096x512xf32, #tpu.memory_space<hbm>> -> memref<128x512xf32, #tpu.memory_space<hbm>>
      %dma_start3A_138 = arith.constant 0 : i32
      %dma_start3A_139 = tpu.memref_slice %arg5[%mul3A_2, %dma_start3A_138] : memref<4096x512xf32, #tpu.memory_space<hbm>> -> memref<128x512xf32, #tpu.memory_space<hbm>>
      tpu.enqueue_dma source(%arg9 : memref<128x512xf32, #tpu.memory_space<vmem>>) target(%dma_start3A_139 : memref<128x512xf32, #tpu.memory_space<hbm>>) target_semaphore(%run_scoped3A : memref<!tpu.dma_semaphore, #tpu.memory_space<semaphore_mem>>)
      %dma_wait3A_140 = arith.constant 0 : i32
      %dma_wait3A_141 = tpu.memref_slice %arg5[%mul3A_2, %dma_wait3A_140] : memref<4096x512xf32, #tpu.memory_space<hbm>> -> memref<128x512xf32, #tpu.memory_space<hbm>>
      %dma_wait3A_142 = arith.constant 0 : i32
      %dma_wait3A_143 = tpu.memref_slice %arg5[%mul3A_2, %dma_wait3A_142] : memref<4096x512xf32, #tpu.memory_space<hbm>> -> memref<128x512xf32, #tpu.memory_space<hbm>>
      tpu.wait_dma2 semaphore(%run_scoped3A : memref<!tpu.dma_semaphore, #tpu.memory_space<semaphore_mem>>) src(%arg9 : memref<128x512xf32, #tpu.memory_space<vmem>>) dst(%dma_wait3A_143 : memref<128x512xf32, #tpu.memory_space<hbm>>)
      tpu.yield
    }) : () -> ()
    return
  }
}

#map = affine_map<(d0, d1) -> (0)>
#map1 = affine_map<(d0, d1) -> (0, 0)>
module attributes {stable_mosaic.version = 14 : i64} {
  func.func @_sc_gather_fc(%arg0: i32, %arg1: i32, %arg2: memref<4096xi32, #tpu.memory_space<hbm>>, %arg3: memref<4096x512xf32, #tpu.memory_space<hbm>>, %arg4: memref<1024x512xf32, #tpu.memory_space<hbm>>, %arg5: memref<4096xi32, #tpu.memory_space<vmem>>, %arg6: memref<5120xi32, #tpu.memory_space<vmem>>, %arg7: memref<32x512xf32, #tpu.memory_space<vmem>>, %arg8: memref<!tpu.dma_semaphore, #tpu.memory_space<semaphore_mem>>) attributes {dimension_semantics = [#tpu.dimension_semantics<core_parallel>, #tpu.dimension_semantics<subcore_parallel>], iteration_bounds = array<i64: 2, 16>, scalar_prefetch = 0 : i64, scratch_operands = 4 : i64, tpu.core_type = #tpu.core_type<sc_vector_subcore>, window_params = [{transform_indices = #map}, {transform_indices = #map1}, {transform_indices = #map1}]} {
    %mul3A = arith.constant 2 : i32
    %mul3A_0 = arith.muli %arg1, %mul3A : i32
    %add3A = arith.addi %mul3A_0, %arg0 : i32
    %mul3A_1 = arith.constant 32 : i32
    %mul3A_2 = arith.muli %add3A, %mul3A_1 : i32
    "tpu.region"() ({
      %run_scoped3A = tpu.sem_alloc : memref<!tpu.dma_semaphore, #tpu.memory_space<semaphore_mem>>
      tpu.enqueue_dma source(%arg2 : memref<4096xi32, #tpu.memory_space<hbm>>) target(%arg5 : memref<4096xi32, #tpu.memory_space<vmem>>) target_semaphore(%run_scoped3A : memref<!tpu.dma_semaphore, #tpu.memory_space<semaphore_mem>>)
      tpu.wait_dma2 semaphore(%run_scoped3A : memref<!tpu.dma_semaphore, #tpu.memory_space<semaphore_mem>>) src(%arg2 : memref<4096xi32, #tpu.memory_space<hbm>>) dst(%arg5 : memref<4096xi32, #tpu.memory_space<vmem>>)
      tpu.yield
    }) : () -> ()
    %get3A = arith.constant 0 : index
    %get3A_3 = tpu.vector_load %arg5[%get3A] {strides = array<i32>} : memref<4096xi32, #tpu.memory_space<vmem>>, vector<16xi32>,
    %iota3A = tpu.iota {dimensions = array<i32: 0>} : vector<16xi32>
    %add3A_4 = arith.constant 0 : i32
    %add3A_5 = vector.broadcast %add3A_4 : i32 to vector<16xi32>
    %add3A_6 = arith.addi %add3A_5, %iota3A : vector<16xi32>
    tpu.vector_store_idx %arg6[%get3A_3], %add3A_6 : memref<5120xi32, #tpu.memory_space<vmem>>[vector<16xi32>], vector<16xi32>,
    %get3A_7 = arith.constant 16 : index
    %get3A_8 = tpu.vector_load %arg5[%get3A_7] {strides = array<i32>} : memref<4096xi32, #tpu.memory_space<vmem>>, vector<16xi32>,
    %iota3A_9 = tpu.iota {dimensions = array<i32: 0>} : vector<16xi32>
    %add3A_10 = arith.constant 16 : i32
    %add3A_11 = vector.broadcast %add3A_10 : i32 to vector<16xi32>
    %add3A_12 = arith.addi %add3A_11, %iota3A_9 : vector<16xi32>
    tpu.vector_store_idx %arg6[%get3A_8], %add3A_12 : memref<5120xi32, #tpu.memory_space<vmem>>[vector<16xi32>], vector<16xi32>,
    %get3A_13 = arith.constant 32 : index
    %get3A_14 = tpu.vector_load %arg5[%get3A_13] {strides = array<i32>} : memref<4096xi32, #tpu.memory_space<vmem>>, vector<16xi32>,
    %iota3A_15 = tpu.iota {dimensions = array<i32: 0>} : vector<16xi32>
    %add3A_16 = arith.constant 32 : i32
    %add3A_17 = vector.broadcast %add3A_16 : i32 to vector<16xi32>
    %add3A_18 = arith.addi %add3A_17, %iota3A_15 : vector<16xi32>
    tpu.vector_store_idx %arg6[%get3A_14], %add3A_18 : memref<5120xi32, #tpu.memory_space<vmem>>[vector<16xi32>], vector<16xi32>,
    %get3A_19 = arith.constant 48 : index
    %get3A_20 = tpu.vector_load %arg5[%get3A_19] {strides = array<i32>} : memref<4096xi32, #tpu.memory_space<vmem>>, vector<16xi32>,
    %iota3A_21 = tpu.iota {dimensions = array<i32: 0>} : vector<16xi32>
    %add3A_22 = arith.constant 48 : i32
    %add3A_23 = vector.broadcast %add3A_22 : i32 to vector<16xi32>
    %add3A_24 = arith.addi %add3A_23, %iota3A_21 : vector<16xi32>
    tpu.vector_store_idx %arg6[%get3A_20], %add3A_24 : memref<5120xi32, #tpu.memory_space<vmem>>[vector<16xi32>], vector<16xi32>,
    %get3A_25 = arith.constant 64 : index
    %get3A_26 = tpu.vector_load %arg5[%get3A_25] {strides = array<i32>} : memref<4096xi32, #tpu.memory_space<vmem>>, vector<16xi32>,
    %iota3A_27 = tpu.iota {dimensions = array<i32: 0>} : vector<16xi32>
    %add3A_28 = arith.constant 64 : i32
    %add3A_29 = vector.broadcast %add3A_28 : i32 to vector<16xi32>
    %add3A_30 = arith.addi %add3A_29, %iota3A_27 : vector<16xi32>
    tpu.vector_store_idx %arg6[%get3A_26], %add3A_30 : memref<5120xi32, #tpu.memory_space<vmem>>[vector<16xi32>], vector<16xi32>,
    %get3A_31 = arith.constant 80 : index
    %get3A_32 = tpu.vector_load %arg5[%get3A_31] {strides = array<i32>} : memref<4096xi32, #tpu.memory_space<vmem>>, vector<16xi32>,
    %iota3A_33 = tpu.iota {dimensions = array<i32: 0>} : vector<16xi32>
    %add3A_34 = arith.constant 80 : i32
    %add3A_35 = vector.broadcast %add3A_34 : i32 to vector<16xi32>
    %add3A_36 = arith.addi %add3A_35, %iota3A_33 : vector<16xi32>
    tpu.vector_store_idx %arg6[%get3A_32], %add3A_36 : memref<5120xi32, #tpu.memory_space<vmem>>[vector<16xi32>], vector<16xi32>,
    %get3A_37 = arith.constant 96 : index
    %get3A_38 = tpu.vector_load %arg5[%get3A_37] {strides = array<i32>} : memref<4096xi32, #tpu.memory_space<vmem>>, vector<16xi32>,
    %iota3A_39 = tpu.iota {dimensions = array<i32: 0>} : vector<16xi32>
    %add3A_40 = arith.constant 96 : i32
    %add3A_41 = vector.broadcast %add3A_40 : i32 to vector<16xi32>
    %add3A_42 = arith.addi %add3A_41, %iota3A_39 : vector<16xi32>
    tpu.vector_store_idx %arg6[%get3A_38], %add3A_42 : memref<5120xi32, #tpu.memory_space<vmem>>[vector<16xi32>], vector<16xi32>,
    %get3A_43 = arith.constant 112 : index
    %get3A_44 = tpu.vector_load %arg5[%get3A_43] {strides = array<i32>} : memref<4096xi32, #tpu.memory_space<vmem>>, vector<16xi32>,
    %iota3A_45 = tpu.iota {dimensions = array<i32: 0>} : vector<16xi32>
    %add3A_46 = arith.constant 112 : i32
    %add3A_47 = vector.broadcast %add3A_46 : i32 to vector<16xi32>
    %add3A_48 = arith.addi %add3A_47, %iota3A_45 : vector<16xi32>
    tpu.vector_store_idx %arg6[%get3A_44], %add3A_48 : memref<5120xi32, #tpu.memory_space<vmem>>[vector<16xi32>], vector<16xi32>,
    %get3A_49 = arith.constant 128 : index
    %get3A_50 = tpu.vector_load %arg5[%get3A_49] {strides = array<i32>} : memref<4096xi32, #tpu.memory_space<vmem>>, vector<16xi32>,
    %iota3A_51 = tpu.iota {dimensions = array<i32: 0>} : vector<16xi32>
    %add3A_52 = arith.constant 128 : i32
    %add3A_53 = vector.broadcast %add3A_52 : i32 to vector<16xi32>
    %add3A_54 = arith.addi %add3A_53, %iota3A_51 : vector<16xi32>
    tpu.vector_store_idx %arg6[%get3A_50], %add3A_54 : memref<5120xi32, #tpu.memory_space<vmem>>[vector<16xi32>], vector<16xi32>,
    %get3A_55 = arith.constant 144 : index
    %get3A_56 = tpu.vector_load %arg5[%get3A_55] {strides = array<i32>} : memref<4096xi32, #tpu.memory_space<vmem>>, vector<16xi32>,
    %iota3A_57 = tpu.iota {dimensions = array<i32: 0>} : vector<16xi32>
    %add3A_58 = arith.constant 144 : i32
    %add3A_59 = vector.broadcast %add3A_58 : i32 to vector<16xi32>
    %add3A_60 = arith.addi %add3A_59, %iota3A_57 : vector<16xi32>
    tpu.vector_store_idx %arg6[%get3A_56], %add3A_60 : memref<5120xi32, #tpu.memory_space<vmem>>[vector<16xi32>], vector<16xi32>,
    %get3A_61 = arith.constant 160 : index
    %get3A_62 = tpu.vector_load %arg5[%get3A_61] {strides = array<i32>} : memref<4096xi32, #tpu.memory_space<vmem>>, vector<16xi32>,
    %iota3A_63 = tpu.iota {dimensions = array<i32: 0>} : vector<16xi32>
    %add3A_64 = arith.constant 160 : i32
    %add3A_65 = vector.broadcast %add3A_64 : i32 to vector<16xi32>
    %add3A_66 = arith.addi %add3A_65, %iota3A_63 : vector<16xi32>
    tpu.vector_store_idx %arg6[%get3A_62], %add3A_66 : memref<5120xi32, #tpu.memory_space<vmem>>[vector<16xi32>], vector<16xi32>,
    %get3A_67 = arith.constant 176 : index
    %get3A_68 = tpu.vector_load %arg5[%get3A_67] {strides = array<i32>} : memref<4096xi32, #tpu.memory_space<vmem>>, vector<16xi32>,
    %iota3A_69 = tpu.iota {dimensions = array<i32: 0>} : vector<16xi32>
    %add3A_70 = arith.constant 176 : i32
    %add3A_71 = vector.broadcast %add3A_70 : i32 to vector<16xi32>
    %add3A_72 = arith.addi %add3A_71, %iota3A_69 : vector<16xi32>
    tpu.vector_store_idx %arg6[%get3A_68], %add3A_72 : memref<5120xi32, #tpu.memory_space<vmem>>[vector<16xi32>], vector<16xi32>,
    %get3A_73 = arith.constant 192 : index
    %get3A_74 = tpu.vector_load %arg5[%get3A_73] {strides = array<i32>} : memref<4096xi32, #tpu.memory_space<vmem>>, vector<16xi32>,
    %iota3A_75 = tpu.iota {dimensions = array<i32: 0>} : vector<16xi32>
    %add3A_76 = arith.constant 192 : i32
    %add3A_77 = vector.broadcast %add3A_76 : i32 to vector<16xi32>
    %add3A_78 = arith.addi %add3A_77, %iota3A_75 : vector<16xi32>
    tpu.vector_store_idx %arg6[%get3A_74], %add3A_78 : memref<5120xi32, #tpu.memory_space<vmem>>[vector<16xi32>], vector<16xi32>,
    %get3A_79 = arith.constant 208 : index
    %get3A_80 = tpu.vector_load %arg5[%get3A_79] {strides = array<i32>} : memref<4096xi32, #tpu.memory_space<vmem>>, vector<16xi32>,
    %iota3A_81 = tpu.iota {dimensions = array<i32: 0>} : vector<16xi32>
    %add3A_82 = arith.constant 208 : i32
    %add3A_83 = vector.broadcast %add3A_82 : i32 to vector<16xi32>
    %add3A_84 = arith.addi %add3A_83, %iota3A_81 : vector<16xi32>
    tpu.vector_store_idx %arg6[%get3A_80], %add3A_84 : memref<5120xi32, #tpu.memory_space<vmem>>[vector<16xi32>], vector<16xi32>,
    %get3A_85 = arith.constant 224 : index
    %get3A_86 = tpu.vector_load %arg5[%get3A_85] {strides = array<i32>} : memref<4096xi32, #tpu.memory_space<vmem>>, vector<16xi32>,
    %iota3A_87 = tpu.iota {dimensions = array<i32: 0>} : vector<16xi32>
    %add3A_88 = arith.constant 224 : i32
    %add3A_89 = vector.broadcast %add3A_88 : i32 to vector<16xi32>
    %add3A_90 = arith.addi %add3A_89, %iota3A_87 : vector<16xi32>
    tpu.vector_store_idx %arg6[%get3A_86], %add3A_90 : memref<5120xi32, #tpu.memory_space<vmem>>[vector<16xi32>], vector<16xi32>,
    %get3A_91 = arith.constant 240 : index
    %get3A_92 = tpu.vector_load %arg5[%get3A_91] {strides = array<i32>} : memref<4096xi32, #tpu.memory_space<vmem>>, vector<16xi32>,
    %iota3A_93 = tpu.iota {dimensions = array<i32: 0>} : vector<16xi32>
    %add3A_94 = arith.constant 240 : i32
    %add3A_95 = vector.broadcast %add3A_94 : i32 to vector<16xi32>
    %add3A_96 = arith.addi %add3A_95, %iota3A_93 : vector<16xi32>
    tpu.vector_store_idx %arg6[%get3A_92], %add3A_96 : memref<5120xi32, #tpu.memory_space<vmem>>[vector<16xi32>], vector<16xi32>,
    %get3A_97 = arith.constant 256 : index
    %get3A_98 = tpu.vector_load %arg5[%get3A_97] {strides = array<i32>} : memref<4096xi32, #tpu.memory_space<vmem>>, vector<16xi32>,
    %iota3A_99 = tpu.iota {dimensions = array<i32: 0>} : vector<16xi32>
    %add3A_100 = arith.constant 256 : i32
    %add3A_101 = vector.broadcast %add3A_100 : i32 to vector<16xi32>
    %add3A_102 = arith.addi %add3A_101, %iota3A_99 : vector<16xi32>
    tpu.vector_store_idx %arg6[%get3A_98], %add3A_102 : memref<5120xi32, #tpu.memory_space<vmem>>[vector<16xi32>], vector<16xi32>,
    %get3A_103 = arith.constant 272 : index
    %get3A_104 = tpu.vector_load %arg5[%get3A_103] {strides = array<i32>} : memref<4096xi32, #tpu.memory_space<vmem>>, vector<16xi32>,
    %iota3A_105 = tpu.iota {dimensions = array<i32: 0>} : vector<16xi32>
    %add3A_106 = arith.constant 272 : i32
    %add3A_107 = vector.broadcast %add3A_106 : i32 to vector<16xi32>
    %add3A_108 = arith.addi %add3A_107, %iota3A_105 : vector<16xi32>
    tpu.vector_store_idx %arg6[%get3A_104], %add3A_108 : memref<5120xi32, #tpu.memory_space<vmem>>[vector<16xi32>], vector<16xi32>,
    %get3A_109 = arith.constant 288 : index
    %get3A_110 = tpu.vector_load %arg5[%get3A_109] {strides = array<i32>} : memref<4096xi32, #tpu.memory_space<vmem>>, vector<16xi32>,
    %iota3A_111 = tpu.iota {dimensions = array<i32: 0>} : vector<16xi32>
    %add3A_112 = arith.constant 288 : i32
    %add3A_113 = vector.broadcast %add3A_112 : i32 to vector<16xi32>
    %add3A_114 = arith.addi %add3A_113, %iota3A_111 : vector<16xi32>
    tpu.vector_store_idx %arg6[%get3A_110], %add3A_114 : memref<5120xi32, #tpu.memory_space<vmem>>[vector<16xi32>], vector<16xi32>,
    %get3A_115 = arith.constant 304 : index
    %get3A_116 = tpu.vector_load %arg5[%get3A_115] {strides = array<i32>} : memref<4096xi32, #tpu.memory_space<vmem>>, vector<16xi32>,
    %iota3A_117 = tpu.iota {dimensions = array<i32: 0>} : vector<16xi32>
    %add3A_118 = arith.constant 304 : i32
    %add3A_119 = vector.broadcast %add3A_118 : i32 to vector<16xi32>
    %add3A_120 = arith.addi %add3A_119, %iota3A_117 : vector<16xi32>
    tpu.vector_store_idx %arg6[%get3A_116], %add3A_120 : memref<5120xi32, #tpu.memory_space<vmem>>[vector<16xi32>], vector<16xi32>,
    %get3A_121 = arith.constant 320 : index
    %get3A_122 = tpu.vector_load %arg5[%get3A_121] {strides = array<i32>} : memref<4096xi32, #tpu.memory_space<vmem>>, vector<16xi32>,
    %iota3A_123 = tpu.iota {dimensions = array<i32: 0>} : vector<16xi32>
    %add3A_124 = arith.constant 320 : i32
    %add3A_125 = vector.broadcast %add3A_124 : i32 to vector<16xi32>
    %add3A_126 = arith.addi %add3A_125, %iota3A_123 : vector<16xi32>
    tpu.vector_store_idx %arg6[%get3A_122], %add3A_126 : memref<5120xi32, #tpu.memory_space<vmem>>[vector<16xi32>], vector<16xi32>,
    %get3A_127 = arith.constant 336 : index
    %get3A_128 = tpu.vector_load %arg5[%get3A_127] {strides = array<i32>} : memref<4096xi32, #tpu.memory_space<vmem>>, vector<16xi32>,
    %iota3A_129 = tpu.iota {dimensions = array<i32: 0>} : vector<16xi32>
    %add3A_130 = arith.constant 336 : i32
    %add3A_131 = vector.broadcast %add3A_130 : i32 to vector<16xi32>
    %add3A_132 = arith.addi %add3A_131, %iota3A_129 : vector<16xi32>
    tpu.vector_store_idx %arg6[%get3A_128], %add3A_132 : memref<5120xi32, #tpu.memory_space<vmem>>[vector<16xi32>], vector<16xi32>,
    %get3A_133 = arith.constant 352 : index
    %get3A_134 = tpu.vector_load %arg5[%get3A_133] {strides = array<i32>} : memref<4096xi32, #tpu.memory_space<vmem>>, vector<16xi32>,
    %iota3A_135 = tpu.iota {dimensions = array<i32: 0>} : vector<16xi32>
    %add3A_136 = arith.constant 352 : i32
    %add3A_137 = vector.broadcast %add3A_136 : i32 to vector<16xi32>
    %add3A_138 = arith.addi %add3A_137, %iota3A_135 : vector<16xi32>
    tpu.vector_store_idx %arg6[%get3A_134], %add3A_138 : memref<5120xi32, #tpu.memory_space<vmem>>[vector<16xi32>], vector<16xi32>,
    %get3A_139 = arith.constant 368 : index
    %get3A_140 = tpu.vector_load %arg5[%get3A_139] {strides = array<i32>} : memref<4096xi32, #tpu.memory_space<vmem>>, vector<16xi32>,
    %iota3A_141 = tpu.iota {dimensions = array<i32: 0>} : vector<16xi32>
    %add3A_142 = arith.constant 368 : i32
    %add3A_143 = vector.broadcast %add3A_142 : i32 to vector<16xi32>
    %add3A_144 = arith.addi %add3A_143, %iota3A_141 : vector<16xi32>
    tpu.vector_store_idx %arg6[%get3A_140], %add3A_144 : memref<5120xi32, #tpu.memory_space<vmem>>[vector<16xi32>], vector<16xi32>,
    %get3A_145 = arith.constant 384 : index
    %get3A_146 = tpu.vector_load %arg5[%get3A_145] {strides = array<i32>} : memref<4096xi32, #tpu.memory_space<vmem>>, vector<16xi32>,
    %iota3A_147 = tpu.iota {dimensions = array<i32: 0>} : vector<16xi32>
    %add3A_148 = arith.constant 384 : i32
    %add3A_149 = vector.broadcast %add3A_148 : i32 to vector<16xi32>
    %add3A_150 = arith.addi %add3A_149, %iota3A_147 : vector<16xi32>
    tpu.vector_store_idx %arg6[%get3A_146], %add3A_150 : memref<5120xi32, #tpu.memory_space<vmem>>[vector<16xi32>], vector<16xi32>,
    %get3A_151 = arith.constant 400 : index
    %get3A_152 = tpu.vector_load %arg5[%get3A_151] {strides = array<i32>} : memref<4096xi32, #tpu.memory_space<vmem>>, vector<16xi32>,
    %iota3A_153 = tpu.iota {dimensions = array<i32: 0>} : vector<16xi32>
    %add3A_154 = arith.constant 400 : i32
    %add3A_155 = vector.broadcast %add3A_154 : i32 to vector<16xi32>
    %add3A_156 = arith.addi %add3A_155, %iota3A_153 : vector<16xi32>
    tpu.vector_store_idx %arg6[%get3A_152], %add3A_156 : memref<5120xi32, #tpu.memory_space<vmem>>[vector<16xi32>], vector<16xi32>,
    %get3A_157 = arith.constant 416 : index
    %get3A_158 = tpu.vector_load %arg5[%get3A_157] {strides = array<i32>} : memref<4096xi32, #tpu.memory_space<vmem>>, vector<16xi32>,
    %iota3A_159 = tpu.iota {dimensions = array<i32: 0>} : vector<16xi32>
    %add3A_160 = arith.constant 416 : i32
    %add3A_161 = vector.broadcast %add3A_160 : i32 to vector<16xi32>
    %add3A_162 = arith.addi %add3A_161, %iota3A_159 : vector<16xi32>
    tpu.vector_store_idx %arg6[%get3A_158], %add3A_162 : memref<5120xi32, #tpu.memory_space<vmem>>[vector<16xi32>], vector<16xi32>,
    %get3A_163 = arith.constant 432 : index
    %get3A_164 = tpu.vector_load %arg5[%get3A_163] {strides = array<i32>} : memref<4096xi32, #tpu.memory_space<vmem>>, vector<16xi32>,
    %iota3A_165 = tpu.iota {dimensions = array<i32: 0>} : vector<16xi32>
    %add3A_166 = arith.constant 432 : i32
    %add3A_167 = vector.broadcast %add3A_166 : i32 to vector<16xi32>
    %add3A_168 = arith.addi %add3A_167, %iota3A_165 : vector<16xi32>
    tpu.vector_store_idx %arg6[%get3A_164], %add3A_168 : memref<5120xi32, #tpu.memory_space<vmem>>[vector<16xi32>], vector<16xi32>,
    %get3A_169 = arith.constant 448 : index
    %get3A_170 = tpu.vector_load %arg5[%get3A_169] {strides = array<i32>} : memref<4096xi32, #tpu.memory_space<vmem>>, vector<16xi32>,
    %iota3A_171 = tpu.iota {dimensions = array<i32: 0>} : vector<16xi32>
    %add3A_172 = arith.constant 448 : i32
    %add3A_173 = vector.broadcast %add3A_172 : i32 to vector<16xi32>
    %add3A_174 = arith.addi %add3A_173, %iota3A_171 : vector<16xi32>
    tpu.vector_store_idx %arg6[%get3A_170], %add3A_174 : memref<5120xi32, #tpu.memory_space<vmem>>[vector<16xi32>], vector<16xi32>,
    %get3A_175 = arith.constant 464 : index
    %get3A_176 = tpu.vector_load %arg5[%get3A_175] {strides = array<i32>} : memref<4096xi32, #tpu.memory_space<vmem>>, vector<16xi32>,
    %iota3A_177 = tpu.iota {dimensions = array<i32: 0>} : vector<16xi32>
    %add3A_178 = arith.constant 464 : i32
    %add3A_179 = vector.broadcast %add3A_178 : i32 to vector<16xi32>
    %add3A_180 = arith.addi %add3A_179, %iota3A_177 : vector<16xi32>
    tpu.vector_store_idx %arg6[%get3A_176], %add3A_180 : memref<5120xi32, #tpu.memory_space<vmem>>[vector<16xi32>], vector<16xi32>,
    %get3A_181 = arith.constant 480 : index
    %get3A_182 = tpu.vector_load %arg5[%get3A_181] {strides = array<i32>} : memref<4096xi32, #tpu.memory_space<vmem>>, vector<16xi32>,
    %iota3A_183 = tpu.iota {dimensions = array<i32: 0>} : vector<16xi32>
    %add3A_184 = arith.constant 480 : i32
    %add3A_185 = vector.broadcast %add3A_184 : i32 to vector<16xi32>
    %add3A_186 = arith.addi %add3A_185, %iota3A_183 : vector<16xi32>
    tpu.vector_store_idx %arg6[%get3A_182], %add3A_186 : memref<5120xi32, #tpu.memory_space<vmem>>[vector<16xi32>], vector<16xi32>,
    %get3A_187 = arith.constant 496 : index
    %get3A_188 = tpu.vector_load %arg5[%get3A_187] {strides = array<i32>} : memref<4096xi32, #tpu.memory_space<vmem>>, vector<16xi32>,
    %iota3A_189 = tpu.iota {dimensions = array<i32: 0>} : vector<16xi32>
    %add3A_190 = arith.constant 496 : i32
    %add3A_191 = vector.broadcast %add3A_190 : i32 to vector<16xi32>
    %add3A_192 = arith.addi %add3A_191, %iota3A_189 : vector<16xi32>
    tpu.vector_store_idx %arg6[%get3A_188], %add3A_192 : memref<5120xi32, #tpu.memory_space<vmem>>[vector<16xi32>], vector<16xi32>,
    %get3A_193 = arith.constant 512 : index
    %get3A_194 = tpu.vector_load %arg5[%get3A_193] {strides = array<i32>} : memref<4096xi32, #tpu.memory_space<vmem>>, vector<16xi32>,
    %iota3A_195 = tpu.iota {dimensions = array<i32: 0>} : vector<16xi32>
    %add3A_196 = arith.constant 512 : i32
    %add3A_197 = vector.broadcast %add3A_196 : i32 to vector<16xi32>
    %add3A_198 = arith.addi %add3A_197, %iota3A_195 : vector<16xi32>
    tpu.vector_store_idx %arg6[%get3A_194], %add3A_198 : memref<5120xi32, #tpu.memory_space<vmem>>[vector<16xi32>], vector<16xi32>,
    %get3A_199 = arith.constant 528 : index
    %get3A_200 = tpu.vector_load %arg5[%get3A_199] {strides = array<i32>} : memref<4096xi32, #tpu.memory_space<vmem>>, vector<16xi32>,
    %iota3A_201 = tpu.iota {dimensions = array<i32: 0>} : vector<16xi32>
    %add3A_202 = arith.constant 528 : i32
    %add3A_203 = vector.broadcast %add3A_202 : i32 to vector<16xi32>
    %add3A_204 = arith.addi %add3A_203, %iota3A_201 : vector<16xi32>
    tpu.vector_store_idx %arg6[%get3A_200], %add3A_204 : memref<5120xi32, #tpu.memory_space<vmem>>[vector<16xi32>], vector<16xi32>,
    %get3A_205 = arith.constant 544 : index
    %get3A_206 = tpu.vector_load %arg5[%get3A_205] {strides = array<i32>} : memref<4096xi32, #tpu.memory_space<vmem>>, vector<16xi32>,
    %iota3A_207 = tpu.iota {dimensions = array<i32: 0>} : vector<16xi32>
    %add3A_208 = arith.constant 544 : i32
    %add3A_209 = vector.broadcast %add3A_208 : i32 to vector<16xi32>
    %add3A_210 = arith.addi %add3A_209, %iota3A_207 : vector<16xi32>
    tpu.vector_store_idx %arg6[%get3A_206], %add3A_210 : memref<5120xi32, #tpu.memory_space<vmem>>[vector<16xi32>], vector<16xi32>,
    %get3A_211 = arith.constant 560 : index
    %get3A_212 = tpu.vector_load %arg5[%get3A_211] {strides = array<i32>} : memref<4096xi32, #tpu.memory_space<vmem>>, vector<16xi32>,
    %iota3A_213 = tpu.iota {dimensions = array<i32: 0>} : vector<16xi32>
    %add3A_214 = arith.constant 560 : i32
    %add3A_215 = vector.broadcast %add3A_214 : i32 to vector<16xi32>
    %add3A_216 = arith.addi %add3A_215, %iota3A_213 : vector<16xi32>
    tpu.vector_store_idx %arg6[%get3A_212], %add3A_216 : memref<5120xi32, #tpu.memory_space<vmem>>[vector<16xi32>], vector<16xi32>,
    %get3A_217 = arith.constant 576 : index
    %get3A_218 = tpu.vector_load %arg5[%get3A_217] {strides = array<i32>} : memref<4096xi32, #tpu.memory_space<vmem>>, vector<16xi32>,
    %iota3A_219 = tpu.iota {dimensions = array<i32: 0>} : vector<16xi32>
    %add3A_220 = arith.constant 576 : i32
    %add3A_221 = vector.broadcast %add3A_220 : i32 to vector<16xi32>
    %add3A_222 = arith.addi %add3A_221, %iota3A_219 : vector<16xi32>
    tpu.vector_store_idx %arg6[%get3A_218], %add3A_222 : memref<5120xi32, #tpu.memory_space<vmem>>[vector<16xi32>], vector<16xi32>,
    %get3A_223 = arith.constant 592 : index
    %get3A_224 = tpu.vector_load %arg5[%get3A_223] {strides = array<i32>} : memref<4096xi32, #tpu.memory_space<vmem>>, vector<16xi32>,
    %iota3A_225 = tpu.iota {dimensions = array<i32: 0>} : vector<16xi32>
    %add3A_226 = arith.constant 592 : i32
    %add3A_227 = vector.broadcast %add3A_226 : i32 to vector<16xi32>
    %add3A_228 = arith.addi %add3A_227, %iota3A_225 : vector<16xi32>
    tpu.vector_store_idx %arg6[%get3A_224], %add3A_228 : memref<5120xi32, #tpu.memory_space<vmem>>[vector<16xi32>], vector<16xi32>,
    %get3A_229 = arith.constant 608 : index
    %get3A_230 = tpu.vector_load %arg5[%get3A_229] {strides = array<i32>} : memref<4096xi32, #tpu.memory_space<vmem>>, vector<16xi32>,
    %iota3A_231 = tpu.iota {dimensions = array<i32: 0>} : vector<16xi32>
    %add3A_232 = arith.constant 608 : i32
    %add3A_233 = vector.broadcast %add3A_232 : i32 to vector<16xi32>
    %add3A_234 = arith.addi %add3A_233, %iota3A_231 : vector<16xi32>
    tpu.vector_store_idx %arg6[%get3A_230], %add3A_234 : memref<5120xi32, #tpu.memory_space<vmem>>[vector<16xi32>], vector<16xi32>,
    %get3A_235 = arith.constant 624 : index
    %get3A_236 = tpu.vector_load %arg5[%get3A_235] {strides = array<i32>} : memref<4096xi32, #tpu.memory_space<vmem>>, vector<16xi32>,
    %iota3A_237 = tpu.iota {dimensions = array<i32: 0>} : vector<16xi32>
    %add3A_238 = arith.constant 624 : i32
    %add3A_239 = vector.broadcast %add3A_238 : i32 to vector<16xi32>
    %add3A_240 = arith.addi %add3A_239, %iota3A_237 : vector<16xi32>
    tpu.vector_store_idx %arg6[%get3A_236], %add3A_240 : memref<5120xi32, #tpu.memory_space<vmem>>[vector<16xi32>], vector<16xi32>,
    %get3A_241 = arith.constant 640 : index
    %get3A_242 = tpu.vector_load %arg5[%get3A_241] {strides = array<i32>} : memref<4096xi32, #tpu.memory_space<vmem>>, vector<16xi32>,
    %iota3A_243 = tpu.iota {dimensions = array<i32: 0>} : vector<16xi32>
    %add3A_244 = arith.constant 640 : i32
    %add3A_245 = vector.broadcast %add3A_244 : i32 to vector<16xi32>
    %add3A_246 = arith.addi %add3A_245, %iota3A_243 : vector<16xi32>
    tpu.vector_store_idx %arg6[%get3A_242], %add3A_246 : memref<5120xi32, #tpu.memory_space<vmem>>[vector<16xi32>], vector<16xi32>,
    %get3A_247 = arith.constant 656 : index
    %get3A_248 = tpu.vector_load %arg5[%get3A_247] {strides = array<i32>} : memref<4096xi32, #tpu.memory_space<vmem>>, vector<16xi32>,
    %iota3A_249 = tpu.iota {dimensions = array<i32: 0>} : vector<16xi32>
    %add3A_250 = arith.constant 656 : i32
    %add3A_251 = vector.broadcast %add3A_250 : i32 to vector<16xi32>
    %add3A_252 = arith.addi %add3A_251, %iota3A_249 : vector<16xi32>
    tpu.vector_store_idx %arg6[%get3A_248], %add3A_252 : memref<5120xi32, #tpu.memory_space<vmem>>[vector<16xi32>], vector<16xi32>,
    %get3A_253 = arith.constant 672 : index
    %get3A_254 = tpu.vector_load %arg5[%get3A_253] {strides = array<i32>} : memref<4096xi32, #tpu.memory_space<vmem>>, vector<16xi32>,
    %iota3A_255 = tpu.iota {dimensions = array<i32: 0>} : vector<16xi32>
    %add3A_256 = arith.constant 672 : i32
    %add3A_257 = vector.broadcast %add3A_256 : i32 to vector<16xi32>
    %add3A_258 = arith.addi %add3A_257, %iota3A_255 : vector<16xi32>
    tpu.vector_store_idx %arg6[%get3A_254], %add3A_258 : memref<5120xi32, #tpu.memory_space<vmem>>[vector<16xi32>], vector<16xi32>,
    %get3A_259 = arith.constant 688 : index
    %get3A_260 = tpu.vector_load %arg5[%get3A_259] {strides = array<i32>} : memref<4096xi32, #tpu.memory_space<vmem>>, vector<16xi32>,
    %iota3A_261 = tpu.iota {dimensions = array<i32: 0>} : vector<16xi32>
    %add3A_262 = arith.constant 688 : i32
    %add3A_263 = vector.broadcast %add3A_262 : i32 to vector<16xi32>
    %add3A_264 = arith.addi %add3A_263, %iota3A_261 : vector<16xi32>
    tpu.vector_store_idx %arg6[%get3A_260], %add3A_264 : memref<5120xi32, #tpu.memory_space<vmem>>[vector<16xi32>], vector<16xi32>,
    %get3A_265 = arith.constant 704 : index
    %get3A_266 = tpu.vector_load %arg5[%get3A_265] {strides = array<i32>} : memref<4096xi32, #tpu.memory_space<vmem>>, vector<16xi32>,
    %iota3A_267 = tpu.iota {dimensions = array<i32: 0>} : vector<16xi32>
    %add3A_268 = arith.constant 704 : i32
    %add3A_269 = vector.broadcast %add3A_268 : i32 to vector<16xi32>
    %add3A_270 = arith.addi %add3A_269, %iota3A_267 : vector<16xi32>
    tpu.vector_store_idx %arg6[%get3A_266], %add3A_270 : memref<5120xi32, #tpu.memory_space<vmem>>[vector<16xi32>], vector<16xi32>,
    %get3A_271 = arith.constant 720 : index
    %get3A_272 = tpu.vector_load %arg5[%get3A_271] {strides = array<i32>} : memref<4096xi32, #tpu.memory_space<vmem>>, vector<16xi32>,
    %iota3A_273 = tpu.iota {dimensions = array<i32: 0>} : vector<16xi32>
    %add3A_274 = arith.constant 720 : i32
    %add3A_275 = vector.broadcast %add3A_274 : i32 to vector<16xi32>
    %add3A_276 = arith.addi %add3A_275, %iota3A_273 : vector<16xi32>
    tpu.vector_store_idx %arg6[%get3A_272], %add3A_276 : memref<5120xi32, #tpu.memory_space<vmem>>[vector<16xi32>], vector<16xi32>,
    %get3A_277 = arith.constant 736 : index
    %get3A_278 = tpu.vector_load %arg5[%get3A_277] {strides = array<i32>} : memref<4096xi32, #tpu.memory_space<vmem>>, vector<16xi32>,
    %iota3A_279 = tpu.iota {dimensions = array<i32: 0>} : vector<16xi32>
    %add3A_280 = arith.constant 736 : i32
    %add3A_281 = vector.broadcast %add3A_280 : i32 to vector<16xi32>
    %add3A_282 = arith.addi %add3A_281, %iota3A_279 : vector<16xi32>
    tpu.vector_store_idx %arg6[%get3A_278], %add3A_282 : memref<5120xi32, #tpu.memory_space<vmem>>[vector<16xi32>], vector<16xi32>,
    %get3A_283 = arith.constant 752 : index
    %get3A_284 = tpu.vector_load %arg5[%get3A_283] {strides = array<i32>} : memref<4096xi32, #tpu.memory_space<vmem>>, vector<16xi32>,
    %iota3A_285 = tpu.iota {dimensions = array<i32: 0>} : vector<16xi32>
    %add3A_286 = arith.constant 752 : i32
    %add3A_287 = vector.broadcast %add3A_286 : i32 to vector<16xi32>
    %add3A_288 = arith.addi %add3A_287, %iota3A_285 : vector<16xi32>
    tpu.vector_store_idx %arg6[%get3A_284], %add3A_288 : memref<5120xi32, #tpu.memory_space<vmem>>[vector<16xi32>], vector<16xi32>,
    %get3A_289 = arith.constant 768 : index
    %get3A_290 = tpu.vector_load %arg5[%get3A_289] {strides = array<i32>} : memref<4096xi32, #tpu.memory_space<vmem>>, vector<16xi32>,
    %iota3A_291 = tpu.iota {dimensions = array<i32: 0>} : vector<16xi32>
    %add3A_292 = arith.constant 768 : i32
    %add3A_293 = vector.broadcast %add3A_292 : i32 to vector<16xi32>
    %add3A_294 = arith.addi %add3A_293, %iota3A_291 : vector<16xi32>
    tpu.vector_store_idx %arg6[%get3A_290], %add3A_294 : memref<5120xi32, #tpu.memory_space<vmem>>[vector<16xi32>], vector<16xi32>,
    %get3A_295 = arith.constant 784 : index
    %get3A_296 = tpu.vector_load %arg5[%get3A_295] {strides = array<i32>} : memref<4096xi32, #tpu.memory_space<vmem>>, vector<16xi32>,
    %iota3A_297 = tpu.iota {dimensions = array<i32: 0>} : vector<16xi32>
    %add3A_298 = arith.constant 784 : i32
    %add3A_299 = vector.broadcast %add3A_298 : i32 to vector<16xi32>
    %add3A_300 = arith.addi %add3A_299, %iota3A_297 : vector<16xi32>
    tpu.vector_store_idx %arg6[%get3A_296], %add3A_300 : memref<5120xi32, #tpu.memory_space<vmem>>[vector<16xi32>], vector<16xi32>,
    %get3A_301 = arith.constant 800 : index
    %get3A_302 = tpu.vector_load %arg5[%get3A_301] {strides = array<i32>} : memref<4096xi32, #tpu.memory_space<vmem>>, vector<16xi32>,
    %iota3A_303 = tpu.iota {dimensions = array<i32: 0>} : vector<16xi32>
    %add3A_304 = arith.constant 800 : i32
    %add3A_305 = vector.broadcast %add3A_304 : i32 to vector<16xi32>
    %add3A_306 = arith.addi %add3A_305, %iota3A_303 : vector<16xi32>
    tpu.vector_store_idx %arg6[%get3A_302], %add3A_306 : memref<5120xi32, #tpu.memory_space<vmem>>[vector<16xi32>], vector<16xi32>,
    %get3A_307 = arith.constant 816 : index
    %get3A_308 = tpu.vector_load %arg5[%get3A_307] {strides = array<i32>} : memref<4096xi32, #tpu.memory_space<vmem>>, vector<16xi32>,
    %iota3A_309 = tpu.iota {dimensions = array<i32: 0>} : vector<16xi32>
    %add3A_310 = arith.constant 816 : i32
    %add3A_311 = vector.broadcast %add3A_310 : i32 to vector<16xi32>
    %add3A_312 = arith.addi %add3A_311, %iota3A_309 : vector<16xi32>
    tpu.vector_store_idx %arg6[%get3A_308], %add3A_312 : memref<5120xi32, #tpu.memory_space<vmem>>[vector<16xi32>], vector<16xi32>,
    %get3A_313 = arith.constant 832 : index
    %get3A_314 = tpu.vector_load %arg5[%get3A_313] {strides = array<i32>} : memref<4096xi32, #tpu.memory_space<vmem>>, vector<16xi32>,
    %iota3A_315 = tpu.iota {dimensions = array<i32: 0>} : vector<16xi32>
    %add3A_316 = arith.constant 832 : i32
    %add3A_317 = vector.broadcast %add3A_316 : i32 to vector<16xi32>
    %add3A_318 = arith.addi %add3A_317, %iota3A_315 : vector<16xi32>
    tpu.vector_store_idx %arg6[%get3A_314], %add3A_318 : memref<5120xi32, #tpu.memory_space<vmem>>[vector<16xi32>], vector<16xi32>,
    %get3A_319 = arith.constant 848 : index
    %get3A_320 = tpu.vector_load %arg5[%get3A_319] {strides = array<i32>} : memref<4096xi32, #tpu.memory_space<vmem>>, vector<16xi32>,
    %iota3A_321 = tpu.iota {dimensions = array<i32: 0>} : vector<16xi32>
    %add3A_322 = arith.constant 848 : i32
    %add3A_323 = vector.broadcast %add3A_322 : i32 to vector<16xi32>
    %add3A_324 = arith.addi %add3A_323, %iota3A_321 : vector<16xi32>
    tpu.vector_store_idx %arg6[%get3A_320], %add3A_324 : memref<5120xi32, #tpu.memory_space<vmem>>[vector<16xi32>], vector<16xi32>,
    %get3A_325 = arith.constant 864 : index
    %get3A_326 = tpu.vector_load %arg5[%get3A_325] {strides = array<i32>} : memref<4096xi32, #tpu.memory_space<vmem>>, vector<16xi32>,
    %iota3A_327 = tpu.iota {dimensions = array<i32: 0>} : vector<16xi32>
    %add3A_328 = arith.constant 864 : i32
    %add3A_329 = vector.broadcast %add3A_328 : i32 to vector<16xi32>
    %add3A_330 = arith.addi %add3A_329, %iota3A_327 : vector<16xi32>
    tpu.vector_store_idx %arg6[%get3A_326], %add3A_330 : memref<5120xi32, #tpu.memory_space<vmem>>[vector<16xi32>], vector<16xi32>,
    %get3A_331 = arith.constant 880 : index
    %get3A_332 = tpu.vector_load %arg5[%get3A_331] {strides = array<i32>} : memref<4096xi32, #tpu.memory_space<vmem>>, vector<16xi32>,
    %iota3A_333 = tpu.iota {dimensions = array<i32: 0>} : vector<16xi32>
    %add3A_334 = arith.constant 880 : i32
    %add3A_335 = vector.broadcast %add3A_334 : i32 to vector<16xi32>
    %add3A_336 = arith.addi %add3A_335, %iota3A_333 : vector<16xi32>
    tpu.vector_store_idx %arg6[%get3A_332], %add3A_336 : memref<5120xi32, #tpu.memory_space<vmem>>[vector<16xi32>], vector<16xi32>,
    %get3A_337 = arith.constant 896 : index
    %get3A_338 = tpu.vector_load %arg5[%get3A_337] {strides = array<i32>} : memref<4096xi32, #tpu.memory_space<vmem>>, vector<16xi32>,
    %iota3A_339 = tpu.iota {dimensions = array<i32: 0>} : vector<16xi32>
    %add3A_340 = arith.constant 896 : i32
    %add3A_341 = vector.broadcast %add3A_340 : i32 to vector<16xi32>
    %add3A_342 = arith.addi %add3A_341, %iota3A_339 : vector<16xi32>
    tpu.vector_store_idx %arg6[%get3A_338], %add3A_342 : memref<5120xi32, #tpu.memory_space<vmem>>[vector<16xi32>], vector<16xi32>,
    %get3A_343 = arith.constant 912 : index
    %get3A_344 = tpu.vector_load %arg5[%get3A_343] {strides = array<i32>} : memref<4096xi32, #tpu.memory_space<vmem>>, vector<16xi32>,
    %iota3A_345 = tpu.iota {dimensions = array<i32: 0>} : vector<16xi32>
    %add3A_346 = arith.constant 912 : i32
    %add3A_347 = vector.broadcast %add3A_346 : i32 to vector<16xi32>
    %add3A_348 = arith.addi %add3A_347, %iota3A_345 : vector<16xi32>
    tpu.vector_store_idx %arg6[%get3A_344], %add3A_348 : memref<5120xi32, #tpu.memory_space<vmem>>[vector<16xi32>], vector<16xi32>,
    %get3A_349 = arith.constant 928 : index
    %get3A_350 = tpu.vector_load %arg5[%get3A_349] {strides = array<i32>} : memref<4096xi32, #tpu.memory_space<vmem>>, vector<16xi32>,
    %iota3A_351 = tpu.iota {dimensions = array<i32: 0>} : vector<16xi32>
    %add3A_352 = arith.constant 928 : i32
    %add3A_353 = vector.broadcast %add3A_352 : i32 to vector<16xi32>
    %add3A_354 = arith.addi %add3A_353, %iota3A_351 : vector<16xi32>
    tpu.vector_store_idx %arg6[%get3A_350], %add3A_354 : memref<5120xi32, #tpu.memory_space<vmem>>[vector<16xi32>], vector<16xi32>,
    %get3A_355 = arith.constant 944 : index
    %get3A_356 = tpu.vector_load %arg5[%get3A_355] {strides = array<i32>} : memref<4096xi32, #tpu.memory_space<vmem>>, vector<16xi32>,
    %iota3A_357 = tpu.iota {dimensions = array<i32: 0>} : vector<16xi32>
    %add3A_358 = arith.constant 944 : i32
    %add3A_359 = vector.broadcast %add3A_358 : i32 to vector<16xi32>
    %add3A_360 = arith.addi %add3A_359, %iota3A_357 : vector<16xi32>
    tpu.vector_store_idx %arg6[%get3A_356], %add3A_360 : memref<5120xi32, #tpu.memory_space<vmem>>[vector<16xi32>], vector<16xi32>,
    %get3A_361 = arith.constant 960 : index
    %get3A_362 = tpu.vector_load %arg5[%get3A_361] {strides = array<i32>} : memref<4096xi32, #tpu.memory_space<vmem>>, vector<16xi32>,
    %iota3A_363 = tpu.iota {dimensions = array<i32: 0>} : vector<16xi32>
    %add3A_364 = arith.constant 960 : i32
    %add3A_365 = vector.broadcast %add3A_364 : i32 to vector<16xi32>
    %add3A_366 = arith.addi %add3A_365, %iota3A_363 : vector<16xi32>
    tpu.vector_store_idx %arg6[%get3A_362], %add3A_366 : memref<5120xi32, #tpu.memory_space<vmem>>[vector<16xi32>], vector<16xi32>,
    %get3A_367 = arith.constant 976 : index
    %get3A_368 = tpu.vector_load %arg5[%get3A_367] {strides = array<i32>} : memref<4096xi32, #tpu.memory_space<vmem>>, vector<16xi32>,
    %iota3A_369 = tpu.iota {dimensions = array<i32: 0>} : vector<16xi32>
    %add3A_370 = arith.constant 976 : i32
    %add3A_371 = vector.broadcast %add3A_370 : i32 to vector<16xi32>
    %add3A_372 = arith.addi %add3A_371, %iota3A_369 : vector<16xi32>
    tpu.vector_store_idx %arg6[%get3A_368], %add3A_372 : memref<5120xi32, #tpu.memory_space<vmem>>[vector<16xi32>], vector<16xi32>,
    %get3A_373 = arith.constant 992 : index
    %get3A_374 = tpu.vector_load %arg5[%get3A_373] {strides = array<i32>} : memref<4096xi32, #tpu.memory_space<vmem>>, vector<16xi32>,
    %iota3A_375 = tpu.iota {dimensions = array<i32: 0>} : vector<16xi32>
    %add3A_376 = arith.constant 992 : i32
    %add3A_377 = vector.broadcast %add3A_376 : i32 to vector<16xi32>
    %add3A_378 = arith.addi %add3A_377, %iota3A_375 : vector<16xi32>
    tpu.vector_store_idx %arg6[%get3A_374], %add3A_378 : memref<5120xi32, #tpu.memory_space<vmem>>[vector<16xi32>], vector<16xi32>,
    %get3A_379 = arith.constant 1008 : index
    %get3A_380 = tpu.vector_load %arg5[%get3A_379] {strides = array<i32>} : memref<4096xi32, #tpu.memory_space<vmem>>, vector<16xi32>,
    %iota3A_381 = tpu.iota {dimensions = array<i32: 0>} : vector<16xi32>
    %add3A_382 = arith.constant 1008 : i32
    %add3A_383 = vector.broadcast %add3A_382 : i32 to vector<16xi32>
    %add3A_384 = arith.addi %add3A_383, %iota3A_381 : vector<16xi32>
    tpu.vector_store_idx %arg6[%get3A_380], %add3A_384 : memref<5120xi32, #tpu.memory_space<vmem>>[vector<16xi32>], vector<16xi32>,
    %get3A_385 = arith.constant 1024 : index
    %get3A_386 = tpu.vector_load %arg5[%get3A_385] {strides = array<i32>} : memref<4096xi32, #tpu.memory_space<vmem>>, vector<16xi32>,
    %iota3A_387 = tpu.iota {dimensions = array<i32: 0>} : vector<16xi32>
    %add3A_388 = arith.constant 1024 : i32
    %add3A_389 = vector.broadcast %add3A_388 : i32 to vector<16xi32>
    %add3A_390 = arith.addi %add3A_389, %iota3A_387 : vector<16xi32>
    tpu.vector_store_idx %arg6[%get3A_386], %add3A_390 : memref<5120xi32, #tpu.memory_space<vmem>>[vector<16xi32>], vector<16xi32>,
    %get3A_391 = arith.constant 1040 : index
    %get3A_392 = tpu.vector_load %arg5[%get3A_391] {strides = array<i32>} : memref<4096xi32, #tpu.memory_space<vmem>>, vector<16xi32>,
    %iota3A_393 = tpu.iota {dimensions = array<i32: 0>} : vector<16xi32>
    %add3A_394 = arith.constant 1040 : i32
    %add3A_395 = vector.broadcast %add3A_394 : i32 to vector<16xi32>
    %add3A_396 = arith.addi %add3A_395, %iota3A_393 : vector<16xi32>
    tpu.vector_store_idx %arg6[%get3A_392], %add3A_396 : memref<5120xi32, #tpu.memory_space<vmem>>[vector<16xi32>], vector<16xi32>,
    %get3A_397 = arith.constant 1056 : index
    %get3A_398 = tpu.vector_load %arg5[%get3A_397] {strides = array<i32>} : memref<4096xi32, #tpu.memory_space<vmem>>, vector<16xi32>,
    %iota3A_399 = tpu.iota {dimensions = array<i32: 0>} : vector<16xi32>
    %add3A_400 = arith.constant 1056 : i32
    %add3A_401 = vector.broadcast %add3A_400 : i32 to vector<16xi32>
    %add3A_402 = arith.addi %add3A_401, %iota3A_399 : vector<16xi32>
    tpu.vector_store_idx %arg6[%get3A_398], %add3A_402 : memref<5120xi32, #tpu.memory_space<vmem>>[vector<16xi32>], vector<16xi32>,
    %get3A_403 = arith.constant 1072 : index
    %get3A_404 = tpu.vector_load %arg5[%get3A_403] {strides = array<i32>} : memref<4096xi32, #tpu.memory_space<vmem>>, vector<16xi32>,
    %iota3A_405 = tpu.iota {dimensions = array<i32: 0>} : vector<16xi32>
    %add3A_406 = arith.constant 1072 : i32
    %add3A_407 = vector.broadcast %add3A_406 : i32 to vector<16xi32>
    %add3A_408 = arith.addi %add3A_407, %iota3A_405 : vector<16xi32>
    tpu.vector_store_idx %arg6[%get3A_404], %add3A_408 : memref<5120xi32, #tpu.memory_space<vmem>>[vector<16xi32>], vector<16xi32>,
    %get3A_409 = arith.constant 1088 : index
    %get3A_410 = tpu.vector_load %arg5[%get3A_409] {strides = array<i32>} : memref<4096xi32, #tpu.memory_space<vmem>>, vector<16xi32>,
    %iota3A_411 = tpu.iota {dimensions = array<i32: 0>} : vector<16xi32>
    %add3A_412 = arith.constant 1088 : i32
    %add3A_413 = vector.broadcast %add3A_412 : i32 to vector<16xi32>
    %add3A_414 = arith.addi %add3A_413, %iota3A_411 : vector<16xi32>
    tpu.vector_store_idx %arg6[%get3A_410], %add3A_414 : memref<5120xi32, #tpu.memory_space<vmem>>[vector<16xi32>], vector<16xi32>,
    %get3A_415 = arith.constant 1104 : index
    %get3A_416 = tpu.vector_load %arg5[%get3A_415] {strides = array<i32>} : memref<4096xi32, #tpu.memory_space<vmem>>, vector<16xi32>,
    %iota3A_417 = tpu.iota {dimensions = array<i32: 0>} : vector<16xi32>
    %add3A_418 = arith.constant 1104 : i32
    %add3A_419 = vector.broadcast %add3A_418 : i32 to vector<16xi32>
    %add3A_420 = arith.addi %add3A_419, %iota3A_417 : vector<16xi32>
    tpu.vector_store_idx %arg6[%get3A_416], %add3A_420 : memref<5120xi32, #tpu.memory_space<vmem>>[vector<16xi32>], vector<16xi32>,
    %get3A_421 = arith.constant 1120 : index
    %get3A_422 = tpu.vector_load %arg5[%get3A_421] {strides = array<i32>} : memref<4096xi32, #tpu.memory_space<vmem>>, vector<16xi32>,
    %iota3A_423 = tpu.iota {dimensions = array<i32: 0>} : vector<16xi32>
    %add3A_424 = arith.constant 1120 : i32
    %add3A_425 = vector.broadcast %add3A_424 : i32 to vector<16xi32>
    %add3A_426 = arith.addi %add3A_425, %iota3A_423 : vector<16xi32>
    tpu.vector_store_idx %arg6[%get3A_422], %add3A_426 : memref<5120xi32, #tpu.memory_space<vmem>>[vector<16xi32>], vector<16xi32>,
    %get3A_427 = arith.constant 1136 : index
    %get3A_428 = tpu.vector_load %arg5[%get3A_427] {strides = array<i32>} : memref<4096xi32, #tpu.memory_space<vmem>>, vector<16xi32>,
    %iota3A_429 = tpu.iota {dimensions = array<i32: 0>} : vector<16xi32>
    %add3A_430 = arith.constant 1136 : i32
    %add3A_431 = vector.broadcast %add3A_430 : i32 to vector<16xi32>
    %add3A_432 = arith.addi %add3A_431, %iota3A_429 : vector<16xi32>
    tpu.vector_store_idx %arg6[%get3A_428], %add3A_432 : memref<5120xi32, #tpu.memory_space<vmem>>[vector<16xi32>], vector<16xi32>,
    %get3A_433 = arith.constant 1152 : index
    %get3A_434 = tpu.vector_load %arg5[%get3A_433] {strides = array<i32>} : memref<4096xi32, #tpu.memory_space<vmem>>, vector<16xi32>,
    %iota3A_435 = tpu.iota {dimensions = array<i32: 0>} : vector<16xi32>
    %add3A_436 = arith.constant 1152 : i32
    %add3A_437 = vector.broadcast %add3A_436 : i32 to vector<16xi32>
    %add3A_438 = arith.addi %add3A_437, %iota3A_435 : vector<16xi32>
    tpu.vector_store_idx %arg6[%get3A_434], %add3A_438 : memref<5120xi32, #tpu.memory_space<vmem>>[vector<16xi32>], vector<16xi32>,
    %get3A_439 = arith.constant 1168 : index
    %get3A_440 = tpu.vector_load %arg5[%get3A_439] {strides = array<i32>} : memref<4096xi32, #tpu.memory_space<vmem>>, vector<16xi32>,
    %iota3A_441 = tpu.iota {dimensions = array<i32: 0>} : vector<16xi32>
    %add3A_442 = arith.constant 1168 : i32
    %add3A_443 = vector.broadcast %add3A_442 : i32 to vector<16xi32>
    %add3A_444 = arith.addi %add3A_443, %iota3A_441 : vector<16xi32>
    tpu.vector_store_idx %arg6[%get3A_440], %add3A_444 : memref<5120xi32, #tpu.memory_space<vmem>>[vector<16xi32>], vector<16xi32>,
    %get3A_445 = arith.constant 1184 : index
    %get3A_446 = tpu.vector_load %arg5[%get3A_445] {strides = array<i32>} : memref<4096xi32, #tpu.memory_space<vmem>>, vector<16xi32>,
    %iota3A_447 = tpu.iota {dimensions = array<i32: 0>} : vector<16xi32>
    %add3A_448 = arith.constant 1184 : i32
    %add3A_449 = vector.broadcast %add3A_448 : i32 to vector<16xi32>
    %add3A_450 = arith.addi %add3A_449, %iota3A_447 : vector<16xi32>
    tpu.vector_store_idx %arg6[%get3A_446], %add3A_450 : memref<5120xi32, #tpu.memory_space<vmem>>[vector<16xi32>], vector<16xi32>,
    %get3A_451 = arith.constant 1200 : index
    %get3A_452 = tpu.vector_load %arg5[%get3A_451] {strides = array<i32>} : memref<4096xi32, #tpu.memory_space<vmem>>, vector<16xi32>,
    %iota3A_453 = tpu.iota {dimensions = array<i32: 0>} : vector<16xi32>
    %add3A_454 = arith.constant 1200 : i32
    %add3A_455 = vector.broadcast %add3A_454 : i32 to vector<16xi32>
    %add3A_456 = arith.addi %add3A_455, %iota3A_453 : vector<16xi32>
    tpu.vector_store_idx %arg6[%get3A_452], %add3A_456 : memref<5120xi32, #tpu.memory_space<vmem>>[vector<16xi32>], vector<16xi32>,
    %get3A_457 = arith.constant 1216 : index
    %get3A_458 = tpu.vector_load %arg5[%get3A_457] {strides = array<i32>} : memref<4096xi32, #tpu.memory_space<vmem>>, vector<16xi32>,
    %iota3A_459 = tpu.iota {dimensions = array<i32: 0>} : vector<16xi32>
    %add3A_460 = arith.constant 1216 : i32
    %add3A_461 = vector.broadcast %add3A_460 : i32 to vector<16xi32>
    %add3A_462 = arith.addi %add3A_461, %iota3A_459 : vector<16xi32>
    tpu.vector_store_idx %arg6[%get3A_458], %add3A_462 : memref<5120xi32, #tpu.memory_space<vmem>>[vector<16xi32>], vector<16xi32>,
    %get3A_463 = arith.constant 1232 : index
    %get3A_464 = tpu.vector_load %arg5[%get3A_463] {strides = array<i32>} : memref<4096xi32, #tpu.memory_space<vmem>>, vector<16xi32>,
    %iota3A_465 = tpu.iota {dimensions = array<i32: 0>} : vector<16xi32>
    %add3A_466 = arith.constant 1232 : i32
    %add3A_467 = vector.broadcast %add3A_466 : i32 to vector<16xi32>
    %add3A_468 = arith.addi %add3A_467, %iota3A_465 : vector<16xi32>
    tpu.vector_store_idx %arg6[%get3A_464], %add3A_468 : memref<5120xi32, #tpu.memory_space<vmem>>[vector<16xi32>], vector<16xi32>,
    %get3A_469 = arith.constant 1248 : index
    %get3A_470 = tpu.vector_load %arg5[%get3A_469] {strides = array<i32>} : memref<4096xi32, #tpu.memory_space<vmem>>, vector<16xi32>,
    %iota3A_471 = tpu.iota {dimensions = array<i32: 0>} : vector<16xi32>
    %add3A_472 = arith.constant 1248 : i32
    %add3A_473 = vector.broadcast %add3A_472 : i32 to vector<16xi32>
    %add3A_474 = arith.addi %add3A_473, %iota3A_471 : vector<16xi32>
    tpu.vector_store_idx %arg6[%get3A_470], %add3A_474 : memref<5120xi32, #tpu.memory_space<vmem>>[vector<16xi32>], vector<16xi32>,
    %get3A_475 = arith.constant 1264 : index
    %get3A_476 = tpu.vector_load %arg5[%get3A_475] {strides = array<i32>} : memref<4096xi32, #tpu.memory_space<vmem>>, vector<16xi32>,
    %iota3A_477 = tpu.iota {dimensions = array<i32: 0>} : vector<16xi32>
    %add3A_478 = arith.constant 1264 : i32
    %add3A_479 = vector.broadcast %add3A_478 : i32 to vector<16xi32>
    %add3A_480 = arith.addi %add3A_479, %iota3A_477 : vector<16xi32>
    tpu.vector_store_idx %arg6[%get3A_476], %add3A_480 : memref<5120xi32, #tpu.memory_space<vmem>>[vector<16xi32>], vector<16xi32>,
    %get3A_481 = arith.constant 1280 : index
    %get3A_482 = tpu.vector_load %arg5[%get3A_481] {strides = array<i32>} : memref<4096xi32, #tpu.memory_space<vmem>>, vector<16xi32>,
    %iota3A_483 = tpu.iota {dimensions = array<i32: 0>} : vector<16xi32>
    %add3A_484 = arith.constant 1280 : i32
    %add3A_485 = vector.broadcast %add3A_484 : i32 to vector<16xi32>
    %add3A_486 = arith.addi %add3A_485, %iota3A_483 : vector<16xi32>
    tpu.vector_store_idx %arg6[%get3A_482], %add3A_486 : memref<5120xi32, #tpu.memory_space<vmem>>[vector<16xi32>], vector<16xi32>,
    %get3A_487 = arith.constant 1296 : index
    %get3A_488 = tpu.vector_load %arg5[%get3A_487] {strides = array<i32>} : memref<4096xi32, #tpu.memory_space<vmem>>, vector<16xi32>,
    %iota3A_489 = tpu.iota {dimensions = array<i32: 0>} : vector<16xi32>
    %add3A_490 = arith.constant 1296 : i32
    %add3A_491 = vector.broadcast %add3A_490 : i32 to vector<16xi32>
    %add3A_492 = arith.addi %add3A_491, %iota3A_489 : vector<16xi32>
    tpu.vector_store_idx %arg6[%get3A_488], %add3A_492 : memref<5120xi32, #tpu.memory_space<vmem>>[vector<16xi32>], vector<16xi32>,
    %get3A_493 = arith.constant 1312 : index
    %get3A_494 = tpu.vector_load %arg5[%get3A_493] {strides = array<i32>} : memref<4096xi32, #tpu.memory_space<vmem>>, vector<16xi32>,
    %iota3A_495 = tpu.iota {dimensions = array<i32: 0>} : vector<16xi32>
    %add3A_496 = arith.constant 1312 : i32
    %add3A_497 = vector.broadcast %add3A_496 : i32 to vector<16xi32>
    %add3A_498 = arith.addi %add3A_497, %iota3A_495 : vector<16xi32>
    tpu.vector_store_idx %arg6[%get3A_494], %add3A_498 : memref<5120xi32, #tpu.memory_space<vmem>>[vector<16xi32>], vector<16xi32>,
    %get3A_499 = arith.constant 1328 : index
    %get3A_500 = tpu.vector_load %arg5[%get3A_499] {strides = array<i32>} : memref<4096xi32, #tpu.memory_space<vmem>>, vector<16xi32>,
    %iota3A_501 = tpu.iota {dimensions = array<i32: 0>} : vector<16xi32>
    %add3A_502 = arith.constant 1328 : i32
    %add3A_503 = vector.broadcast %add3A_502 : i32 to vector<16xi32>
    %add3A_504 = arith.addi %add3A_503, %iota3A_501 : vector<16xi32>
    tpu.vector_store_idx %arg6[%get3A_500], %add3A_504 : memref<5120xi32, #tpu.memory_space<vmem>>[vector<16xi32>], vector<16xi32>,
    %get3A_505 = arith.constant 1344 : index
    %get3A_506 = tpu.vector_load %arg5[%get3A_505] {strides = array<i32>} : memref<4096xi32, #tpu.memory_space<vmem>>, vector<16xi32>,
    %iota3A_507 = tpu.iota {dimensions = array<i32: 0>} : vector<16xi32>
    %add3A_508 = arith.constant 1344 : i32
    %add3A_509 = vector.broadcast %add3A_508 : i32 to vector<16xi32>
    %add3A_510 = arith.addi %add3A_509, %iota3A_507 : vector<16xi32>
    tpu.vector_store_idx %arg6[%get3A_506], %add3A_510 : memref<5120xi32, #tpu.memory_space<vmem>>[vector<16xi32>], vector<16xi32>,
    %get3A_511 = arith.constant 1360 : index
    %get3A_512 = tpu.vector_load %arg5[%get3A_511] {strides = array<i32>} : memref<4096xi32, #tpu.memory_space<vmem>>, vector<16xi32>,
    %iota3A_513 = tpu.iota {dimensions = array<i32: 0>} : vector<16xi32>
    %add3A_514 = arith.constant 1360 : i32
    %add3A_515 = vector.broadcast %add3A_514 : i32 to vector<16xi32>
    %add3A_516 = arith.addi %add3A_515, %iota3A_513 : vector<16xi32>
    tpu.vector_store_idx %arg6[%get3A_512], %add3A_516 : memref<5120xi32, #tpu.memory_space<vmem>>[vector<16xi32>], vector<16xi32>,
    %get3A_517 = arith.constant 1376 : index
    %get3A_518 = tpu.vector_load %arg5[%get3A_517] {strides = array<i32>} : memref<4096xi32, #tpu.memory_space<vmem>>, vector<16xi32>,
    %iota3A_519 = tpu.iota {dimensions = array<i32: 0>} : vector<16xi32>
    %add3A_520 = arith.constant 1376 : i32
    %add3A_521 = vector.broadcast %add3A_520 : i32 to vector<16xi32>
    %add3A_522 = arith.addi %add3A_521, %iota3A_519 : vector<16xi32>
    tpu.vector_store_idx %arg6[%get3A_518], %add3A_522 : memref<5120xi32, #tpu.memory_space<vmem>>[vector<16xi32>], vector<16xi32>,
    %get3A_523 = arith.constant 1392 : index
    %get3A_524 = tpu.vector_load %arg5[%get3A_523] {strides = array<i32>} : memref<4096xi32, #tpu.memory_space<vmem>>, vector<16xi32>,
    %iota3A_525 = tpu.iota {dimensions = array<i32: 0>} : vector<16xi32>
    %add3A_526 = arith.constant 1392 : i32
    %add3A_527 = vector.broadcast %add3A_526 : i32 to vector<16xi32>
    %add3A_528 = arith.addi %add3A_527, %iota3A_525 : vector<16xi32>
    tpu.vector_store_idx %arg6[%get3A_524], %add3A_528 : memref<5120xi32, #tpu.memory_space<vmem>>[vector<16xi32>], vector<16xi32>,
    %get3A_529 = arith.constant 1408 : index
    %get3A_530 = tpu.vector_load %arg5[%get3A_529] {strides = array<i32>} : memref<4096xi32, #tpu.memory_space<vmem>>, vector<16xi32>,
    %iota3A_531 = tpu.iota {dimensions = array<i32: 0>} : vector<16xi32>
    %add3A_532 = arith.constant 1408 : i32
    %add3A_533 = vector.broadcast %add3A_532 : i32 to vector<16xi32>
    %add3A_534 = arith.addi %add3A_533, %iota3A_531 : vector<16xi32>
    tpu.vector_store_idx %arg6[%get3A_530], %add3A_534 : memref<5120xi32, #tpu.memory_space<vmem>>[vector<16xi32>], vector<16xi32>,
    %get3A_535 = arith.constant 1424 : index
    %get3A_536 = tpu.vector_load %arg5[%get3A_535] {strides = array<i32>} : memref<4096xi32, #tpu.memory_space<vmem>>, vector<16xi32>,
    %iota3A_537 = tpu.iota {dimensions = array<i32: 0>} : vector<16xi32>
    %add3A_538 = arith.constant 1424 : i32
    %add3A_539 = vector.broadcast %add3A_538 : i32 to vector<16xi32>
    %add3A_540 = arith.addi %add3A_539, %iota3A_537 : vector<16xi32>
    tpu.vector_store_idx %arg6[%get3A_536], %add3A_540 : memref<5120xi32, #tpu.memory_space<vmem>>[vector<16xi32>], vector<16xi32>,
    %get3A_541 = arith.constant 1440 : index
    %get3A_542 = tpu.vector_load %arg5[%get3A_541] {strides = array<i32>} : memref<4096xi32, #tpu.memory_space<vmem>>, vector<16xi32>,
    %iota3A_543 = tpu.iota {dimensions = array<i32: 0>} : vector<16xi32>
    %add3A_544 = arith.constant 1440 : i32
    %add3A_545 = vector.broadcast %add3A_544 : i32 to vector<16xi32>
    %add3A_546 = arith.addi %add3A_545, %iota3A_543 : vector<16xi32>
    tpu.vector_store_idx %arg6[%get3A_542], %add3A_546 : memref<5120xi32, #tpu.memory_space<vmem>>[vector<16xi32>], vector<16xi32>,
    %get3A_547 = arith.constant 1456 : index
    %get3A_548 = tpu.vector_load %arg5[%get3A_547] {strides = array<i32>} : memref<4096xi32, #tpu.memory_space<vmem>>, vector<16xi32>,
    %iota3A_549 = tpu.iota {dimensions = array<i32: 0>} : vector<16xi32>
    %add3A_550 = arith.constant 1456 : i32
    %add3A_551 = vector.broadcast %add3A_550 : i32 to vector<16xi32>
    %add3A_552 = arith.addi %add3A_551, %iota3A_549 : vector<16xi32>
    tpu.vector_store_idx %arg6[%get3A_548], %add3A_552 : memref<5120xi32, #tpu.memory_space<vmem>>[vector<16xi32>], vector<16xi32>,
    %get3A_553 = arith.constant 1472 : index
    %get3A_554 = tpu.vector_load %arg5[%get3A_553] {strides = array<i32>} : memref<4096xi32, #tpu.memory_space<vmem>>, vector<16xi32>,
    %iota3A_555 = tpu.iota {dimensions = array<i32: 0>} : vector<16xi32>
    %add3A_556 = arith.constant 1472 : i32
    %add3A_557 = vector.broadcast %add3A_556 : i32 to vector<16xi32>
    %add3A_558 = arith.addi %add3A_557, %iota3A_555 : vector<16xi32>
    tpu.vector_store_idx %arg6[%get3A_554], %add3A_558 : memref<5120xi32, #tpu.memory_space<vmem>>[vector<16xi32>], vector<16xi32>,
    %get3A_559 = arith.constant 1488 : index
    %get3A_560 = tpu.vector_load %arg5[%get3A_559] {strides = array<i32>} : memref<4096xi32, #tpu.memory_space<vmem>>, vector<16xi32>,
    %iota3A_561 = tpu.iota {dimensions = array<i32: 0>} : vector<16xi32>
    %add3A_562 = arith.constant 1488 : i32
    %add3A_563 = vector.broadcast %add3A_562 : i32 to vector<16xi32>
    %add3A_564 = arith.addi %add3A_563, %iota3A_561 : vector<16xi32>
    tpu.vector_store_idx %arg6[%get3A_560], %add3A_564 : memref<5120xi32, #tpu.memory_space<vmem>>[vector<16xi32>], vector<16xi32>,
    %get3A_565 = arith.constant 1504 : index
    %get3A_566 = tpu.vector_load %arg5[%get3A_565] {strides = array<i32>} : memref<4096xi32, #tpu.memory_space<vmem>>, vector<16xi32>,
    %iota3A_567 = tpu.iota {dimensions = array<i32: 0>} : vector<16xi32>
    %add3A_568 = arith.constant 1504 : i32
    %add3A_569 = vector.broadcast %add3A_568 : i32 to vector<16xi32>
    %add3A_570 = arith.addi %add3A_569, %iota3A_567 : vector<16xi32>
    tpu.vector_store_idx %arg6[%get3A_566], %add3A_570 : memref<5120xi32, #tpu.memory_space<vmem>>[vector<16xi32>], vector<16xi32>,
    %get3A_571 = arith.constant 1520 : index
    %get3A_572 = tpu.vector_load %arg5[%get3A_571] {strides = array<i32>} : memref<4096xi32, #tpu.memory_space<vmem>>, vector<16xi32>,
    %iota3A_573 = tpu.iota {dimensions = array<i32: 0>} : vector<16xi32>
    %add3A_574 = arith.constant 1520 : i32
    %add3A_575 = vector.broadcast %add3A_574 : i32 to vector<16xi32>
    %add3A_576 = arith.addi %add3A_575, %iota3A_573 : vector<16xi32>
    tpu.vector_store_idx %arg6[%get3A_572], %add3A_576 : memref<5120xi32, #tpu.memory_space<vmem>>[vector<16xi32>], vector<16xi32>,
    %get3A_577 = arith.constant 1536 : index
    %get3A_578 = tpu.vector_load %arg5[%get3A_577] {strides = array<i32>} : memref<4096xi32, #tpu.memory_space<vmem>>, vector<16xi32>,
    %iota3A_579 = tpu.iota {dimensions = array<i32: 0>} : vector<16xi32>
    %add3A_580 = arith.constant 1536 : i32
    %add3A_581 = vector.broadcast %add3A_580 : i32 to vector<16xi32>
    %add3A_582 = arith.addi %add3A_581, %iota3A_579 : vector<16xi32>
    tpu.vector_store_idx %arg6[%get3A_578], %add3A_582 : memref<5120xi32, #tpu.memory_space<vmem>>[vector<16xi32>], vector<16xi32>,
    %get3A_583 = arith.constant 1552 : index
    %get3A_584 = tpu.vector_load %arg5[%get3A_583] {strides = array<i32>} : memref<4096xi32, #tpu.memory_space<vmem>>, vector<16xi32>,
    %iota3A_585 = tpu.iota {dimensions = array<i32: 0>} : vector<16xi32>
    %add3A_586 = arith.constant 1552 : i32
    %add3A_587 = vector.broadcast %add3A_586 : i32 to vector<16xi32>
    %add3A_588 = arith.addi %add3A_587, %iota3A_585 : vector<16xi32>
    tpu.vector_store_idx %arg6[%get3A_584], %add3A_588 : memref<5120xi32, #tpu.memory_space<vmem>>[vector<16xi32>], vector<16xi32>,
    %get3A_589 = arith.constant 1568 : index
    %get3A_590 = tpu.vector_load %arg5[%get3A_589] {strides = array<i32>} : memref<4096xi32, #tpu.memory_space<vmem>>, vector<16xi32>,
    %iota3A_591 = tpu.iota {dimensions = array<i32: 0>} : vector<16xi32>
    %add3A_592 = arith.constant 1568 : i32
    %add3A_593 = vector.broadcast %add3A_592 : i32 to vector<16xi32>
    %add3A_594 = arith.addi %add3A_593, %iota3A_591 : vector<16xi32>
    tpu.vector_store_idx %arg6[%get3A_590], %add3A_594 : memref<5120xi32, #tpu.memory_space<vmem>>[vector<16xi32>], vector<16xi32>,
    %get3A_595 = arith.constant 1584 : index
    %get3A_596 = tpu.vector_load %arg5[%get3A_595] {strides = array<i32>} : memref<4096xi32, #tpu.memory_space<vmem>>, vector<16xi32>,
    %iota3A_597 = tpu.iota {dimensions = array<i32: 0>} : vector<16xi32>
    %add3A_598 = arith.constant 1584 : i32
    %add3A_599 = vector.broadcast %add3A_598 : i32 to vector<16xi32>
    %add3A_600 = arith.addi %add3A_599, %iota3A_597 : vector<16xi32>
    tpu.vector_store_idx %arg6[%get3A_596], %add3A_600 : memref<5120xi32, #tpu.memory_space<vmem>>[vector<16xi32>], vector<16xi32>,
    %get3A_601 = arith.constant 1600 : index
    %get3A_602 = tpu.vector_load %arg5[%get3A_601] {strides = array<i32>} : memref<4096xi32, #tpu.memory_space<vmem>>, vector<16xi32>,
    %iota3A_603 = tpu.iota {dimensions = array<i32: 0>} : vector<16xi32>
    %add3A_604 = arith.constant 1600 : i32
    %add3A_605 = vector.broadcast %add3A_604 : i32 to vector<16xi32>
    %add3A_606 = arith.addi %add3A_605, %iota3A_603 : vector<16xi32>
    tpu.vector_store_idx %arg6[%get3A_602], %add3A_606 : memref<5120xi32, #tpu.memory_space<vmem>>[vector<16xi32>], vector<16xi32>,
    %get3A_607 = arith.constant 1616 : index
    %get3A_608 = tpu.vector_load %arg5[%get3A_607] {strides = array<i32>} : memref<4096xi32, #tpu.memory_space<vmem>>, vector<16xi32>,
    %iota3A_609 = tpu.iota {dimensions = array<i32: 0>} : vector<16xi32>
    %add3A_610 = arith.constant 1616 : i32
    %add3A_611 = vector.broadcast %add3A_610 : i32 to vector<16xi32>
    %add3A_612 = arith.addi %add3A_611, %iota3A_609 : vector<16xi32>
    tpu.vector_store_idx %arg6[%get3A_608], %add3A_612 : memref<5120xi32, #tpu.memory_space<vmem>>[vector<16xi32>], vector<16xi32>,
    %get3A_613 = arith.constant 1632 : index
    %get3A_614 = tpu.vector_load %arg5[%get3A_613] {strides = array<i32>} : memref<4096xi32, #tpu.memory_space<vmem>>, vector<16xi32>,
    %iota3A_615 = tpu.iota {dimensions = array<i32: 0>} : vector<16xi32>
    %add3A_616 = arith.constant 1632 : i32
    %add3A_617 = vector.broadcast %add3A_616 : i32 to vector<16xi32>
    %add3A_618 = arith.addi %add3A_617, %iota3A_615 : vector<16xi32>
    tpu.vector_store_idx %arg6[%get3A_614], %add3A_618 : memref<5120xi32, #tpu.memory_space<vmem>>[vector<16xi32>], vector<16xi32>,
    %get3A_619 = arith.constant 1648 : index
    %get3A_620 = tpu.vector_load %arg5[%get3A_619] {strides = array<i32>} : memref<4096xi32, #tpu.memory_space<vmem>>, vector<16xi32>,
    %iota3A_621 = tpu.iota {dimensions = array<i32: 0>} : vector<16xi32>
    %add3A_622 = arith.constant 1648 : i32
    %add3A_623 = vector.broadcast %add3A_622 : i32 to vector<16xi32>
    %add3A_624 = arith.addi %add3A_623, %iota3A_621 : vector<16xi32>
    tpu.vector_store_idx %arg6[%get3A_620], %add3A_624 : memref<5120xi32, #tpu.memory_space<vmem>>[vector<16xi32>], vector<16xi32>,
    %get3A_625 = arith.constant 1664 : index
    %get3A_626 = tpu.vector_load %arg5[%get3A_625] {strides = array<i32>} : memref<4096xi32, #tpu.memory_space<vmem>>, vector<16xi32>,
    %iota3A_627 = tpu.iota {dimensions = array<i32: 0>} : vector<16xi32>
    %add3A_628 = arith.constant 1664 : i32
    %add3A_629 = vector.broadcast %add3A_628 : i32 to vector<16xi32>
    %add3A_630 = arith.addi %add3A_629, %iota3A_627 : vector<16xi32>
    tpu.vector_store_idx %arg6[%get3A_626], %add3A_630 : memref<5120xi32, #tpu.memory_space<vmem>>[vector<16xi32>], vector<16xi32>,
    %get3A_631 = arith.constant 1680 : index
    %get3A_632 = tpu.vector_load %arg5[%get3A_631] {strides = array<i32>} : memref<4096xi32, #tpu.memory_space<vmem>>, vector<16xi32>,
    %iota3A_633 = tpu.iota {dimensions = array<i32: 0>} : vector<16xi32>
    %add3A_634 = arith.constant 1680 : i32
    %add3A_635 = vector.broadcast %add3A_634 : i32 to vector<16xi32>
    %add3A_636 = arith.addi %add3A_635, %iota3A_633 : vector<16xi32>
    tpu.vector_store_idx %arg6[%get3A_632], %add3A_636 : memref<5120xi32, #tpu.memory_space<vmem>>[vector<16xi32>], vector<16xi32>,
    %get3A_637 = arith.constant 1696 : index
    %get3A_638 = tpu.vector_load %arg5[%get3A_637] {strides = array<i32>} : memref<4096xi32, #tpu.memory_space<vmem>>, vector<16xi32>,
    %iota3A_639 = tpu.iota {dimensions = array<i32: 0>} : vector<16xi32>
    %add3A_640 = arith.constant 1696 : i32
    %add3A_641 = vector.broadcast %add3A_640 : i32 to vector<16xi32>
    %add3A_642 = arith.addi %add3A_641, %iota3A_639 : vector<16xi32>
    tpu.vector_store_idx %arg6[%get3A_638], %add3A_642 : memref<5120xi32, #tpu.memory_space<vmem>>[vector<16xi32>], vector<16xi32>,
    %get3A_643 = arith.constant 1712 : index
    %get3A_644 = tpu.vector_load %arg5[%get3A_643] {strides = array<i32>} : memref<4096xi32, #tpu.memory_space<vmem>>, vector<16xi32>,
    %iota3A_645 = tpu.iota {dimensions = array<i32: 0>} : vector<16xi32>
    %add3A_646 = arith.constant 1712 : i32
    %add3A_647 = vector.broadcast %add3A_646 : i32 to vector<16xi32>
    %add3A_648 = arith.addi %add3A_647, %iota3A_645 : vector<16xi32>
    tpu.vector_store_idx %arg6[%get3A_644], %add3A_648 : memref<5120xi32, #tpu.memory_space<vmem>>[vector<16xi32>], vector<16xi32>,
    %get3A_649 = arith.constant 1728 : index
    %get3A_650 = tpu.vector_load %arg5[%get3A_649] {strides = array<i32>} : memref<4096xi32, #tpu.memory_space<vmem>>, vector<16xi32>,
    %iota3A_651 = tpu.iota {dimensions = array<i32: 0>} : vector<16xi32>
    %add3A_652 = arith.constant 1728 : i32
    %add3A_653 = vector.broadcast %add3A_652 : i32 to vector<16xi32>
    %add3A_654 = arith.addi %add3A_653, %iota3A_651 : vector<16xi32>
    tpu.vector_store_idx %arg6[%get3A_650], %add3A_654 : memref<5120xi32, #tpu.memory_space<vmem>>[vector<16xi32>], vector<16xi32>,
    %get3A_655 = arith.constant 1744 : index
    %get3A_656 = tpu.vector_load %arg5[%get3A_655] {strides = array<i32>} : memref<4096xi32, #tpu.memory_space<vmem>>, vector<16xi32>,
    %iota3A_657 = tpu.iota {dimensions = array<i32: 0>} : vector<16xi32>
    %add3A_658 = arith.constant 1744 : i32
    %add3A_659 = vector.broadcast %add3A_658 : i32 to vector<16xi32>
    %add3A_660 = arith.addi %add3A_659, %iota3A_657 : vector<16xi32>
    tpu.vector_store_idx %arg6[%get3A_656], %add3A_660 : memref<5120xi32, #tpu.memory_space<vmem>>[vector<16xi32>], vector<16xi32>,
    %get3A_661 = arith.constant 1760 : index
    %get3A_662 = tpu.vector_load %arg5[%get3A_661] {strides = array<i32>} : memref<4096xi32, #tpu.memory_space<vmem>>, vector<16xi32>,
    %iota3A_663 = tpu.iota {dimensions = array<i32: 0>} : vector<16xi32>
    %add3A_664 = arith.constant 1760 : i32
    %add3A_665 = vector.broadcast %add3A_664 : i32 to vector<16xi32>
    %add3A_666 = arith.addi %add3A_665, %iota3A_663 : vector<16xi32>
    tpu.vector_store_idx %arg6[%get3A_662], %add3A_666 : memref<5120xi32, #tpu.memory_space<vmem>>[vector<16xi32>], vector<16xi32>,
    %get3A_667 = arith.constant 1776 : index
    %get3A_668 = tpu.vector_load %arg5[%get3A_667] {strides = array<i32>} : memref<4096xi32, #tpu.memory_space<vmem>>, vector<16xi32>,
    %iota3A_669 = tpu.iota {dimensions = array<i32: 0>} : vector<16xi32>
    %add3A_670 = arith.constant 1776 : i32
    %add3A_671 = vector.broadcast %add3A_670 : i32 to vector<16xi32>
    %add3A_672 = arith.addi %add3A_671, %iota3A_669 : vector<16xi32>
    tpu.vector_store_idx %arg6[%get3A_668], %add3A_672 : memref<5120xi32, #tpu.memory_space<vmem>>[vector<16xi32>], vector<16xi32>,
    %get3A_673 = arith.constant 1792 : index
    %get3A_674 = tpu.vector_load %arg5[%get3A_673] {strides = array<i32>} : memref<4096xi32, #tpu.memory_space<vmem>>, vector<16xi32>,
    %iota3A_675 = tpu.iota {dimensions = array<i32: 0>} : vector<16xi32>
    %add3A_676 = arith.constant 1792 : i32
    %add3A_677 = vector.broadcast %add3A_676 : i32 to vector<16xi32>
    %add3A_678 = arith.addi %add3A_677, %iota3A_675 : vector<16xi32>
    tpu.vector_store_idx %arg6[%get3A_674], %add3A_678 : memref<5120xi32, #tpu.memory_space<vmem>>[vector<16xi32>], vector<16xi32>,
    %get3A_679 = arith.constant 1808 : index
    %get3A_680 = tpu.vector_load %arg5[%get3A_679] {strides = array<i32>} : memref<4096xi32, #tpu.memory_space<vmem>>, vector<16xi32>,
    %iota3A_681 = tpu.iota {dimensions = array<i32: 0>} : vector<16xi32>
    %add3A_682 = arith.constant 1808 : i32
    %add3A_683 = vector.broadcast %add3A_682 : i32 to vector<16xi32>
    %add3A_684 = arith.addi %add3A_683, %iota3A_681 : vector<16xi32>
    tpu.vector_store_idx %arg6[%get3A_680], %add3A_684 : memref<5120xi32, #tpu.memory_space<vmem>>[vector<16xi32>], vector<16xi32>,
    %get3A_685 = arith.constant 1824 : index
    %get3A_686 = tpu.vector_load %arg5[%get3A_685] {strides = array<i32>} : memref<4096xi32, #tpu.memory_space<vmem>>, vector<16xi32>,
    %iota3A_687 = tpu.iota {dimensions = array<i32: 0>} : vector<16xi32>
    %add3A_688 = arith.constant 1824 : i32
    %add3A_689 = vector.broadcast %add3A_688 : i32 to vector<16xi32>
    %add3A_690 = arith.addi %add3A_689, %iota3A_687 : vector<16xi32>
    tpu.vector_store_idx %arg6[%get3A_686], %add3A_690 : memref<5120xi32, #tpu.memory_space<vmem>>[vector<16xi32>], vector<16xi32>,
    %get3A_691 = arith.constant 1840 : index
    %get3A_692 = tpu.vector_load %arg5[%get3A_691] {strides = array<i32>} : memref<4096xi32, #tpu.memory_space<vmem>>, vector<16xi32>,
    %iota3A_693 = tpu.iota {dimensions = array<i32: 0>} : vector<16xi32>
    %add3A_694 = arith.constant 1840 : i32
    %add3A_695 = vector.broadcast %add3A_694 : i32 to vector<16xi32>
    %add3A_696 = arith.addi %add3A_695, %iota3A_693 : vector<16xi32>
    tpu.vector_store_idx %arg6[%get3A_692], %add3A_696 : memref<5120xi32, #tpu.memory_space<vmem>>[vector<16xi32>], vector<16xi32>,
    %get3A_697 = arith.constant 1856 : index
    %get3A_698 = tpu.vector_load %arg5[%get3A_697] {strides = array<i32>} : memref<4096xi32, #tpu.memory_space<vmem>>, vector<16xi32>,
    %iota3A_699 = tpu.iota {dimensions = array<i32: 0>} : vector<16xi32>
    %add3A_700 = arith.constant 1856 : i32
    %add3A_701 = vector.broadcast %add3A_700 : i32 to vector<16xi32>
    %add3A_702 = arith.addi %add3A_701, %iota3A_699 : vector<16xi32>
    tpu.vector_store_idx %arg6[%get3A_698], %add3A_702 : memref<5120xi32, #tpu.memory_space<vmem>>[vector<16xi32>], vector<16xi32>,
    %get3A_703 = arith.constant 1872 : index
    %get3A_704 = tpu.vector_load %arg5[%get3A_703] {strides = array<i32>} : memref<4096xi32, #tpu.memory_space<vmem>>, vector<16xi32>,
    %iota3A_705 = tpu.iota {dimensions = array<i32: 0>} : vector<16xi32>
    %add3A_706 = arith.constant 1872 : i32
    %add3A_707 = vector.broadcast %add3A_706 : i32 to vector<16xi32>
    %add3A_708 = arith.addi %add3A_707, %iota3A_705 : vector<16xi32>
    tpu.vector_store_idx %arg6[%get3A_704], %add3A_708 : memref<5120xi32, #tpu.memory_space<vmem>>[vector<16xi32>], vector<16xi32>,
    %get3A_709 = arith.constant 1888 : index
    %get3A_710 = tpu.vector_load %arg5[%get3A_709] {strides = array<i32>} : memref<4096xi32, #tpu.memory_space<vmem>>, vector<16xi32>,
    %iota3A_711 = tpu.iota {dimensions = array<i32: 0>} : vector<16xi32>
    %add3A_712 = arith.constant 1888 : i32
    %add3A_713 = vector.broadcast %add3A_712 : i32 to vector<16xi32>
    %add3A_714 = arith.addi %add3A_713, %iota3A_711 : vector<16xi32>
    tpu.vector_store_idx %arg6[%get3A_710], %add3A_714 : memref<5120xi32, #tpu.memory_space<vmem>>[vector<16xi32>], vector<16xi32>,
    %get3A_715 = arith.constant 1904 : index
    %get3A_716 = tpu.vector_load %arg5[%get3A_715] {strides = array<i32>} : memref<4096xi32, #tpu.memory_space<vmem>>, vector<16xi32>,
    %iota3A_717 = tpu.iota {dimensions = array<i32: 0>} : vector<16xi32>
    %add3A_718 = arith.constant 1904 : i32
    %add3A_719 = vector.broadcast %add3A_718 : i32 to vector<16xi32>
    %add3A_720 = arith.addi %add3A_719, %iota3A_717 : vector<16xi32>
    tpu.vector_store_idx %arg6[%get3A_716], %add3A_720 : memref<5120xi32, #tpu.memory_space<vmem>>[vector<16xi32>], vector<16xi32>,
    %get3A_721 = arith.constant 1920 : index
    %get3A_722 = tpu.vector_load %arg5[%get3A_721] {strides = array<i32>} : memref<4096xi32, #tpu.memory_space<vmem>>, vector<16xi32>,
    %iota3A_723 = tpu.iota {dimensions = array<i32: 0>} : vector<16xi32>
    %add3A_724 = arith.constant 1920 : i32
    %add3A_725 = vector.broadcast %add3A_724 : i32 to vector<16xi32>
    %add3A_726 = arith.addi %add3A_725, %iota3A_723 : vector<16xi32>
    tpu.vector_store_idx %arg6[%get3A_722], %add3A_726 : memref<5120xi32, #tpu.memory_space<vmem>>[vector<16xi32>], vector<16xi32>,
    %get3A_727 = arith.constant 1936 : index
    %get3A_728 = tpu.vector_load %arg5[%get3A_727] {strides = array<i32>} : memref<4096xi32, #tpu.memory_space<vmem>>, vector<16xi32>,
    %iota3A_729 = tpu.iota {dimensions = array<i32: 0>} : vector<16xi32>
    %add3A_730 = arith.constant 1936 : i32
    %add3A_731 = vector.broadcast %add3A_730 : i32 to vector<16xi32>
    %add3A_732 = arith.addi %add3A_731, %iota3A_729 : vector<16xi32>
    tpu.vector_store_idx %arg6[%get3A_728], %add3A_732 : memref<5120xi32, #tpu.memory_space<vmem>>[vector<16xi32>], vector<16xi32>,
    %get3A_733 = arith.constant 1952 : index
    %get3A_734 = tpu.vector_load %arg5[%get3A_733] {strides = array<i32>} : memref<4096xi32, #tpu.memory_space<vmem>>, vector<16xi32>,
    %iota3A_735 = tpu.iota {dimensions = array<i32: 0>} : vector<16xi32>
    %add3A_736 = arith.constant 1952 : i32
    %add3A_737 = vector.broadcast %add3A_736 : i32 to vector<16xi32>
    %add3A_738 = arith.addi %add3A_737, %iota3A_735 : vector<16xi32>
    tpu.vector_store_idx %arg6[%get3A_734], %add3A_738 : memref<5120xi32, #tpu.memory_space<vmem>>[vector<16xi32>], vector<16xi32>,
    %get3A_739 = arith.constant 1968 : index
    %get3A_740 = tpu.vector_load %arg5[%get3A_739] {strides = array<i32>} : memref<4096xi32, #tpu.memory_space<vmem>>, vector<16xi32>,
    %iota3A_741 = tpu.iota {dimensions = array<i32: 0>} : vector<16xi32>
    %add3A_742 = arith.constant 1968 : i32
    %add3A_743 = vector.broadcast %add3A_742 : i32 to vector<16xi32>
    %add3A_744 = arith.addi %add3A_743, %iota3A_741 : vector<16xi32>
    tpu.vector_store_idx %arg6[%get3A_740], %add3A_744 : memref<5120xi32, #tpu.memory_space<vmem>>[vector<16xi32>], vector<16xi32>,
    %get3A_745 = arith.constant 1984 : index
    %get3A_746 = tpu.vector_load %arg5[%get3A_745] {strides = array<i32>} : memref<4096xi32, #tpu.memory_space<vmem>>, vector<16xi32>,
    %iota3A_747 = tpu.iota {dimensions = array<i32: 0>} : vector<16xi32>
    %add3A_748 = arith.constant 1984 : i32
    %add3A_749 = vector.broadcast %add3A_748 : i32 to vector<16xi32>
    %add3A_750 = arith.addi %add3A_749, %iota3A_747 : vector<16xi32>
    tpu.vector_store_idx %arg6[%get3A_746], %add3A_750 : memref<5120xi32, #tpu.memory_space<vmem>>[vector<16xi32>], vector<16xi32>,
    %get3A_751 = arith.constant 2000 : index
    %get3A_752 = tpu.vector_load %arg5[%get3A_751] {strides = array<i32>} : memref<4096xi32, #tpu.memory_space<vmem>>, vector<16xi32>,
    %iota3A_753 = tpu.iota {dimensions = array<i32: 0>} : vector<16xi32>
    %add3A_754 = arith.constant 2000 : i32
    %add3A_755 = vector.broadcast %add3A_754 : i32 to vector<16xi32>
    %add3A_756 = arith.addi %add3A_755, %iota3A_753 : vector<16xi32>
    tpu.vector_store_idx %arg6[%get3A_752], %add3A_756 : memref<5120xi32, #tpu.memory_space<vmem>>[vector<16xi32>], vector<16xi32>,
    %get3A_757 = arith.constant 2016 : index
    %get3A_758 = tpu.vector_load %arg5[%get3A_757] {strides = array<i32>} : memref<4096xi32, #tpu.memory_space<vmem>>, vector<16xi32>,
    %iota3A_759 = tpu.iota {dimensions = array<i32: 0>} : vector<16xi32>
    %add3A_760 = arith.constant 2016 : i32
    %add3A_761 = vector.broadcast %add3A_760 : i32 to vector<16xi32>
    %add3A_762 = arith.addi %add3A_761, %iota3A_759 : vector<16xi32>
    tpu.vector_store_idx %arg6[%get3A_758], %add3A_762 : memref<5120xi32, #tpu.memory_space<vmem>>[vector<16xi32>], vector<16xi32>,
    %get3A_763 = arith.constant 2032 : index
    %get3A_764 = tpu.vector_load %arg5[%get3A_763] {strides = array<i32>} : memref<4096xi32, #tpu.memory_space<vmem>>, vector<16xi32>,
    %iota3A_765 = tpu.iota {dimensions = array<i32: 0>} : vector<16xi32>
    %add3A_766 = arith.constant 2032 : i32
    %add3A_767 = vector.broadcast %add3A_766 : i32 to vector<16xi32>
    %add3A_768 = arith.addi %add3A_767, %iota3A_765 : vector<16xi32>
    tpu.vector_store_idx %arg6[%get3A_764], %add3A_768 : memref<5120xi32, #tpu.memory_space<vmem>>[vector<16xi32>], vector<16xi32>,
    %get3A_769 = arith.constant 2048 : index
    %get3A_770 = tpu.vector_load %arg5[%get3A_769] {strides = array<i32>} : memref<4096xi32, #tpu.memory_space<vmem>>, vector<16xi32>,
    %iota3A_771 = tpu.iota {dimensions = array<i32: 0>} : vector<16xi32>
    %add3A_772 = arith.constant 2048 : i32
    %add3A_773 = vector.broadcast %add3A_772 : i32 to vector<16xi32>
    %add3A_774 = arith.addi %add3A_773, %iota3A_771 : vector<16xi32>
    tpu.vector_store_idx %arg6[%get3A_770], %add3A_774 : memref<5120xi32, #tpu.memory_space<vmem>>[vector<16xi32>], vector<16xi32>,
    %get3A_775 = arith.constant 2064 : index
    %get3A_776 = tpu.vector_load %arg5[%get3A_775] {strides = array<i32>} : memref<4096xi32, #tpu.memory_space<vmem>>, vector<16xi32>,
    %iota3A_777 = tpu.iota {dimensions = array<i32: 0>} : vector<16xi32>
    %add3A_778 = arith.constant 2064 : i32
    %add3A_779 = vector.broadcast %add3A_778 : i32 to vector<16xi32>
    %add3A_780 = arith.addi %add3A_779, %iota3A_777 : vector<16xi32>
    tpu.vector_store_idx %arg6[%get3A_776], %add3A_780 : memref<5120xi32, #tpu.memory_space<vmem>>[vector<16xi32>], vector<16xi32>,
    %get3A_781 = arith.constant 2080 : index
    %get3A_782 = tpu.vector_load %arg5[%get3A_781] {strides = array<i32>} : memref<4096xi32, #tpu.memory_space<vmem>>, vector<16xi32>,
    %iota3A_783 = tpu.iota {dimensions = array<i32: 0>} : vector<16xi32>
    %add3A_784 = arith.constant 2080 : i32
    %add3A_785 = vector.broadcast %add3A_784 : i32 to vector<16xi32>
    %add3A_786 = arith.addi %add3A_785, %iota3A_783 : vector<16xi32>
    tpu.vector_store_idx %arg6[%get3A_782], %add3A_786 : memref<5120xi32, #tpu.memory_space<vmem>>[vector<16xi32>], vector<16xi32>,
    %get3A_787 = arith.constant 2096 : index
    %get3A_788 = tpu.vector_load %arg5[%get3A_787] {strides = array<i32>} : memref<4096xi32, #tpu.memory_space<vmem>>, vector<16xi32>,
    %iota3A_789 = tpu.iota {dimensions = array<i32: 0>} : vector<16xi32>
    %add3A_790 = arith.constant 2096 : i32
    %add3A_791 = vector.broadcast %add3A_790 : i32 to vector<16xi32>
    %add3A_792 = arith.addi %add3A_791, %iota3A_789 : vector<16xi32>
    tpu.vector_store_idx %arg6[%get3A_788], %add3A_792 : memref<5120xi32, #tpu.memory_space<vmem>>[vector<16xi32>], vector<16xi32>,
    %get3A_793 = arith.constant 2112 : index
    %get3A_794 = tpu.vector_load %arg5[%get3A_793] {strides = array<i32>} : memref<4096xi32, #tpu.memory_space<vmem>>, vector<16xi32>,
    %iota3A_795 = tpu.iota {dimensions = array<i32: 0>} : vector<16xi32>
    %add3A_796 = arith.constant 2112 : i32
    %add3A_797 = vector.broadcast %add3A_796 : i32 to vector<16xi32>
    %add3A_798 = arith.addi %add3A_797, %iota3A_795 : vector<16xi32>
    tpu.vector_store_idx %arg6[%get3A_794], %add3A_798 : memref<5120xi32, #tpu.memory_space<vmem>>[vector<16xi32>], vector<16xi32>,
    %get3A_799 = arith.constant 2128 : index
    %get3A_800 = tpu.vector_load %arg5[%get3A_799] {strides = array<i32>} : memref<4096xi32, #tpu.memory_space<vmem>>, vector<16xi32>,
    %iota3A_801 = tpu.iota {dimensions = array<i32: 0>} : vector<16xi32>
    %add3A_802 = arith.constant 2128 : i32
    %add3A_803 = vector.broadcast %add3A_802 : i32 to vector<16xi32>
    %add3A_804 = arith.addi %add3A_803, %iota3A_801 : vector<16xi32>
    tpu.vector_store_idx %arg6[%get3A_800], %add3A_804 : memref<5120xi32, #tpu.memory_space<vmem>>[vector<16xi32>], vector<16xi32>,
    %get3A_805 = arith.constant 2144 : index
    %get3A_806 = tpu.vector_load %arg5[%get3A_805] {strides = array<i32>} : memref<4096xi32, #tpu.memory_space<vmem>>, vector<16xi32>,
    %iota3A_807 = tpu.iota {dimensions = array<i32: 0>} : vector<16xi32>
    %add3A_808 = arith.constant 2144 : i32
    %add3A_809 = vector.broadcast %add3A_808 : i32 to vector<16xi32>
    %add3A_810 = arith.addi %add3A_809, %iota3A_807 : vector<16xi32>
    tpu.vector_store_idx %arg6[%get3A_806], %add3A_810 : memref<5120xi32, #tpu.memory_space<vmem>>[vector<16xi32>], vector<16xi32>,
    %get3A_811 = arith.constant 2160 : index
    %get3A_812 = tpu.vector_load %arg5[%get3A_811] {strides = array<i32>} : memref<4096xi32, #tpu.memory_space<vmem>>, vector<16xi32>,
    %iota3A_813 = tpu.iota {dimensions = array<i32: 0>} : vector<16xi32>
    %add3A_814 = arith.constant 2160 : i32
    %add3A_815 = vector.broadcast %add3A_814 : i32 to vector<16xi32>
    %add3A_816 = arith.addi %add3A_815, %iota3A_813 : vector<16xi32>
    tpu.vector_store_idx %arg6[%get3A_812], %add3A_816 : memref<5120xi32, #tpu.memory_space<vmem>>[vector<16xi32>], vector<16xi32>,
    %get3A_817 = arith.constant 2176 : index
    %get3A_818 = tpu.vector_load %arg5[%get3A_817] {strides = array<i32>} : memref<4096xi32, #tpu.memory_space<vmem>>, vector<16xi32>,
    %iota3A_819 = tpu.iota {dimensions = array<i32: 0>} : vector<16xi32>
    %add3A_820 = arith.constant 2176 : i32
    %add3A_821 = vector.broadcast %add3A_820 : i32 to vector<16xi32>
    %add3A_822 = arith.addi %add3A_821, %iota3A_819 : vector<16xi32>
    tpu.vector_store_idx %arg6[%get3A_818], %add3A_822 : memref<5120xi32, #tpu.memory_space<vmem>>[vector<16xi32>], vector<16xi32>,
    %get3A_823 = arith.constant 2192 : index
    %get3A_824 = tpu.vector_load %arg5[%get3A_823] {strides = array<i32>} : memref<4096xi32, #tpu.memory_space<vmem>>, vector<16xi32>,
    %iota3A_825 = tpu.iota {dimensions = array<i32: 0>} : vector<16xi32>
    %add3A_826 = arith.constant 2192 : i32
    %add3A_827 = vector.broadcast %add3A_826 : i32 to vector<16xi32>
    %add3A_828 = arith.addi %add3A_827, %iota3A_825 : vector<16xi32>
    tpu.vector_store_idx %arg6[%get3A_824], %add3A_828 : memref<5120xi32, #tpu.memory_space<vmem>>[vector<16xi32>], vector<16xi32>,
    %get3A_829 = arith.constant 2208 : index
    %get3A_830 = tpu.vector_load %arg5[%get3A_829] {strides = array<i32>} : memref<4096xi32, #tpu.memory_space<vmem>>, vector<16xi32>,
    %iota3A_831 = tpu.iota {dimensions = array<i32: 0>} : vector<16xi32>
    %add3A_832 = arith.constant 2208 : i32
    %add3A_833 = vector.broadcast %add3A_832 : i32 to vector<16xi32>
    %add3A_834 = arith.addi %add3A_833, %iota3A_831 : vector<16xi32>
    tpu.vector_store_idx %arg6[%get3A_830], %add3A_834 : memref<5120xi32, #tpu.memory_space<vmem>>[vector<16xi32>], vector<16xi32>,
    %get3A_835 = arith.constant 2224 : index
    %get3A_836 = tpu.vector_load %arg5[%get3A_835] {strides = array<i32>} : memref<4096xi32, #tpu.memory_space<vmem>>, vector<16xi32>,
    %iota3A_837 = tpu.iota {dimensions = array<i32: 0>} : vector<16xi32>
    %add3A_838 = arith.constant 2224 : i32
    %add3A_839 = vector.broadcast %add3A_838 : i32 to vector<16xi32>
    %add3A_840 = arith.addi %add3A_839, %iota3A_837 : vector<16xi32>
    tpu.vector_store_idx %arg6[%get3A_836], %add3A_840 : memref<5120xi32, #tpu.memory_space<vmem>>[vector<16xi32>], vector<16xi32>,
    %get3A_841 = arith.constant 2240 : index
    %get3A_842 = tpu.vector_load %arg5[%get3A_841] {strides = array<i32>} : memref<4096xi32, #tpu.memory_space<vmem>>, vector<16xi32>,
    %iota3A_843 = tpu.iota {dimensions = array<i32: 0>} : vector<16xi32>
    %add3A_844 = arith.constant 2240 : i32
    %add3A_845 = vector.broadcast %add3A_844 : i32 to vector<16xi32>
    %add3A_846 = arith.addi %add3A_845, %iota3A_843 : vector<16xi32>
    tpu.vector_store_idx %arg6[%get3A_842], %add3A_846 : memref<5120xi32, #tpu.memory_space<vmem>>[vector<16xi32>], vector<16xi32>,
    %get3A_847 = arith.constant 2256 : index
    %get3A_848 = tpu.vector_load %arg5[%get3A_847] {strides = array<i32>} : memref<4096xi32, #tpu.memory_space<vmem>>, vector<16xi32>,
    %iota3A_849 = tpu.iota {dimensions = array<i32: 0>} : vector<16xi32>
    %add3A_850 = arith.constant 2256 : i32
    %add3A_851 = vector.broadcast %add3A_850 : i32 to vector<16xi32>
    %add3A_852 = arith.addi %add3A_851, %iota3A_849 : vector<16xi32>
    tpu.vector_store_idx %arg6[%get3A_848], %add3A_852 : memref<5120xi32, #tpu.memory_space<vmem>>[vector<16xi32>], vector<16xi32>,
    %get3A_853 = arith.constant 2272 : index
    %get3A_854 = tpu.vector_load %arg5[%get3A_853] {strides = array<i32>} : memref<4096xi32, #tpu.memory_space<vmem>>, vector<16xi32>,
    %iota3A_855 = tpu.iota {dimensions = array<i32: 0>} : vector<16xi32>
    %add3A_856 = arith.constant 2272 : i32
    %add3A_857 = vector.broadcast %add3A_856 : i32 to vector<16xi32>
    %add3A_858 = arith.addi %add3A_857, %iota3A_855 : vector<16xi32>
    tpu.vector_store_idx %arg6[%get3A_854], %add3A_858 : memref<5120xi32, #tpu.memory_space<vmem>>[vector<16xi32>], vector<16xi32>,
    %get3A_859 = arith.constant 2288 : index
    %get3A_860 = tpu.vector_load %arg5[%get3A_859] {strides = array<i32>} : memref<4096xi32, #tpu.memory_space<vmem>>, vector<16xi32>,
    %iota3A_861 = tpu.iota {dimensions = array<i32: 0>} : vector<16xi32>
    %add3A_862 = arith.constant 2288 : i32
    %add3A_863 = vector.broadcast %add3A_862 : i32 to vector<16xi32>
    %add3A_864 = arith.addi %add3A_863, %iota3A_861 : vector<16xi32>
    tpu.vector_store_idx %arg6[%get3A_860], %add3A_864 : memref<5120xi32, #tpu.memory_space<vmem>>[vector<16xi32>], vector<16xi32>,
    %get3A_865 = arith.constant 2304 : index
    %get3A_866 = tpu.vector_load %arg5[%get3A_865] {strides = array<i32>} : memref<4096xi32, #tpu.memory_space<vmem>>, vector<16xi32>,
    %iota3A_867 = tpu.iota {dimensions = array<i32: 0>} : vector<16xi32>
    %add3A_868 = arith.constant 2304 : i32
    %add3A_869 = vector.broadcast %add3A_868 : i32 to vector<16xi32>
    %add3A_870 = arith.addi %add3A_869, %iota3A_867 : vector<16xi32>
    tpu.vector_store_idx %arg6[%get3A_866], %add3A_870 : memref<5120xi32, #tpu.memory_space<vmem>>[vector<16xi32>], vector<16xi32>,
    %get3A_871 = arith.constant 2320 : index
    %get3A_872 = tpu.vector_load %arg5[%get3A_871] {strides = array<i32>} : memref<4096xi32, #tpu.memory_space<vmem>>, vector<16xi32>,
    %iota3A_873 = tpu.iota {dimensions = array<i32: 0>} : vector<16xi32>
    %add3A_874 = arith.constant 2320 : i32
    %add3A_875 = vector.broadcast %add3A_874 : i32 to vector<16xi32>
    %add3A_876 = arith.addi %add3A_875, %iota3A_873 : vector<16xi32>
    tpu.vector_store_idx %arg6[%get3A_872], %add3A_876 : memref<5120xi32, #tpu.memory_space<vmem>>[vector<16xi32>], vector<16xi32>,
    %get3A_877 = arith.constant 2336 : index
    %get3A_878 = tpu.vector_load %arg5[%get3A_877] {strides = array<i32>} : memref<4096xi32, #tpu.memory_space<vmem>>, vector<16xi32>,
    %iota3A_879 = tpu.iota {dimensions = array<i32: 0>} : vector<16xi32>
    %add3A_880 = arith.constant 2336 : i32
    %add3A_881 = vector.broadcast %add3A_880 : i32 to vector<16xi32>
    %add3A_882 = arith.addi %add3A_881, %iota3A_879 : vector<16xi32>
    tpu.vector_store_idx %arg6[%get3A_878], %add3A_882 : memref<5120xi32, #tpu.memory_space<vmem>>[vector<16xi32>], vector<16xi32>,
    %get3A_883 = arith.constant 2352 : index
    %get3A_884 = tpu.vector_load %arg5[%get3A_883] {strides = array<i32>} : memref<4096xi32, #tpu.memory_space<vmem>>, vector<16xi32>,
    %iota3A_885 = tpu.iota {dimensions = array<i32: 0>} : vector<16xi32>
    %add3A_886 = arith.constant 2352 : i32
    %add3A_887 = vector.broadcast %add3A_886 : i32 to vector<16xi32>
    %add3A_888 = arith.addi %add3A_887, %iota3A_885 : vector<16xi32>
    tpu.vector_store_idx %arg6[%get3A_884], %add3A_888 : memref<5120xi32, #tpu.memory_space<vmem>>[vector<16xi32>], vector<16xi32>,
    %get3A_889 = arith.constant 2368 : index
    %get3A_890 = tpu.vector_load %arg5[%get3A_889] {strides = array<i32>} : memref<4096xi32, #tpu.memory_space<vmem>>, vector<16xi32>,
    %iota3A_891 = tpu.iota {dimensions = array<i32: 0>} : vector<16xi32>
    %add3A_892 = arith.constant 2368 : i32
    %add3A_893 = vector.broadcast %add3A_892 : i32 to vector<16xi32>
    %add3A_894 = arith.addi %add3A_893, %iota3A_891 : vector<16xi32>
    tpu.vector_store_idx %arg6[%get3A_890], %add3A_894 : memref<5120xi32, #tpu.memory_space<vmem>>[vector<16xi32>], vector<16xi32>,
    %get3A_895 = arith.constant 2384 : index
    %get3A_896 = tpu.vector_load %arg5[%get3A_895] {strides = array<i32>} : memref<4096xi32, #tpu.memory_space<vmem>>, vector<16xi32>,
    %iota3A_897 = tpu.iota {dimensions = array<i32: 0>} : vector<16xi32>
    %add3A_898 = arith.constant 2384 : i32
    %add3A_899 = vector.broadcast %add3A_898 : i32 to vector<16xi32>
    %add3A_900 = arith.addi %add3A_899, %iota3A_897 : vector<16xi32>
    tpu.vector_store_idx %arg6[%get3A_896], %add3A_900 : memref<5120xi32, #tpu.memory_space<vmem>>[vector<16xi32>], vector<16xi32>,
    %get3A_901 = arith.constant 2400 : index
    %get3A_902 = tpu.vector_load %arg5[%get3A_901] {strides = array<i32>} : memref<4096xi32, #tpu.memory_space<vmem>>, vector<16xi32>,
    %iota3A_903 = tpu.iota {dimensions = array<i32: 0>} : vector<16xi32>
    %add3A_904 = arith.constant 2400 : i32
    %add3A_905 = vector.broadcast %add3A_904 : i32 to vector<16xi32>
    %add3A_906 = arith.addi %add3A_905, %iota3A_903 : vector<16xi32>
    tpu.vector_store_idx %arg6[%get3A_902], %add3A_906 : memref<5120xi32, #tpu.memory_space<vmem>>[vector<16xi32>], vector<16xi32>,
    %get3A_907 = arith.constant 2416 : index
    %get3A_908 = tpu.vector_load %arg5[%get3A_907] {strides = array<i32>} : memref<4096xi32, #tpu.memory_space<vmem>>, vector<16xi32>,
    %iota3A_909 = tpu.iota {dimensions = array<i32: 0>} : vector<16xi32>
    %add3A_910 = arith.constant 2416 : i32
    %add3A_911 = vector.broadcast %add3A_910 : i32 to vector<16xi32>
    %add3A_912 = arith.addi %add3A_911, %iota3A_909 : vector<16xi32>
    tpu.vector_store_idx %arg6[%get3A_908], %add3A_912 : memref<5120xi32, #tpu.memory_space<vmem>>[vector<16xi32>], vector<16xi32>,
    %get3A_913 = arith.constant 2432 : index
    %get3A_914 = tpu.vector_load %arg5[%get3A_913] {strides = array<i32>} : memref<4096xi32, #tpu.memory_space<vmem>>, vector<16xi32>,
    %iota3A_915 = tpu.iota {dimensions = array<i32: 0>} : vector<16xi32>
    %add3A_916 = arith.constant 2432 : i32
    %add3A_917 = vector.broadcast %add3A_916 : i32 to vector<16xi32>
    %add3A_918 = arith.addi %add3A_917, %iota3A_915 : vector<16xi32>
    tpu.vector_store_idx %arg6[%get3A_914], %add3A_918 : memref<5120xi32, #tpu.memory_space<vmem>>[vector<16xi32>], vector<16xi32>,
    %get3A_919 = arith.constant 2448 : index
    %get3A_920 = tpu.vector_load %arg5[%get3A_919] {strides = array<i32>} : memref<4096xi32, #tpu.memory_space<vmem>>, vector<16xi32>,
    %iota3A_921 = tpu.iota {dimensions = array<i32: 0>} : vector<16xi32>
    %add3A_922 = arith.constant 2448 : i32
    %add3A_923 = vector.broadcast %add3A_922 : i32 to vector<16xi32>
    %add3A_924 = arith.addi %add3A_923, %iota3A_921 : vector<16xi32>
    tpu.vector_store_idx %arg6[%get3A_920], %add3A_924 : memref<5120xi32, #tpu.memory_space<vmem>>[vector<16xi32>], vector<16xi32>,
    %get3A_925 = arith.constant 2464 : index
    %get3A_926 = tpu.vector_load %arg5[%get3A_925] {strides = array<i32>} : memref<4096xi32, #tpu.memory_space<vmem>>, vector<16xi32>,
    %iota3A_927 = tpu.iota {dimensions = array<i32: 0>} : vector<16xi32>
    %add3A_928 = arith.constant 2464 : i32
    %add3A_929 = vector.broadcast %add3A_928 : i32 to vector<16xi32>
    %add3A_930 = arith.addi %add3A_929, %iota3A_927 : vector<16xi32>
    tpu.vector_store_idx %arg6[%get3A_926], %add3A_930 : memref<5120xi32, #tpu.memory_space<vmem>>[vector<16xi32>], vector<16xi32>,
    %get3A_931 = arith.constant 2480 : index
    %get3A_932 = tpu.vector_load %arg5[%get3A_931] {strides = array<i32>} : memref<4096xi32, #tpu.memory_space<vmem>>, vector<16xi32>,
    %iota3A_933 = tpu.iota {dimensions = array<i32: 0>} : vector<16xi32>
    %add3A_934 = arith.constant 2480 : i32
    %add3A_935 = vector.broadcast %add3A_934 : i32 to vector<16xi32>
    %add3A_936 = arith.addi %add3A_935, %iota3A_933 : vector<16xi32>
    tpu.vector_store_idx %arg6[%get3A_932], %add3A_936 : memref<5120xi32, #tpu.memory_space<vmem>>[vector<16xi32>], vector<16xi32>,
    %get3A_937 = arith.constant 2496 : index
    %get3A_938 = tpu.vector_load %arg5[%get3A_937] {strides = array<i32>} : memref<4096xi32, #tpu.memory_space<vmem>>, vector<16xi32>,
    %iota3A_939 = tpu.iota {dimensions = array<i32: 0>} : vector<16xi32>
    %add3A_940 = arith.constant 2496 : i32
    %add3A_941 = vector.broadcast %add3A_940 : i32 to vector<16xi32>
    %add3A_942 = arith.addi %add3A_941, %iota3A_939 : vector<16xi32>
    tpu.vector_store_idx %arg6[%get3A_938], %add3A_942 : memref<5120xi32, #tpu.memory_space<vmem>>[vector<16xi32>], vector<16xi32>,
    %get3A_943 = arith.constant 2512 : index
    %get3A_944 = tpu.vector_load %arg5[%get3A_943] {strides = array<i32>} : memref<4096xi32, #tpu.memory_space<vmem>>, vector<16xi32>,
    %iota3A_945 = tpu.iota {dimensions = array<i32: 0>} : vector<16xi32>
    %add3A_946 = arith.constant 2512 : i32
    %add3A_947 = vector.broadcast %add3A_946 : i32 to vector<16xi32>
    %add3A_948 = arith.addi %add3A_947, %iota3A_945 : vector<16xi32>
    tpu.vector_store_idx %arg6[%get3A_944], %add3A_948 : memref<5120xi32, #tpu.memory_space<vmem>>[vector<16xi32>], vector<16xi32>,
    %get3A_949 = arith.constant 2528 : index
    %get3A_950 = tpu.vector_load %arg5[%get3A_949] {strides = array<i32>} : memref<4096xi32, #tpu.memory_space<vmem>>, vector<16xi32>,
    %iota3A_951 = tpu.iota {dimensions = array<i32: 0>} : vector<16xi32>
    %add3A_952 = arith.constant 2528 : i32
    %add3A_953 = vector.broadcast %add3A_952 : i32 to vector<16xi32>
    %add3A_954 = arith.addi %add3A_953, %iota3A_951 : vector<16xi32>
    tpu.vector_store_idx %arg6[%get3A_950], %add3A_954 : memref<5120xi32, #tpu.memory_space<vmem>>[vector<16xi32>], vector<16xi32>,
    %get3A_955 = arith.constant 2544 : index
    %get3A_956 = tpu.vector_load %arg5[%get3A_955] {strides = array<i32>} : memref<4096xi32, #tpu.memory_space<vmem>>, vector<16xi32>,
    %iota3A_957 = tpu.iota {dimensions = array<i32: 0>} : vector<16xi32>
    %add3A_958 = arith.constant 2544 : i32
    %add3A_959 = vector.broadcast %add3A_958 : i32 to vector<16xi32>
    %add3A_960 = arith.addi %add3A_959, %iota3A_957 : vector<16xi32>
    tpu.vector_store_idx %arg6[%get3A_956], %add3A_960 : memref<5120xi32, #tpu.memory_space<vmem>>[vector<16xi32>], vector<16xi32>,
    %get3A_961 = arith.constant 2560 : index
    %get3A_962 = tpu.vector_load %arg5[%get3A_961] {strides = array<i32>} : memref<4096xi32, #tpu.memory_space<vmem>>, vector<16xi32>,
    %iota3A_963 = tpu.iota {dimensions = array<i32: 0>} : vector<16xi32>
    %add3A_964 = arith.constant 2560 : i32
    %add3A_965 = vector.broadcast %add3A_964 : i32 to vector<16xi32>
    %add3A_966 = arith.addi %add3A_965, %iota3A_963 : vector<16xi32>
    tpu.vector_store_idx %arg6[%get3A_962], %add3A_966 : memref<5120xi32, #tpu.memory_space<vmem>>[vector<16xi32>], vector<16xi32>,
    %get3A_967 = arith.constant 2576 : index
    %get3A_968 = tpu.vector_load %arg5[%get3A_967] {strides = array<i32>} : memref<4096xi32, #tpu.memory_space<vmem>>, vector<16xi32>,
    %iota3A_969 = tpu.iota {dimensions = array<i32: 0>} : vector<16xi32>
    %add3A_970 = arith.constant 2576 : i32
    %add3A_971 = vector.broadcast %add3A_970 : i32 to vector<16xi32>
    %add3A_972 = arith.addi %add3A_971, %iota3A_969 : vector<16xi32>
    tpu.vector_store_idx %arg6[%get3A_968], %add3A_972 : memref<5120xi32, #tpu.memory_space<vmem>>[vector<16xi32>], vector<16xi32>,
    %get3A_973 = arith.constant 2592 : index
    %get3A_974 = tpu.vector_load %arg5[%get3A_973] {strides = array<i32>} : memref<4096xi32, #tpu.memory_space<vmem>>, vector<16xi32>,
    %iota3A_975 = tpu.iota {dimensions = array<i32: 0>} : vector<16xi32>
    %add3A_976 = arith.constant 2592 : i32
    %add3A_977 = vector.broadcast %add3A_976 : i32 to vector<16xi32>
    %add3A_978 = arith.addi %add3A_977, %iota3A_975 : vector<16xi32>
    tpu.vector_store_idx %arg6[%get3A_974], %add3A_978 : memref<5120xi32, #tpu.memory_space<vmem>>[vector<16xi32>], vector<16xi32>,
    %get3A_979 = arith.constant 2608 : index
    %get3A_980 = tpu.vector_load %arg5[%get3A_979] {strides = array<i32>} : memref<4096xi32, #tpu.memory_space<vmem>>, vector<16xi32>,
    %iota3A_981 = tpu.iota {dimensions = array<i32: 0>} : vector<16xi32>
    %add3A_982 = arith.constant 2608 : i32
    %add3A_983 = vector.broadcast %add3A_982 : i32 to vector<16xi32>
    %add3A_984 = arith.addi %add3A_983, %iota3A_981 : vector<16xi32>
    tpu.vector_store_idx %arg6[%get3A_980], %add3A_984 : memref<5120xi32, #tpu.memory_space<vmem>>[vector<16xi32>], vector<16xi32>,
    %get3A_985 = arith.constant 2624 : index
    %get3A_986 = tpu.vector_load %arg5[%get3A_985] {strides = array<i32>} : memref<4096xi32, #tpu.memory_space<vmem>>, vector<16xi32>,
    %iota3A_987 = tpu.iota {dimensions = array<i32: 0>} : vector<16xi32>
    %add3A_988 = arith.constant 2624 : i32
    %add3A_989 = vector.broadcast %add3A_988 : i32 to vector<16xi32>
    %add3A_990 = arith.addi %add3A_989, %iota3A_987 : vector<16xi32>
    tpu.vector_store_idx %arg6[%get3A_986], %add3A_990 : memref<5120xi32, #tpu.memory_space<vmem>>[vector<16xi32>], vector<16xi32>,
    %get3A_991 = arith.constant 2640 : index
    %get3A_992 = tpu.vector_load %arg5[%get3A_991] {strides = array<i32>} : memref<4096xi32, #tpu.memory_space<vmem>>, vector<16xi32>,
    %iota3A_993 = tpu.iota {dimensions = array<i32: 0>} : vector<16xi32>
    %add3A_994 = arith.constant 2640 : i32
    %add3A_995 = vector.broadcast %add3A_994 : i32 to vector<16xi32>
    %add3A_996 = arith.addi %add3A_995, %iota3A_993 : vector<16xi32>
    tpu.vector_store_idx %arg6[%get3A_992], %add3A_996 : memref<5120xi32, #tpu.memory_space<vmem>>[vector<16xi32>], vector<16xi32>,
    %get3A_997 = arith.constant 2656 : index
    %get3A_998 = tpu.vector_load %arg5[%get3A_997] {strides = array<i32>} : memref<4096xi32, #tpu.memory_space<vmem>>, vector<16xi32>,
    %iota3A_999 = tpu.iota {dimensions = array<i32: 0>} : vector<16xi32>
    %add3A_1000 = arith.constant 2656 : i32
    %add3A_1001 = vector.broadcast %add3A_1000 : i32 to vector<16xi32>
    %add3A_1002 = arith.addi %add3A_1001, %iota3A_999 : vector<16xi32>
    tpu.vector_store_idx %arg6[%get3A_998], %add3A_1002 : memref<5120xi32, #tpu.memory_space<vmem>>[vector<16xi32>], vector<16xi32>,
    %get3A_1003 = arith.constant 2672 : index
    %get3A_1004 = tpu.vector_load %arg5[%get3A_1003] {strides = array<i32>} : memref<4096xi32, #tpu.memory_space<vmem>>, vector<16xi32>,
    %iota3A_1005 = tpu.iota {dimensions = array<i32: 0>} : vector<16xi32>
    %add3A_1006 = arith.constant 2672 : i32
    %add3A_1007 = vector.broadcast %add3A_1006 : i32 to vector<16xi32>
    %add3A_1008 = arith.addi %add3A_1007, %iota3A_1005 : vector<16xi32>
    tpu.vector_store_idx %arg6[%get3A_1004], %add3A_1008 : memref<5120xi32, #tpu.memory_space<vmem>>[vector<16xi32>], vector<16xi32>,
    %get3A_1009 = arith.constant 2688 : index
    %get3A_1010 = tpu.vector_load %arg5[%get3A_1009] {strides = array<i32>} : memref<4096xi32, #tpu.memory_space<vmem>>, vector<16xi32>,
    %iota3A_1011 = tpu.iota {dimensions = array<i32: 0>} : vector<16xi32>
    %add3A_1012 = arith.constant 2688 : i32
    %add3A_1013 = vector.broadcast %add3A_1012 : i32 to vector<16xi32>
    %add3A_1014 = arith.addi %add3A_1013, %iota3A_1011 : vector<16xi32>
    tpu.vector_store_idx %arg6[%get3A_1010], %add3A_1014 : memref<5120xi32, #tpu.memory_space<vmem>>[vector<16xi32>], vector<16xi32>,
    %get3A_1015 = arith.constant 2704 : index
    %get3A_1016 = tpu.vector_load %arg5[%get3A_1015] {strides = array<i32>} : memref<4096xi32, #tpu.memory_space<vmem>>, vector<16xi32>,
    %iota3A_1017 = tpu.iota {dimensions = array<i32: 0>} : vector<16xi32>
    %add3A_1018 = arith.constant 2704 : i32
    %add3A_1019 = vector.broadcast %add3A_1018 : i32 to vector<16xi32>
    %add3A_1020 = arith.addi %add3A_1019, %iota3A_1017 : vector<16xi32>
    tpu.vector_store_idx %arg6[%get3A_1016], %add3A_1020 : memref<5120xi32, #tpu.memory_space<vmem>>[vector<16xi32>], vector<16xi32>,
    %get3A_1021 = arith.constant 2720 : index
    %get3A_1022 = tpu.vector_load %arg5[%get3A_1021] {strides = array<i32>} : memref<4096xi32, #tpu.memory_space<vmem>>, vector<16xi32>,
    %iota3A_1023 = tpu.iota {dimensions = array<i32: 0>} : vector<16xi32>
    %add3A_1024 = arith.constant 2720 : i32
    %add3A_1025 = vector.broadcast %add3A_1024 : i32 to vector<16xi32>
    %add3A_1026 = arith.addi %add3A_1025, %iota3A_1023 : vector<16xi32>
    tpu.vector_store_idx %arg6[%get3A_1022], %add3A_1026 : memref<5120xi32, #tpu.memory_space<vmem>>[vector<16xi32>], vector<16xi32>,
    %get3A_1027 = arith.constant 2736 : index
    %get3A_1028 = tpu.vector_load %arg5[%get3A_1027] {strides = array<i32>} : memref<4096xi32, #tpu.memory_space<vmem>>, vector<16xi32>,
    %iota3A_1029 = tpu.iota {dimensions = array<i32: 0>} : vector<16xi32>
    %add3A_1030 = arith.constant 2736 : i32
    %add3A_1031 = vector.broadcast %add3A_1030 : i32 to vector<16xi32>
    %add3A_1032 = arith.addi %add3A_1031, %iota3A_1029 : vector<16xi32>
    tpu.vector_store_idx %arg6[%get3A_1028], %add3A_1032 : memref<5120xi32, #tpu.memory_space<vmem>>[vector<16xi32>], vector<16xi32>,
    %get3A_1033 = arith.constant 2752 : index
    %get3A_1034 = tpu.vector_load %arg5[%get3A_1033] {strides = array<i32>} : memref<4096xi32, #tpu.memory_space<vmem>>, vector<16xi32>,
    %iota3A_1035 = tpu.iota {dimensions = array<i32: 0>} : vector<16xi32>
    %add3A_1036 = arith.constant 2752 : i32
    %add3A_1037 = vector.broadcast %add3A_1036 : i32 to vector<16xi32>
    %add3A_1038 = arith.addi %add3A_1037, %iota3A_1035 : vector<16xi32>
    tpu.vector_store_idx %arg6[%get3A_1034], %add3A_1038 : memref<5120xi32, #tpu.memory_space<vmem>>[vector<16xi32>], vector<16xi32>,
    %get3A_1039 = arith.constant 2768 : index
    %get3A_1040 = tpu.vector_load %arg5[%get3A_1039] {strides = array<i32>} : memref<4096xi32, #tpu.memory_space<vmem>>, vector<16xi32>,
    %iota3A_1041 = tpu.iota {dimensions = array<i32: 0>} : vector<16xi32>
    %add3A_1042 = arith.constant 2768 : i32
    %add3A_1043 = vector.broadcast %add3A_1042 : i32 to vector<16xi32>
    %add3A_1044 = arith.addi %add3A_1043, %iota3A_1041 : vector<16xi32>
    tpu.vector_store_idx %arg6[%get3A_1040], %add3A_1044 : memref<5120xi32, #tpu.memory_space<vmem>>[vector<16xi32>], vector<16xi32>,
    %get3A_1045 = arith.constant 2784 : index
    %get3A_1046 = tpu.vector_load %arg5[%get3A_1045] {strides = array<i32>} : memref<4096xi32, #tpu.memory_space<vmem>>, vector<16xi32>,
    %iota3A_1047 = tpu.iota {dimensions = array<i32: 0>} : vector<16xi32>
    %add3A_1048 = arith.constant 2784 : i32
    %add3A_1049 = vector.broadcast %add3A_1048 : i32 to vector<16xi32>
    %add3A_1050 = arith.addi %add3A_1049, %iota3A_1047 : vector<16xi32>
    tpu.vector_store_idx %arg6[%get3A_1046], %add3A_1050 : memref<5120xi32, #tpu.memory_space<vmem>>[vector<16xi32>], vector<16xi32>,
    %get3A_1051 = arith.constant 2800 : index
    %get3A_1052 = tpu.vector_load %arg5[%get3A_1051] {strides = array<i32>} : memref<4096xi32, #tpu.memory_space<vmem>>, vector<16xi32>,
    %iota3A_1053 = tpu.iota {dimensions = array<i32: 0>} : vector<16xi32>
    %add3A_1054 = arith.constant 2800 : i32
    %add3A_1055 = vector.broadcast %add3A_1054 : i32 to vector<16xi32>
    %add3A_1056 = arith.addi %add3A_1055, %iota3A_1053 : vector<16xi32>
    tpu.vector_store_idx %arg6[%get3A_1052], %add3A_1056 : memref<5120xi32, #tpu.memory_space<vmem>>[vector<16xi32>], vector<16xi32>,
    %get3A_1057 = arith.constant 2816 : index
    %get3A_1058 = tpu.vector_load %arg5[%get3A_1057] {strides = array<i32>} : memref<4096xi32, #tpu.memory_space<vmem>>, vector<16xi32>,
    %iota3A_1059 = tpu.iota {dimensions = array<i32: 0>} : vector<16xi32>
    %add3A_1060 = arith.constant 2816 : i32
    %add3A_1061 = vector.broadcast %add3A_1060 : i32 to vector<16xi32>
    %add3A_1062 = arith.addi %add3A_1061, %iota3A_1059 : vector<16xi32>
    tpu.vector_store_idx %arg6[%get3A_1058], %add3A_1062 : memref<5120xi32, #tpu.memory_space<vmem>>[vector<16xi32>], vector<16xi32>,
    %get3A_1063 = arith.constant 2832 : index
    %get3A_1064 = tpu.vector_load %arg5[%get3A_1063] {strides = array<i32>} : memref<4096xi32, #tpu.memory_space<vmem>>, vector<16xi32>,
    %iota3A_1065 = tpu.iota {dimensions = array<i32: 0>} : vector<16xi32>
    %add3A_1066 = arith.constant 2832 : i32
    %add3A_1067 = vector.broadcast %add3A_1066 : i32 to vector<16xi32>
    %add3A_1068 = arith.addi %add3A_1067, %iota3A_1065 : vector<16xi32>
    tpu.vector_store_idx %arg6[%get3A_1064], %add3A_1068 : memref<5120xi32, #tpu.memory_space<vmem>>[vector<16xi32>], vector<16xi32>,
    %get3A_1069 = arith.constant 2848 : index
    %get3A_1070 = tpu.vector_load %arg5[%get3A_1069] {strides = array<i32>} : memref<4096xi32, #tpu.memory_space<vmem>>, vector<16xi32>,
    %iota3A_1071 = tpu.iota {dimensions = array<i32: 0>} : vector<16xi32>
    %add3A_1072 = arith.constant 2848 : i32
    %add3A_1073 = vector.broadcast %add3A_1072 : i32 to vector<16xi32>
    %add3A_1074 = arith.addi %add3A_1073, %iota3A_1071 : vector<16xi32>
    tpu.vector_store_idx %arg6[%get3A_1070], %add3A_1074 : memref<5120xi32, #tpu.memory_space<vmem>>[vector<16xi32>], vector<16xi32>,
    %get3A_1075 = arith.constant 2864 : index
    %get3A_1076 = tpu.vector_load %arg5[%get3A_1075] {strides = array<i32>} : memref<4096xi32, #tpu.memory_space<vmem>>, vector<16xi32>,
    %iota3A_1077 = tpu.iota {dimensions = array<i32: 0>} : vector<16xi32>
    %add3A_1078 = arith.constant 2864 : i32
    %add3A_1079 = vector.broadcast %add3A_1078 : i32 to vector<16xi32>
    %add3A_1080 = arith.addi %add3A_1079, %iota3A_1077 : vector<16xi32>
    tpu.vector_store_idx %arg6[%get3A_1076], %add3A_1080 : memref<5120xi32, #tpu.memory_space<vmem>>[vector<16xi32>], vector<16xi32>,
    %get3A_1081 = arith.constant 2880 : index
    %get3A_1082 = tpu.vector_load %arg5[%get3A_1081] {strides = array<i32>} : memref<4096xi32, #tpu.memory_space<vmem>>, vector<16xi32>,
    %iota3A_1083 = tpu.iota {dimensions = array<i32: 0>} : vector<16xi32>
    %add3A_1084 = arith.constant 2880 : i32
    %add3A_1085 = vector.broadcast %add3A_1084 : i32 to vector<16xi32>
    %add3A_1086 = arith.addi %add3A_1085, %iota3A_1083 : vector<16xi32>
    tpu.vector_store_idx %arg6[%get3A_1082], %add3A_1086 : memref<5120xi32, #tpu.memory_space<vmem>>[vector<16xi32>], vector<16xi32>,
    %get3A_1087 = arith.constant 2896 : index
    %get3A_1088 = tpu.vector_load %arg5[%get3A_1087] {strides = array<i32>} : memref<4096xi32, #tpu.memory_space<vmem>>, vector<16xi32>,
    %iota3A_1089 = tpu.iota {dimensions = array<i32: 0>} : vector<16xi32>
    %add3A_1090 = arith.constant 2896 : i32
    %add3A_1091 = vector.broadcast %add3A_1090 : i32 to vector<16xi32>
    %add3A_1092 = arith.addi %add3A_1091, %iota3A_1089 : vector<16xi32>
    tpu.vector_store_idx %arg6[%get3A_1088], %add3A_1092 : memref<5120xi32, #tpu.memory_space<vmem>>[vector<16xi32>], vector<16xi32>,
    %get3A_1093 = arith.constant 2912 : index
    %get3A_1094 = tpu.vector_load %arg5[%get3A_1093] {strides = array<i32>} : memref<4096xi32, #tpu.memory_space<vmem>>, vector<16xi32>,
    %iota3A_1095 = tpu.iota {dimensions = array<i32: 0>} : vector<16xi32>
    %add3A_1096 = arith.constant 2912 : i32
    %add3A_1097 = vector.broadcast %add3A_1096 : i32 to vector<16xi32>
    %add3A_1098 = arith.addi %add3A_1097, %iota3A_1095 : vector<16xi32>
    tpu.vector_store_idx %arg6[%get3A_1094], %add3A_1098 : memref<5120xi32, #tpu.memory_space<vmem>>[vector<16xi32>], vector<16xi32>,
    %get3A_1099 = arith.constant 2928 : index
    %get3A_1100 = tpu.vector_load %arg5[%get3A_1099] {strides = array<i32>} : memref<4096xi32, #tpu.memory_space<vmem>>, vector<16xi32>,
    %iota3A_1101 = tpu.iota {dimensions = array<i32: 0>} : vector<16xi32>
    %add3A_1102 = arith.constant 2928 : i32
    %add3A_1103 = vector.broadcast %add3A_1102 : i32 to vector<16xi32>
    %add3A_1104 = arith.addi %add3A_1103, %iota3A_1101 : vector<16xi32>
    tpu.vector_store_idx %arg6[%get3A_1100], %add3A_1104 : memref<5120xi32, #tpu.memory_space<vmem>>[vector<16xi32>], vector<16xi32>,
    %get3A_1105 = arith.constant 2944 : index
    %get3A_1106 = tpu.vector_load %arg5[%get3A_1105] {strides = array<i32>} : memref<4096xi32, #tpu.memory_space<vmem>>, vector<16xi32>,
    %iota3A_1107 = tpu.iota {dimensions = array<i32: 0>} : vector<16xi32>
    %add3A_1108 = arith.constant 2944 : i32
    %add3A_1109 = vector.broadcast %add3A_1108 : i32 to vector<16xi32>
    %add3A_1110 = arith.addi %add3A_1109, %iota3A_1107 : vector<16xi32>
    tpu.vector_store_idx %arg6[%get3A_1106], %add3A_1110 : memref<5120xi32, #tpu.memory_space<vmem>>[vector<16xi32>], vector<16xi32>,
    %get3A_1111 = arith.constant 2960 : index
    %get3A_1112 = tpu.vector_load %arg5[%get3A_1111] {strides = array<i32>} : memref<4096xi32, #tpu.memory_space<vmem>>, vector<16xi32>,
    %iota3A_1113 = tpu.iota {dimensions = array<i32: 0>} : vector<16xi32>
    %add3A_1114 = arith.constant 2960 : i32
    %add3A_1115 = vector.broadcast %add3A_1114 : i32 to vector<16xi32>
    %add3A_1116 = arith.addi %add3A_1115, %iota3A_1113 : vector<16xi32>
    tpu.vector_store_idx %arg6[%get3A_1112], %add3A_1116 : memref<5120xi32, #tpu.memory_space<vmem>>[vector<16xi32>], vector<16xi32>,
    %get3A_1117 = arith.constant 2976 : index
    %get3A_1118 = tpu.vector_load %arg5[%get3A_1117] {strides = array<i32>} : memref<4096xi32, #tpu.memory_space<vmem>>, vector<16xi32>,
    %iota3A_1119 = tpu.iota {dimensions = array<i32: 0>} : vector<16xi32>
    %add3A_1120 = arith.constant 2976 : i32
    %add3A_1121 = vector.broadcast %add3A_1120 : i32 to vector<16xi32>
    %add3A_1122 = arith.addi %add3A_1121, %iota3A_1119 : vector<16xi32>
    tpu.vector_store_idx %arg6[%get3A_1118], %add3A_1122 : memref<5120xi32, #tpu.memory_space<vmem>>[vector<16xi32>], vector<16xi32>,
    %get3A_1123 = arith.constant 2992 : index
    %get3A_1124 = tpu.vector_load %arg5[%get3A_1123] {strides = array<i32>} : memref<4096xi32, #tpu.memory_space<vmem>>, vector<16xi32>,
    %iota3A_1125 = tpu.iota {dimensions = array<i32: 0>} : vector<16xi32>
    %add3A_1126 = arith.constant 2992 : i32
    %add3A_1127 = vector.broadcast %add3A_1126 : i32 to vector<16xi32>
    %add3A_1128 = arith.addi %add3A_1127, %iota3A_1125 : vector<16xi32>
    tpu.vector_store_idx %arg6[%get3A_1124], %add3A_1128 : memref<5120xi32, #tpu.memory_space<vmem>>[vector<16xi32>], vector<16xi32>,
    %get3A_1129 = arith.constant 3008 : index
    %get3A_1130 = tpu.vector_load %arg5[%get3A_1129] {strides = array<i32>} : memref<4096xi32, #tpu.memory_space<vmem>>, vector<16xi32>,
    %iota3A_1131 = tpu.iota {dimensions = array<i32: 0>} : vector<16xi32>
    %add3A_1132 = arith.constant 3008 : i32
    %add3A_1133 = vector.broadcast %add3A_1132 : i32 to vector<16xi32>
    %add3A_1134 = arith.addi %add3A_1133, %iota3A_1131 : vector<16xi32>
    tpu.vector_store_idx %arg6[%get3A_1130], %add3A_1134 : memref<5120xi32, #tpu.memory_space<vmem>>[vector<16xi32>], vector<16xi32>,
    %get3A_1135 = arith.constant 3024 : index
    %get3A_1136 = tpu.vector_load %arg5[%get3A_1135] {strides = array<i32>} : memref<4096xi32, #tpu.memory_space<vmem>>, vector<16xi32>,
    %iota3A_1137 = tpu.iota {dimensions = array<i32: 0>} : vector<16xi32>
    %add3A_1138 = arith.constant 3024 : i32
    %add3A_1139 = vector.broadcast %add3A_1138 : i32 to vector<16xi32>
    %add3A_1140 = arith.addi %add3A_1139, %iota3A_1137 : vector<16xi32>
    tpu.vector_store_idx %arg6[%get3A_1136], %add3A_1140 : memref<5120xi32, #tpu.memory_space<vmem>>[vector<16xi32>], vector<16xi32>,
    %get3A_1141 = arith.constant 3040 : index
    %get3A_1142 = tpu.vector_load %arg5[%get3A_1141] {strides = array<i32>} : memref<4096xi32, #tpu.memory_space<vmem>>, vector<16xi32>,
    %iota3A_1143 = tpu.iota {dimensions = array<i32: 0>} : vector<16xi32>
    %add3A_1144 = arith.constant 3040 : i32
    %add3A_1145 = vector.broadcast %add3A_1144 : i32 to vector<16xi32>
    %add3A_1146 = arith.addi %add3A_1145, %iota3A_1143 : vector<16xi32>
    tpu.vector_store_idx %arg6[%get3A_1142], %add3A_1146 : memref<5120xi32, #tpu.memory_space<vmem>>[vector<16xi32>], vector<16xi32>,
    %get3A_1147 = arith.constant 3056 : index
    %get3A_1148 = tpu.vector_load %arg5[%get3A_1147] {strides = array<i32>} : memref<4096xi32, #tpu.memory_space<vmem>>, vector<16xi32>,
    %iota3A_1149 = tpu.iota {dimensions = array<i32: 0>} : vector<16xi32>
    %add3A_1150 = arith.constant 3056 : i32
    %add3A_1151 = vector.broadcast %add3A_1150 : i32 to vector<16xi32>
    %add3A_1152 = arith.addi %add3A_1151, %iota3A_1149 : vector<16xi32>
    tpu.vector_store_idx %arg6[%get3A_1148], %add3A_1152 : memref<5120xi32, #tpu.memory_space<vmem>>[vector<16xi32>], vector<16xi32>,
    %get3A_1153 = arith.constant 3072 : index
    %get3A_1154 = tpu.vector_load %arg5[%get3A_1153] {strides = array<i32>} : memref<4096xi32, #tpu.memory_space<vmem>>, vector<16xi32>,
    %iota3A_1155 = tpu.iota {dimensions = array<i32: 0>} : vector<16xi32>
    %add3A_1156 = arith.constant 3072 : i32
    %add3A_1157 = vector.broadcast %add3A_1156 : i32 to vector<16xi32>
    %add3A_1158 = arith.addi %add3A_1157, %iota3A_1155 : vector<16xi32>
    tpu.vector_store_idx %arg6[%get3A_1154], %add3A_1158 : memref<5120xi32, #tpu.memory_space<vmem>>[vector<16xi32>], vector<16xi32>,
    %get3A_1159 = arith.constant 3088 : index
    %get3A_1160 = tpu.vector_load %arg5[%get3A_1159] {strides = array<i32>} : memref<4096xi32, #tpu.memory_space<vmem>>, vector<16xi32>,
    %iota3A_1161 = tpu.iota {dimensions = array<i32: 0>} : vector<16xi32>
    %add3A_1162 = arith.constant 3088 : i32
    %add3A_1163 = vector.broadcast %add3A_1162 : i32 to vector<16xi32>
    %add3A_1164 = arith.addi %add3A_1163, %iota3A_1161 : vector<16xi32>
    tpu.vector_store_idx %arg6[%get3A_1160], %add3A_1164 : memref<5120xi32, #tpu.memory_space<vmem>>[vector<16xi32>], vector<16xi32>,
    %get3A_1165 = arith.constant 3104 : index
    %get3A_1166 = tpu.vector_load %arg5[%get3A_1165] {strides = array<i32>} : memref<4096xi32, #tpu.memory_space<vmem>>, vector<16xi32>,
    %iota3A_1167 = tpu.iota {dimensions = array<i32: 0>} : vector<16xi32>
    %add3A_1168 = arith.constant 3104 : i32
    %add3A_1169 = vector.broadcast %add3A_1168 : i32 to vector<16xi32>
    %add3A_1170 = arith.addi %add3A_1169, %iota3A_1167 : vector<16xi32>
    tpu.vector_store_idx %arg6[%get3A_1166], %add3A_1170 : memref<5120xi32, #tpu.memory_space<vmem>>[vector<16xi32>], vector<16xi32>,
    %get3A_1171 = arith.constant 3120 : index
    %get3A_1172 = tpu.vector_load %arg5[%get3A_1171] {strides = array<i32>} : memref<4096xi32, #tpu.memory_space<vmem>>, vector<16xi32>,
    %iota3A_1173 = tpu.iota {dimensions = array<i32: 0>} : vector<16xi32>
    %add3A_1174 = arith.constant 3120 : i32
    %add3A_1175 = vector.broadcast %add3A_1174 : i32 to vector<16xi32>
    %add3A_1176 = arith.addi %add3A_1175, %iota3A_1173 : vector<16xi32>
    tpu.vector_store_idx %arg6[%get3A_1172], %add3A_1176 : memref<5120xi32, #tpu.memory_space<vmem>>[vector<16xi32>], vector<16xi32>,
    %get3A_1177 = arith.constant 3136 : index
    %get3A_1178 = tpu.vector_load %arg5[%get3A_1177] {strides = array<i32>} : memref<4096xi32, #tpu.memory_space<vmem>>, vector<16xi32>,
    %iota3A_1179 = tpu.iota {dimensions = array<i32: 0>} : vector<16xi32>
    %add3A_1180 = arith.constant 3136 : i32
    %add3A_1181 = vector.broadcast %add3A_1180 : i32 to vector<16xi32>
    %add3A_1182 = arith.addi %add3A_1181, %iota3A_1179 : vector<16xi32>
    tpu.vector_store_idx %arg6[%get3A_1178], %add3A_1182 : memref<5120xi32, #tpu.memory_space<vmem>>[vector<16xi32>], vector<16xi32>,
    %get3A_1183 = arith.constant 3152 : index
    %get3A_1184 = tpu.vector_load %arg5[%get3A_1183] {strides = array<i32>} : memref<4096xi32, #tpu.memory_space<vmem>>, vector<16xi32>,
    %iota3A_1185 = tpu.iota {dimensions = array<i32: 0>} : vector<16xi32>
    %add3A_1186 = arith.constant 3152 : i32
    %add3A_1187 = vector.broadcast %add3A_1186 : i32 to vector<16xi32>
    %add3A_1188 = arith.addi %add3A_1187, %iota3A_1185 : vector<16xi32>
    tpu.vector_store_idx %arg6[%get3A_1184], %add3A_1188 : memref<5120xi32, #tpu.memory_space<vmem>>[vector<16xi32>], vector<16xi32>,
    %get3A_1189 = arith.constant 3168 : index
    %get3A_1190 = tpu.vector_load %arg5[%get3A_1189] {strides = array<i32>} : memref<4096xi32, #tpu.memory_space<vmem>>, vector<16xi32>,
    %iota3A_1191 = tpu.iota {dimensions = array<i32: 0>} : vector<16xi32>
    %add3A_1192 = arith.constant 3168 : i32
    %add3A_1193 = vector.broadcast %add3A_1192 : i32 to vector<16xi32>
    %add3A_1194 = arith.addi %add3A_1193, %iota3A_1191 : vector<16xi32>
    tpu.vector_store_idx %arg6[%get3A_1190], %add3A_1194 : memref<5120xi32, #tpu.memory_space<vmem>>[vector<16xi32>], vector<16xi32>,
    %get3A_1195 = arith.constant 3184 : index
    %get3A_1196 = tpu.vector_load %arg5[%get3A_1195] {strides = array<i32>} : memref<4096xi32, #tpu.memory_space<vmem>>, vector<16xi32>,
    %iota3A_1197 = tpu.iota {dimensions = array<i32: 0>} : vector<16xi32>
    %add3A_1198 = arith.constant 3184 : i32
    %add3A_1199 = vector.broadcast %add3A_1198 : i32 to vector<16xi32>
    %add3A_1200 = arith.addi %add3A_1199, %iota3A_1197 : vector<16xi32>
    tpu.vector_store_idx %arg6[%get3A_1196], %add3A_1200 : memref<5120xi32, #tpu.memory_space<vmem>>[vector<16xi32>], vector<16xi32>,
    %get3A_1201 = arith.constant 3200 : index
    %get3A_1202 = tpu.vector_load %arg5[%get3A_1201] {strides = array<i32>} : memref<4096xi32, #tpu.memory_space<vmem>>, vector<16xi32>,
    %iota3A_1203 = tpu.iota {dimensions = array<i32: 0>} : vector<16xi32>
    %add3A_1204 = arith.constant 3200 : i32
    %add3A_1205 = vector.broadcast %add3A_1204 : i32 to vector<16xi32>
    %add3A_1206 = arith.addi %add3A_1205, %iota3A_1203 : vector<16xi32>
    tpu.vector_store_idx %arg6[%get3A_1202], %add3A_1206 : memref<5120xi32, #tpu.memory_space<vmem>>[vector<16xi32>], vector<16xi32>,
    %get3A_1207 = arith.constant 3216 : index
    %get3A_1208 = tpu.vector_load %arg5[%get3A_1207] {strides = array<i32>} : memref<4096xi32, #tpu.memory_space<vmem>>, vector<16xi32>,
    %iota3A_1209 = tpu.iota {dimensions = array<i32: 0>} : vector<16xi32>
    %add3A_1210 = arith.constant 3216 : i32
    %add3A_1211 = vector.broadcast %add3A_1210 : i32 to vector<16xi32>
    %add3A_1212 = arith.addi %add3A_1211, %iota3A_1209 : vector<16xi32>
    tpu.vector_store_idx %arg6[%get3A_1208], %add3A_1212 : memref<5120xi32, #tpu.memory_space<vmem>>[vector<16xi32>], vector<16xi32>,
    %get3A_1213 = arith.constant 3232 : index
    %get3A_1214 = tpu.vector_load %arg5[%get3A_1213] {strides = array<i32>} : memref<4096xi32, #tpu.memory_space<vmem>>, vector<16xi32>,
    %iota3A_1215 = tpu.iota {dimensions = array<i32: 0>} : vector<16xi32>
    %add3A_1216 = arith.constant 3232 : i32
    %add3A_1217 = vector.broadcast %add3A_1216 : i32 to vector<16xi32>
    %add3A_1218 = arith.addi %add3A_1217, %iota3A_1215 : vector<16xi32>
    tpu.vector_store_idx %arg6[%get3A_1214], %add3A_1218 : memref<5120xi32, #tpu.memory_space<vmem>>[vector<16xi32>], vector<16xi32>,
    %get3A_1219 = arith.constant 3248 : index
    %get3A_1220 = tpu.vector_load %arg5[%get3A_1219] {strides = array<i32>} : memref<4096xi32, #tpu.memory_space<vmem>>, vector<16xi32>,
    %iota3A_1221 = tpu.iota {dimensions = array<i32: 0>} : vector<16xi32>
    %add3A_1222 = arith.constant 3248 : i32
    %add3A_1223 = vector.broadcast %add3A_1222 : i32 to vector<16xi32>
    %add3A_1224 = arith.addi %add3A_1223, %iota3A_1221 : vector<16xi32>
    tpu.vector_store_idx %arg6[%get3A_1220], %add3A_1224 : memref<5120xi32, #tpu.memory_space<vmem>>[vector<16xi32>], vector<16xi32>,
    %get3A_1225 = arith.constant 3264 : index
    %get3A_1226 = tpu.vector_load %arg5[%get3A_1225] {strides = array<i32>} : memref<4096xi32, #tpu.memory_space<vmem>>, vector<16xi32>,
    %iota3A_1227 = tpu.iota {dimensions = array<i32: 0>} : vector<16xi32>
    %add3A_1228 = arith.constant 3264 : i32
    %add3A_1229 = vector.broadcast %add3A_1228 : i32 to vector<16xi32>
    %add3A_1230 = arith.addi %add3A_1229, %iota3A_1227 : vector<16xi32>
    tpu.vector_store_idx %arg6[%get3A_1226], %add3A_1230 : memref<5120xi32, #tpu.memory_space<vmem>>[vector<16xi32>], vector<16xi32>,
    %get3A_1231 = arith.constant 3280 : index
    %get3A_1232 = tpu.vector_load %arg5[%get3A_1231] {strides = array<i32>} : memref<4096xi32, #tpu.memory_space<vmem>>, vector<16xi32>,
    %iota3A_1233 = tpu.iota {dimensions = array<i32: 0>} : vector<16xi32>
    %add3A_1234 = arith.constant 3280 : i32
    %add3A_1235 = vector.broadcast %add3A_1234 : i32 to vector<16xi32>
    %add3A_1236 = arith.addi %add3A_1235, %iota3A_1233 : vector<16xi32>
    tpu.vector_store_idx %arg6[%get3A_1232], %add3A_1236 : memref<5120xi32, #tpu.memory_space<vmem>>[vector<16xi32>], vector<16xi32>,
    %get3A_1237 = arith.constant 3296 : index
    %get3A_1238 = tpu.vector_load %arg5[%get3A_1237] {strides = array<i32>} : memref<4096xi32, #tpu.memory_space<vmem>>, vector<16xi32>,
    %iota3A_1239 = tpu.iota {dimensions = array<i32: 0>} : vector<16xi32>
    %add3A_1240 = arith.constant 3296 : i32
    %add3A_1241 = vector.broadcast %add3A_1240 : i32 to vector<16xi32>
    %add3A_1242 = arith.addi %add3A_1241, %iota3A_1239 : vector<16xi32>
    tpu.vector_store_idx %arg6[%get3A_1238], %add3A_1242 : memref<5120xi32, #tpu.memory_space<vmem>>[vector<16xi32>], vector<16xi32>,
    %get3A_1243 = arith.constant 3312 : index
    %get3A_1244 = tpu.vector_load %arg5[%get3A_1243] {strides = array<i32>} : memref<4096xi32, #tpu.memory_space<vmem>>, vector<16xi32>,
    %iota3A_1245 = tpu.iota {dimensions = array<i32: 0>} : vector<16xi32>
    %add3A_1246 = arith.constant 3312 : i32
    %add3A_1247 = vector.broadcast %add3A_1246 : i32 to vector<16xi32>
    %add3A_1248 = arith.addi %add3A_1247, %iota3A_1245 : vector<16xi32>
    tpu.vector_store_idx %arg6[%get3A_1244], %add3A_1248 : memref<5120xi32, #tpu.memory_space<vmem>>[vector<16xi32>], vector<16xi32>,
    %get3A_1249 = arith.constant 3328 : index
    %get3A_1250 = tpu.vector_load %arg5[%get3A_1249] {strides = array<i32>} : memref<4096xi32, #tpu.memory_space<vmem>>, vector<16xi32>,
    %iota3A_1251 = tpu.iota {dimensions = array<i32: 0>} : vector<16xi32>
    %add3A_1252 = arith.constant 3328 : i32
    %add3A_1253 = vector.broadcast %add3A_1252 : i32 to vector<16xi32>
    %add3A_1254 = arith.addi %add3A_1253, %iota3A_1251 : vector<16xi32>
    tpu.vector_store_idx %arg6[%get3A_1250], %add3A_1254 : memref<5120xi32, #tpu.memory_space<vmem>>[vector<16xi32>], vector<16xi32>,
    %get3A_1255 = arith.constant 3344 : index
    %get3A_1256 = tpu.vector_load %arg5[%get3A_1255] {strides = array<i32>} : memref<4096xi32, #tpu.memory_space<vmem>>, vector<16xi32>,
    %iota3A_1257 = tpu.iota {dimensions = array<i32: 0>} : vector<16xi32>
    %add3A_1258 = arith.constant 3344 : i32
    %add3A_1259 = vector.broadcast %add3A_1258 : i32 to vector<16xi32>
    %add3A_1260 = arith.addi %add3A_1259, %iota3A_1257 : vector<16xi32>
    tpu.vector_store_idx %arg6[%get3A_1256], %add3A_1260 : memref<5120xi32, #tpu.memory_space<vmem>>[vector<16xi32>], vector<16xi32>,
    %get3A_1261 = arith.constant 3360 : index
    %get3A_1262 = tpu.vector_load %arg5[%get3A_1261] {strides = array<i32>} : memref<4096xi32, #tpu.memory_space<vmem>>, vector<16xi32>,
    %iota3A_1263 = tpu.iota {dimensions = array<i32: 0>} : vector<16xi32>
    %add3A_1264 = arith.constant 3360 : i32
    %add3A_1265 = vector.broadcast %add3A_1264 : i32 to vector<16xi32>
    %add3A_1266 = arith.addi %add3A_1265, %iota3A_1263 : vector<16xi32>
    tpu.vector_store_idx %arg6[%get3A_1262], %add3A_1266 : memref<5120xi32, #tpu.memory_space<vmem>>[vector<16xi32>], vector<16xi32>,
    %get3A_1267 = arith.constant 3376 : index
    %get3A_1268 = tpu.vector_load %arg5[%get3A_1267] {strides = array<i32>} : memref<4096xi32, #tpu.memory_space<vmem>>, vector<16xi32>,
    %iota3A_1269 = tpu.iota {dimensions = array<i32: 0>} : vector<16xi32>
    %add3A_1270 = arith.constant 3376 : i32
    %add3A_1271 = vector.broadcast %add3A_1270 : i32 to vector<16xi32>
    %add3A_1272 = arith.addi %add3A_1271, %iota3A_1269 : vector<16xi32>
    tpu.vector_store_idx %arg6[%get3A_1268], %add3A_1272 : memref<5120xi32, #tpu.memory_space<vmem>>[vector<16xi32>], vector<16xi32>,
    %get3A_1273 = arith.constant 3392 : index
    %get3A_1274 = tpu.vector_load %arg5[%get3A_1273] {strides = array<i32>} : memref<4096xi32, #tpu.memory_space<vmem>>, vector<16xi32>,
    %iota3A_1275 = tpu.iota {dimensions = array<i32: 0>} : vector<16xi32>
    %add3A_1276 = arith.constant 3392 : i32
    %add3A_1277 = vector.broadcast %add3A_1276 : i32 to vector<16xi32>
    %add3A_1278 = arith.addi %add3A_1277, %iota3A_1275 : vector<16xi32>
    tpu.vector_store_idx %arg6[%get3A_1274], %add3A_1278 : memref<5120xi32, #tpu.memory_space<vmem>>[vector<16xi32>], vector<16xi32>,
    %get3A_1279 = arith.constant 3408 : index
    %get3A_1280 = tpu.vector_load %arg5[%get3A_1279] {strides = array<i32>} : memref<4096xi32, #tpu.memory_space<vmem>>, vector<16xi32>,
    %iota3A_1281 = tpu.iota {dimensions = array<i32: 0>} : vector<16xi32>
    %add3A_1282 = arith.constant 3408 : i32
    %add3A_1283 = vector.broadcast %add3A_1282 : i32 to vector<16xi32>
    %add3A_1284 = arith.addi %add3A_1283, %iota3A_1281 : vector<16xi32>
    tpu.vector_store_idx %arg6[%get3A_1280], %add3A_1284 : memref<5120xi32, #tpu.memory_space<vmem>>[vector<16xi32>], vector<16xi32>,
    %get3A_1285 = arith.constant 3424 : index
    %get3A_1286 = tpu.vector_load %arg5[%get3A_1285] {strides = array<i32>} : memref<4096xi32, #tpu.memory_space<vmem>>, vector<16xi32>,
    %iota3A_1287 = tpu.iota {dimensions = array<i32: 0>} : vector<16xi32>
    %add3A_1288 = arith.constant 3424 : i32
    %add3A_1289 = vector.broadcast %add3A_1288 : i32 to vector<16xi32>
    %add3A_1290 = arith.addi %add3A_1289, %iota3A_1287 : vector<16xi32>
    tpu.vector_store_idx %arg6[%get3A_1286], %add3A_1290 : memref<5120xi32, #tpu.memory_space<vmem>>[vector<16xi32>], vector<16xi32>,
    %get3A_1291 = arith.constant 3440 : index
    %get3A_1292 = tpu.vector_load %arg5[%get3A_1291] {strides = array<i32>} : memref<4096xi32, #tpu.memory_space<vmem>>, vector<16xi32>,
    %iota3A_1293 = tpu.iota {dimensions = array<i32: 0>} : vector<16xi32>
    %add3A_1294 = arith.constant 3440 : i32
    %add3A_1295 = vector.broadcast %add3A_1294 : i32 to vector<16xi32>
    %add3A_1296 = arith.addi %add3A_1295, %iota3A_1293 : vector<16xi32>
    tpu.vector_store_idx %arg6[%get3A_1292], %add3A_1296 : memref<5120xi32, #tpu.memory_space<vmem>>[vector<16xi32>], vector<16xi32>,
    %get3A_1297 = arith.constant 3456 : index
    %get3A_1298 = tpu.vector_load %arg5[%get3A_1297] {strides = array<i32>} : memref<4096xi32, #tpu.memory_space<vmem>>, vector<16xi32>,
    %iota3A_1299 = tpu.iota {dimensions = array<i32: 0>} : vector<16xi32>
    %add3A_1300 = arith.constant 3456 : i32
    %add3A_1301 = vector.broadcast %add3A_1300 : i32 to vector<16xi32>
    %add3A_1302 = arith.addi %add3A_1301, %iota3A_1299 : vector<16xi32>
    tpu.vector_store_idx %arg6[%get3A_1298], %add3A_1302 : memref<5120xi32, #tpu.memory_space<vmem>>[vector<16xi32>], vector<16xi32>,
    %get3A_1303 = arith.constant 3472 : index
    %get3A_1304 = tpu.vector_load %arg5[%get3A_1303] {strides = array<i32>} : memref<4096xi32, #tpu.memory_space<vmem>>, vector<16xi32>,
    %iota3A_1305 = tpu.iota {dimensions = array<i32: 0>} : vector<16xi32>
    %add3A_1306 = arith.constant 3472 : i32
    %add3A_1307 = vector.broadcast %add3A_1306 : i32 to vector<16xi32>
    %add3A_1308 = arith.addi %add3A_1307, %iota3A_1305 : vector<16xi32>
    tpu.vector_store_idx %arg6[%get3A_1304], %add3A_1308 : memref<5120xi32, #tpu.memory_space<vmem>>[vector<16xi32>], vector<16xi32>,
    %get3A_1309 = arith.constant 3488 : index
    %get3A_1310 = tpu.vector_load %arg5[%get3A_1309] {strides = array<i32>} : memref<4096xi32, #tpu.memory_space<vmem>>, vector<16xi32>,
    %iota3A_1311 = tpu.iota {dimensions = array<i32: 0>} : vector<16xi32>
    %add3A_1312 = arith.constant 3488 : i32
    %add3A_1313 = vector.broadcast %add3A_1312 : i32 to vector<16xi32>
    %add3A_1314 = arith.addi %add3A_1313, %iota3A_1311 : vector<16xi32>
    tpu.vector_store_idx %arg6[%get3A_1310], %add3A_1314 : memref<5120xi32, #tpu.memory_space<vmem>>[vector<16xi32>], vector<16xi32>,
    %get3A_1315 = arith.constant 3504 : index
    %get3A_1316 = tpu.vector_load %arg5[%get3A_1315] {strides = array<i32>} : memref<4096xi32, #tpu.memory_space<vmem>>, vector<16xi32>,
    %iota3A_1317 = tpu.iota {dimensions = array<i32: 0>} : vector<16xi32>
    %add3A_1318 = arith.constant 3504 : i32
    %add3A_1319 = vector.broadcast %add3A_1318 : i32 to vector<16xi32>
    %add3A_1320 = arith.addi %add3A_1319, %iota3A_1317 : vector<16xi32>
    tpu.vector_store_idx %arg6[%get3A_1316], %add3A_1320 : memref<5120xi32, #tpu.memory_space<vmem>>[vector<16xi32>], vector<16xi32>,
    %get3A_1321 = arith.constant 3520 : index
    %get3A_1322 = tpu.vector_load %arg5[%get3A_1321] {strides = array<i32>} : memref<4096xi32, #tpu.memory_space<vmem>>, vector<16xi32>,
    %iota3A_1323 = tpu.iota {dimensions = array<i32: 0>} : vector<16xi32>
    %add3A_1324 = arith.constant 3520 : i32
    %add3A_1325 = vector.broadcast %add3A_1324 : i32 to vector<16xi32>
    %add3A_1326 = arith.addi %add3A_1325, %iota3A_1323 : vector<16xi32>
    tpu.vector_store_idx %arg6[%get3A_1322], %add3A_1326 : memref<5120xi32, #tpu.memory_space<vmem>>[vector<16xi32>], vector<16xi32>,
    %get3A_1327 = arith.constant 3536 : index
    %get3A_1328 = tpu.vector_load %arg5[%get3A_1327] {strides = array<i32>} : memref<4096xi32, #tpu.memory_space<vmem>>, vector<16xi32>,
    %iota3A_1329 = tpu.iota {dimensions = array<i32: 0>} : vector<16xi32>
    %add3A_1330 = arith.constant 3536 : i32
    %add3A_1331 = vector.broadcast %add3A_1330 : i32 to vector<16xi32>
    %add3A_1332 = arith.addi %add3A_1331, %iota3A_1329 : vector<16xi32>
    tpu.vector_store_idx %arg6[%get3A_1328], %add3A_1332 : memref<5120xi32, #tpu.memory_space<vmem>>[vector<16xi32>], vector<16xi32>,
    %get3A_1333 = arith.constant 3552 : index
    %get3A_1334 = tpu.vector_load %arg5[%get3A_1333] {strides = array<i32>} : memref<4096xi32, #tpu.memory_space<vmem>>, vector<16xi32>,
    %iota3A_1335 = tpu.iota {dimensions = array<i32: 0>} : vector<16xi32>
    %add3A_1336 = arith.constant 3552 : i32
    %add3A_1337 = vector.broadcast %add3A_1336 : i32 to vector<16xi32>
    %add3A_1338 = arith.addi %add3A_1337, %iota3A_1335 : vector<16xi32>
    tpu.vector_store_idx %arg6[%get3A_1334], %add3A_1338 : memref<5120xi32, #tpu.memory_space<vmem>>[vector<16xi32>], vector<16xi32>,
    %get3A_1339 = arith.constant 3568 : index
    %get3A_1340 = tpu.vector_load %arg5[%get3A_1339] {strides = array<i32>} : memref<4096xi32, #tpu.memory_space<vmem>>, vector<16xi32>,
    %iota3A_1341 = tpu.iota {dimensions = array<i32: 0>} : vector<16xi32>
    %add3A_1342 = arith.constant 3568 : i32
    %add3A_1343 = vector.broadcast %add3A_1342 : i32 to vector<16xi32>
    %add3A_1344 = arith.addi %add3A_1343, %iota3A_1341 : vector<16xi32>
    tpu.vector_store_idx %arg6[%get3A_1340], %add3A_1344 : memref<5120xi32, #tpu.memory_space<vmem>>[vector<16xi32>], vector<16xi32>,
    %get3A_1345 = arith.constant 3584 : index
    %get3A_1346 = tpu.vector_load %arg5[%get3A_1345] {strides = array<i32>} : memref<4096xi32, #tpu.memory_space<vmem>>, vector<16xi32>,
    %iota3A_1347 = tpu.iota {dimensions = array<i32: 0>} : vector<16xi32>
    %add3A_1348 = arith.constant 3584 : i32
    %add3A_1349 = vector.broadcast %add3A_1348 : i32 to vector<16xi32>
    %add3A_1350 = arith.addi %add3A_1349, %iota3A_1347 : vector<16xi32>
    tpu.vector_store_idx %arg6[%get3A_1346], %add3A_1350 : memref<5120xi32, #tpu.memory_space<vmem>>[vector<16xi32>], vector<16xi32>,
    %get3A_1351 = arith.constant 3600 : index
    %get3A_1352 = tpu.vector_load %arg5[%get3A_1351] {strides = array<i32>} : memref<4096xi32, #tpu.memory_space<vmem>>, vector<16xi32>,
    %iota3A_1353 = tpu.iota {dimensions = array<i32: 0>} : vector<16xi32>
    %add3A_1354 = arith.constant 3600 : i32
    %add3A_1355 = vector.broadcast %add3A_1354 : i32 to vector<16xi32>
    %add3A_1356 = arith.addi %add3A_1355, %iota3A_1353 : vector<16xi32>
    tpu.vector_store_idx %arg6[%get3A_1352], %add3A_1356 : memref<5120xi32, #tpu.memory_space<vmem>>[vector<16xi32>], vector<16xi32>,
    %get3A_1357 = arith.constant 3616 : index
    %get3A_1358 = tpu.vector_load %arg5[%get3A_1357] {strides = array<i32>} : memref<4096xi32, #tpu.memory_space<vmem>>, vector<16xi32>,
    %iota3A_1359 = tpu.iota {dimensions = array<i32: 0>} : vector<16xi32>
    %add3A_1360 = arith.constant 3616 : i32
    %add3A_1361 = vector.broadcast %add3A_1360 : i32 to vector<16xi32>
    %add3A_1362 = arith.addi %add3A_1361, %iota3A_1359 : vector<16xi32>
    tpu.vector_store_idx %arg6[%get3A_1358], %add3A_1362 : memref<5120xi32, #tpu.memory_space<vmem>>[vector<16xi32>], vector<16xi32>,
    %get3A_1363 = arith.constant 3632 : index
    %get3A_1364 = tpu.vector_load %arg5[%get3A_1363] {strides = array<i32>} : memref<4096xi32, #tpu.memory_space<vmem>>, vector<16xi32>,
    %iota3A_1365 = tpu.iota {dimensions = array<i32: 0>} : vector<16xi32>
    %add3A_1366 = arith.constant 3632 : i32
    %add3A_1367 = vector.broadcast %add3A_1366 : i32 to vector<16xi32>
    %add3A_1368 = arith.addi %add3A_1367, %iota3A_1365 : vector<16xi32>
    tpu.vector_store_idx %arg6[%get3A_1364], %add3A_1368 : memref<5120xi32, #tpu.memory_space<vmem>>[vector<16xi32>], vector<16xi32>,
    %get3A_1369 = arith.constant 3648 : index
    %get3A_1370 = tpu.vector_load %arg5[%get3A_1369] {strides = array<i32>} : memref<4096xi32, #tpu.memory_space<vmem>>, vector<16xi32>,
    %iota3A_1371 = tpu.iota {dimensions = array<i32: 0>} : vector<16xi32>
    %add3A_1372 = arith.constant 3648 : i32
    %add3A_1373 = vector.broadcast %add3A_1372 : i32 to vector<16xi32>
    %add3A_1374 = arith.addi %add3A_1373, %iota3A_1371 : vector<16xi32>
    tpu.vector_store_idx %arg6[%get3A_1370], %add3A_1374 : memref<5120xi32, #tpu.memory_space<vmem>>[vector<16xi32>], vector<16xi32>,
    %get3A_1375 = arith.constant 3664 : index
    %get3A_1376 = tpu.vector_load %arg5[%get3A_1375] {strides = array<i32>} : memref<4096xi32, #tpu.memory_space<vmem>>, vector<16xi32>,
    %iota3A_1377 = tpu.iota {dimensions = array<i32: 0>} : vector<16xi32>
    %add3A_1378 = arith.constant 3664 : i32
    %add3A_1379 = vector.broadcast %add3A_1378 : i32 to vector<16xi32>
    %add3A_1380 = arith.addi %add3A_1379, %iota3A_1377 : vector<16xi32>
    tpu.vector_store_idx %arg6[%get3A_1376], %add3A_1380 : memref<5120xi32, #tpu.memory_space<vmem>>[vector<16xi32>], vector<16xi32>,
    %get3A_1381 = arith.constant 3680 : index
    %get3A_1382 = tpu.vector_load %arg5[%get3A_1381] {strides = array<i32>} : memref<4096xi32, #tpu.memory_space<vmem>>, vector<16xi32>,
    %iota3A_1383 = tpu.iota {dimensions = array<i32: 0>} : vector<16xi32>
    %add3A_1384 = arith.constant 3680 : i32
    %add3A_1385 = vector.broadcast %add3A_1384 : i32 to vector<16xi32>
    %add3A_1386 = arith.addi %add3A_1385, %iota3A_1383 : vector<16xi32>
    tpu.vector_store_idx %arg6[%get3A_1382], %add3A_1386 : memref<5120xi32, #tpu.memory_space<vmem>>[vector<16xi32>], vector<16xi32>,
    %get3A_1387 = arith.constant 3696 : index
    %get3A_1388 = tpu.vector_load %arg5[%get3A_1387] {strides = array<i32>} : memref<4096xi32, #tpu.memory_space<vmem>>, vector<16xi32>,
    %iota3A_1389 = tpu.iota {dimensions = array<i32: 0>} : vector<16xi32>
    %add3A_1390 = arith.constant 3696 : i32
    %add3A_1391 = vector.broadcast %add3A_1390 : i32 to vector<16xi32>
    %add3A_1392 = arith.addi %add3A_1391, %iota3A_1389 : vector<16xi32>
    tpu.vector_store_idx %arg6[%get3A_1388], %add3A_1392 : memref<5120xi32, #tpu.memory_space<vmem>>[vector<16xi32>], vector<16xi32>,
    %get3A_1393 = arith.constant 3712 : index
    %get3A_1394 = tpu.vector_load %arg5[%get3A_1393] {strides = array<i32>} : memref<4096xi32, #tpu.memory_space<vmem>>, vector<16xi32>,
    %iota3A_1395 = tpu.iota {dimensions = array<i32: 0>} : vector<16xi32>
    %add3A_1396 = arith.constant 3712 : i32
    %add3A_1397 = vector.broadcast %add3A_1396 : i32 to vector<16xi32>
    %add3A_1398 = arith.addi %add3A_1397, %iota3A_1395 : vector<16xi32>
    tpu.vector_store_idx %arg6[%get3A_1394], %add3A_1398 : memref<5120xi32, #tpu.memory_space<vmem>>[vector<16xi32>], vector<16xi32>,
    %get3A_1399 = arith.constant 3728 : index
    %get3A_1400 = tpu.vector_load %arg5[%get3A_1399] {strides = array<i32>} : memref<4096xi32, #tpu.memory_space<vmem>>, vector<16xi32>,
    %iota3A_1401 = tpu.iota {dimensions = array<i32: 0>} : vector<16xi32>
    %add3A_1402 = arith.constant 3728 : i32
    %add3A_1403 = vector.broadcast %add3A_1402 : i32 to vector<16xi32>
    %add3A_1404 = arith.addi %add3A_1403, %iota3A_1401 : vector<16xi32>
    tpu.vector_store_idx %arg6[%get3A_1400], %add3A_1404 : memref<5120xi32, #tpu.memory_space<vmem>>[vector<16xi32>], vector<16xi32>,
    %get3A_1405 = arith.constant 3744 : index
    %get3A_1406 = tpu.vector_load %arg5[%get3A_1405] {strides = array<i32>} : memref<4096xi32, #tpu.memory_space<vmem>>, vector<16xi32>,
    %iota3A_1407 = tpu.iota {dimensions = array<i32: 0>} : vector<16xi32>
    %add3A_1408 = arith.constant 3744 : i32
    %add3A_1409 = vector.broadcast %add3A_1408 : i32 to vector<16xi32>
    %add3A_1410 = arith.addi %add3A_1409, %iota3A_1407 : vector<16xi32>
    tpu.vector_store_idx %arg6[%get3A_1406], %add3A_1410 : memref<5120xi32, #tpu.memory_space<vmem>>[vector<16xi32>], vector<16xi32>,
    %get3A_1411 = arith.constant 3760 : index
    %get3A_1412 = tpu.vector_load %arg5[%get3A_1411] {strides = array<i32>} : memref<4096xi32, #tpu.memory_space<vmem>>, vector<16xi32>,
    %iota3A_1413 = tpu.iota {dimensions = array<i32: 0>} : vector<16xi32>
    %add3A_1414 = arith.constant 3760 : i32
    %add3A_1415 = vector.broadcast %add3A_1414 : i32 to vector<16xi32>
    %add3A_1416 = arith.addi %add3A_1415, %iota3A_1413 : vector<16xi32>
    tpu.vector_store_idx %arg6[%get3A_1412], %add3A_1416 : memref<5120xi32, #tpu.memory_space<vmem>>[vector<16xi32>], vector<16xi32>,
    %get3A_1417 = arith.constant 3776 : index
    %get3A_1418 = tpu.vector_load %arg5[%get3A_1417] {strides = array<i32>} : memref<4096xi32, #tpu.memory_space<vmem>>, vector<16xi32>,
    %iota3A_1419 = tpu.iota {dimensions = array<i32: 0>} : vector<16xi32>
    %add3A_1420 = arith.constant 3776 : i32
    %add3A_1421 = vector.broadcast %add3A_1420 : i32 to vector<16xi32>
    %add3A_1422 = arith.addi %add3A_1421, %iota3A_1419 : vector<16xi32>
    tpu.vector_store_idx %arg6[%get3A_1418], %add3A_1422 : memref<5120xi32, #tpu.memory_space<vmem>>[vector<16xi32>], vector<16xi32>,
    %get3A_1423 = arith.constant 3792 : index
    %get3A_1424 = tpu.vector_load %arg5[%get3A_1423] {strides = array<i32>} : memref<4096xi32, #tpu.memory_space<vmem>>, vector<16xi32>,
    %iota3A_1425 = tpu.iota {dimensions = array<i32: 0>} : vector<16xi32>
    %add3A_1426 = arith.constant 3792 : i32
    %add3A_1427 = vector.broadcast %add3A_1426 : i32 to vector<16xi32>
    %add3A_1428 = arith.addi %add3A_1427, %iota3A_1425 : vector<16xi32>
    tpu.vector_store_idx %arg6[%get3A_1424], %add3A_1428 : memref<5120xi32, #tpu.memory_space<vmem>>[vector<16xi32>], vector<16xi32>,
    %get3A_1429 = arith.constant 3808 : index
    %get3A_1430 = tpu.vector_load %arg5[%get3A_1429] {strides = array<i32>} : memref<4096xi32, #tpu.memory_space<vmem>>, vector<16xi32>,
    %iota3A_1431 = tpu.iota {dimensions = array<i32: 0>} : vector<16xi32>
    %add3A_1432 = arith.constant 3808 : i32
    %add3A_1433 = vector.broadcast %add3A_1432 : i32 to vector<16xi32>
    %add3A_1434 = arith.addi %add3A_1433, %iota3A_1431 : vector<16xi32>
    tpu.vector_store_idx %arg6[%get3A_1430], %add3A_1434 : memref<5120xi32, #tpu.memory_space<vmem>>[vector<16xi32>], vector<16xi32>,
    %get3A_1435 = arith.constant 3824 : index
    %get3A_1436 = tpu.vector_load %arg5[%get3A_1435] {strides = array<i32>} : memref<4096xi32, #tpu.memory_space<vmem>>, vector<16xi32>,
    %iota3A_1437 = tpu.iota {dimensions = array<i32: 0>} : vector<16xi32>
    %add3A_1438 = arith.constant 3824 : i32
    %add3A_1439 = vector.broadcast %add3A_1438 : i32 to vector<16xi32>
    %add3A_1440 = arith.addi %add3A_1439, %iota3A_1437 : vector<16xi32>
    tpu.vector_store_idx %arg6[%get3A_1436], %add3A_1440 : memref<5120xi32, #tpu.memory_space<vmem>>[vector<16xi32>], vector<16xi32>,
    %get3A_1441 = arith.constant 3840 : index
    %get3A_1442 = tpu.vector_load %arg5[%get3A_1441] {strides = array<i32>} : memref<4096xi32, #tpu.memory_space<vmem>>, vector<16xi32>,
    %iota3A_1443 = tpu.iota {dimensions = array<i32: 0>} : vector<16xi32>
    %add3A_1444 = arith.constant 3840 : i32
    %add3A_1445 = vector.broadcast %add3A_1444 : i32 to vector<16xi32>
    %add3A_1446 = arith.addi %add3A_1445, %iota3A_1443 : vector<16xi32>
    tpu.vector_store_idx %arg6[%get3A_1442], %add3A_1446 : memref<5120xi32, #tpu.memory_space<vmem>>[vector<16xi32>], vector<16xi32>,
    %get3A_1447 = arith.constant 3856 : index
    %get3A_1448 = tpu.vector_load %arg5[%get3A_1447] {strides = array<i32>} : memref<4096xi32, #tpu.memory_space<vmem>>, vector<16xi32>,
    %iota3A_1449 = tpu.iota {dimensions = array<i32: 0>} : vector<16xi32>
    %add3A_1450 = arith.constant 3856 : i32
    %add3A_1451 = vector.broadcast %add3A_1450 : i32 to vector<16xi32>
    %add3A_1452 = arith.addi %add3A_1451, %iota3A_1449 : vector<16xi32>
    tpu.vector_store_idx %arg6[%get3A_1448], %add3A_1452 : memref<5120xi32, #tpu.memory_space<vmem>>[vector<16xi32>], vector<16xi32>,
    %get3A_1453 = arith.constant 3872 : index
    %get3A_1454 = tpu.vector_load %arg5[%get3A_1453] {strides = array<i32>} : memref<4096xi32, #tpu.memory_space<vmem>>, vector<16xi32>,
    %iota3A_1455 = tpu.iota {dimensions = array<i32: 0>} : vector<16xi32>
    %add3A_1456 = arith.constant 3872 : i32
    %add3A_1457 = vector.broadcast %add3A_1456 : i32 to vector<16xi32>
    %add3A_1458 = arith.addi %add3A_1457, %iota3A_1455 : vector<16xi32>
    tpu.vector_store_idx %arg6[%get3A_1454], %add3A_1458 : memref<5120xi32, #tpu.memory_space<vmem>>[vector<16xi32>], vector<16xi32>,
    %get3A_1459 = arith.constant 3888 : index
    %get3A_1460 = tpu.vector_load %arg5[%get3A_1459] {strides = array<i32>} : memref<4096xi32, #tpu.memory_space<vmem>>, vector<16xi32>,
    %iota3A_1461 = tpu.iota {dimensions = array<i32: 0>} : vector<16xi32>
    %add3A_1462 = arith.constant 3888 : i32
    %add3A_1463 = vector.broadcast %add3A_1462 : i32 to vector<16xi32>
    %add3A_1464 = arith.addi %add3A_1463, %iota3A_1461 : vector<16xi32>
    tpu.vector_store_idx %arg6[%get3A_1460], %add3A_1464 : memref<5120xi32, #tpu.memory_space<vmem>>[vector<16xi32>], vector<16xi32>,
    %get3A_1465 = arith.constant 3904 : index
    %get3A_1466 = tpu.vector_load %arg5[%get3A_1465] {strides = array<i32>} : memref<4096xi32, #tpu.memory_space<vmem>>, vector<16xi32>,
    %iota3A_1467 = tpu.iota {dimensions = array<i32: 0>} : vector<16xi32>
    %add3A_1468 = arith.constant 3904 : i32
    %add3A_1469 = vector.broadcast %add3A_1468 : i32 to vector<16xi32>
    %add3A_1470 = arith.addi %add3A_1469, %iota3A_1467 : vector<16xi32>
    tpu.vector_store_idx %arg6[%get3A_1466], %add3A_1470 : memref<5120xi32, #tpu.memory_space<vmem>>[vector<16xi32>], vector<16xi32>,
    %get3A_1471 = arith.constant 3920 : index
    %get3A_1472 = tpu.vector_load %arg5[%get3A_1471] {strides = array<i32>} : memref<4096xi32, #tpu.memory_space<vmem>>, vector<16xi32>,
    %iota3A_1473 = tpu.iota {dimensions = array<i32: 0>} : vector<16xi32>
    %add3A_1474 = arith.constant 3920 : i32
    %add3A_1475 = vector.broadcast %add3A_1474 : i32 to vector<16xi32>
    %add3A_1476 = arith.addi %add3A_1475, %iota3A_1473 : vector<16xi32>
    tpu.vector_store_idx %arg6[%get3A_1472], %add3A_1476 : memref<5120xi32, #tpu.memory_space<vmem>>[vector<16xi32>], vector<16xi32>,
    %get3A_1477 = arith.constant 3936 : index
    %get3A_1478 = tpu.vector_load %arg5[%get3A_1477] {strides = array<i32>} : memref<4096xi32, #tpu.memory_space<vmem>>, vector<16xi32>,
    %iota3A_1479 = tpu.iota {dimensions = array<i32: 0>} : vector<16xi32>
    %add3A_1480 = arith.constant 3936 : i32
    %add3A_1481 = vector.broadcast %add3A_1480 : i32 to vector<16xi32>
    %add3A_1482 = arith.addi %add3A_1481, %iota3A_1479 : vector<16xi32>
    tpu.vector_store_idx %arg6[%get3A_1478], %add3A_1482 : memref<5120xi32, #tpu.memory_space<vmem>>[vector<16xi32>], vector<16xi32>,
    %get3A_1483 = arith.constant 3952 : index
    %get3A_1484 = tpu.vector_load %arg5[%get3A_1483] {strides = array<i32>} : memref<4096xi32, #tpu.memory_space<vmem>>, vector<16xi32>,
    %iota3A_1485 = tpu.iota {dimensions = array<i32: 0>} : vector<16xi32>
    %add3A_1486 = arith.constant 3952 : i32
    %add3A_1487 = vector.broadcast %add3A_1486 : i32 to vector<16xi32>
    %add3A_1488 = arith.addi %add3A_1487, %iota3A_1485 : vector<16xi32>
    tpu.vector_store_idx %arg6[%get3A_1484], %add3A_1488 : memref<5120xi32, #tpu.memory_space<vmem>>[vector<16xi32>], vector<16xi32>,
    %get3A_1489 = arith.constant 3968 : index
    %get3A_1490 = tpu.vector_load %arg5[%get3A_1489] {strides = array<i32>} : memref<4096xi32, #tpu.memory_space<vmem>>, vector<16xi32>,
    %iota3A_1491 = tpu.iota {dimensions = array<i32: 0>} : vector<16xi32>
    %add3A_1492 = arith.constant 3968 : i32
    %add3A_1493 = vector.broadcast %add3A_1492 : i32 to vector<16xi32>
    %add3A_1494 = arith.addi %add3A_1493, %iota3A_1491 : vector<16xi32>
    tpu.vector_store_idx %arg6[%get3A_1490], %add3A_1494 : memref<5120xi32, #tpu.memory_space<vmem>>[vector<16xi32>], vector<16xi32>,
    %get3A_1495 = arith.constant 3984 : index
    %get3A_1496 = tpu.vector_load %arg5[%get3A_1495] {strides = array<i32>} : memref<4096xi32, #tpu.memory_space<vmem>>, vector<16xi32>,
    %iota3A_1497 = tpu.iota {dimensions = array<i32: 0>} : vector<16xi32>
    %add3A_1498 = arith.constant 3984 : i32
    %add3A_1499 = vector.broadcast %add3A_1498 : i32 to vector<16xi32>
    %add3A_1500 = arith.addi %add3A_1499, %iota3A_1497 : vector<16xi32>
    tpu.vector_store_idx %arg6[%get3A_1496], %add3A_1500 : memref<5120xi32, #tpu.memory_space<vmem>>[vector<16xi32>], vector<16xi32>,
    %get3A_1501 = arith.constant 4000 : index
    %get3A_1502 = tpu.vector_load %arg5[%get3A_1501] {strides = array<i32>} : memref<4096xi32, #tpu.memory_space<vmem>>, vector<16xi32>,
    %iota3A_1503 = tpu.iota {dimensions = array<i32: 0>} : vector<16xi32>
    %add3A_1504 = arith.constant 4000 : i32
    %add3A_1505 = vector.broadcast %add3A_1504 : i32 to vector<16xi32>
    %add3A_1506 = arith.addi %add3A_1505, %iota3A_1503 : vector<16xi32>
    tpu.vector_store_idx %arg6[%get3A_1502], %add3A_1506 : memref<5120xi32, #tpu.memory_space<vmem>>[vector<16xi32>], vector<16xi32>,
    %get3A_1507 = arith.constant 4016 : index
    %get3A_1508 = tpu.vector_load %arg5[%get3A_1507] {strides = array<i32>} : memref<4096xi32, #tpu.memory_space<vmem>>, vector<16xi32>,
    %iota3A_1509 = tpu.iota {dimensions = array<i32: 0>} : vector<16xi32>
    %add3A_1510 = arith.constant 4016 : i32
    %add3A_1511 = vector.broadcast %add3A_1510 : i32 to vector<16xi32>
    %add3A_1512 = arith.addi %add3A_1511, %iota3A_1509 : vector<16xi32>
    tpu.vector_store_idx %arg6[%get3A_1508], %add3A_1512 : memref<5120xi32, #tpu.memory_space<vmem>>[vector<16xi32>], vector<16xi32>,
    %get3A_1513 = arith.constant 4032 : index
    %get3A_1514 = tpu.vector_load %arg5[%get3A_1513] {strides = array<i32>} : memref<4096xi32, #tpu.memory_space<vmem>>, vector<16xi32>,
    %iota3A_1515 = tpu.iota {dimensions = array<i32: 0>} : vector<16xi32>
    %add3A_1516 = arith.constant 4032 : i32
    %add3A_1517 = vector.broadcast %add3A_1516 : i32 to vector<16xi32>
    %add3A_1518 = arith.addi %add3A_1517, %iota3A_1515 : vector<16xi32>
    tpu.vector_store_idx %arg6[%get3A_1514], %add3A_1518 : memref<5120xi32, #tpu.memory_space<vmem>>[vector<16xi32>], vector<16xi32>,
    %get3A_1519 = arith.constant 4048 : index
    %get3A_1520 = tpu.vector_load %arg5[%get3A_1519] {strides = array<i32>} : memref<4096xi32, #tpu.memory_space<vmem>>, vector<16xi32>,
    %iota3A_1521 = tpu.iota {dimensions = array<i32: 0>} : vector<16xi32>
    %add3A_1522 = arith.constant 4048 : i32
    %add3A_1523 = vector.broadcast %add3A_1522 : i32 to vector<16xi32>
    %add3A_1524 = arith.addi %add3A_1523, %iota3A_1521 : vector<16xi32>
    tpu.vector_store_idx %arg6[%get3A_1520], %add3A_1524 : memref<5120xi32, #tpu.memory_space<vmem>>[vector<16xi32>], vector<16xi32>,
    %get3A_1525 = arith.constant 4064 : index
    %get3A_1526 = tpu.vector_load %arg5[%get3A_1525] {strides = array<i32>} : memref<4096xi32, #tpu.memory_space<vmem>>, vector<16xi32>,
    %iota3A_1527 = tpu.iota {dimensions = array<i32: 0>} : vector<16xi32>
    %add3A_1528 = arith.constant 4064 : i32
    %add3A_1529 = vector.broadcast %add3A_1528 : i32 to vector<16xi32>
    %add3A_1530 = arith.addi %add3A_1529, %iota3A_1527 : vector<16xi32>
    tpu.vector_store_idx %arg6[%get3A_1526], %add3A_1530 : memref<5120xi32, #tpu.memory_space<vmem>>[vector<16xi32>], vector<16xi32>,
    %get3A_1531 = arith.constant 4080 : index
    %get3A_1532 = tpu.vector_load %arg5[%get3A_1531] {strides = array<i32>} : memref<4096xi32, #tpu.memory_space<vmem>>, vector<16xi32>,
    %iota3A_1533 = tpu.iota {dimensions = array<i32: 0>} : vector<16xi32>
    %add3A_1534 = arith.constant 4080 : i32
    %add3A_1535 = vector.broadcast %add3A_1534 : i32 to vector<16xi32>
    %add3A_1536 = arith.addi %add3A_1535, %iota3A_1533 : vector<16xi32>
    tpu.vector_store_idx %arg6[%get3A_1532], %add3A_1536 : memref<5120xi32, #tpu.memory_space<vmem>>[vector<16xi32>], vector<16xi32>,
    %dma_start3A = tpu.memref_slice %arg6[%mul3A_2] : memref<5120xi32, #tpu.memory_space<vmem>> -> memref<32xi32, #tpu.memory_space<vmem>>
    %dma_start3A_1537 = arith.constant 0 : i32
    %dma_start3A_1538 = arith.constant 0 : i32
    %dma_start3A_1539 = tpu.memref_slice %arg3[%dma_start3A_1537, %dma_start3A_1538] : memref<4096x512xf32, #tpu.memory_space<hbm>> -> memref<4096x512xf32, #tpu.memory_space<hbm>>
    tpu.enqueue_indirect_dma source(%dma_start3A_1539 : memref<4096x512xf32, #tpu.memory_space<hbm>>) target(%arg7 : memref<32x512xf32, #tpu.memory_space<vmem>>) offsets(%dma_start3A : memref<32xi32, #tpu.memory_space<vmem>>) semaphore(%arg8 : memref<!tpu.dma_semaphore, #tpu.memory_space<semaphore_mem>>)
    %dma_wait3A = tpu.memref_slice %arg6[%mul3A_2] : memref<5120xi32, #tpu.memory_space<vmem>> -> memref<32xi32, #tpu.memory_space<vmem>>
    %dma_wait3A_1540 = arith.constant 0 : i32
    %dma_wait3A_1541 = arith.constant 0 : i32
    %dma_wait3A_1542 = tpu.memref_slice %arg3[%dma_wait3A_1540, %dma_wait3A_1541] : memref<4096x512xf32, #tpu.memory_space<hbm>> -> memref<4096x512xf32, #tpu.memory_space<hbm>>
    tpu.wait_indirect_dma semaphore(%arg8 : memref<!tpu.dma_semaphore, #tpu.memory_space<semaphore_mem>>) src(%dma_wait3A_1542 : memref<4096x512xf32, #tpu.memory_space<hbm>>) dst(%arg7 : memref<32x512xf32, #tpu.memory_space<vmem>>)
    "tpu.region"() ({
      %run_scoped3A = tpu.sem_alloc : memref<!tpu.dma_semaphore, #tpu.memory_space<semaphore_mem>>
      %dma_start3A_1543 = arith.constant 0 : i32
      %dma_start3A_1544 = tpu.memref_slice %arg4[%mul3A_2, %dma_start3A_1543] : memref<1024x512xf32, #tpu.memory_space<hbm>> -> memref<32x512xf32, #tpu.memory_space<hbm>>
      %dma_start3A_1545 = arith.constant 0 : i32
      %dma_start3A_1546 = tpu.memref_slice %arg4[%mul3A_2, %dma_start3A_1545] : memref<1024x512xf32, #tpu.memory_space<hbm>> -> memref<32x512xf32, #tpu.memory_space<hbm>>
      tpu.enqueue_dma source(%arg7 : memref<32x512xf32, #tpu.memory_space<vmem>>) target(%dma_start3A_1546 : memref<32x512xf32, #tpu.memory_space<hbm>>) target_semaphore(%run_scoped3A : memref<!tpu.dma_semaphore, #tpu.memory_space<semaphore_mem>>)
      %dma_wait3A_1547 = arith.constant 0 : i32
      %dma_wait3A_1548 = tpu.memref_slice %arg4[%mul3A_2, %dma_wait3A_1547] : memref<1024x512xf32, #tpu.memory_space<hbm>> -> memref<32x512xf32, #tpu.memory_space<hbm>>
      %dma_wait3A_1549 = arith.constant 0 : i32
      %dma_wait3A_1550 = tpu.memref_slice %arg4[%mul3A_2, %dma_wait3A_1549] : memref<1024x512xf32, #tpu.memory_space<hbm>> -> memref<32x512xf32, #tpu.memory_space<hbm>>
      tpu.wait_dma2 semaphore(%run_scoped3A : memref<!tpu.dma_semaphore, #tpu.memory_space<semaphore_mem>>) src(%arg7 : memref<32x512xf32, #tpu.memory_space<vmem>>) dst(%dma_wait3A_1550 : memref<32x512xf32, #tpu.memory_space<hbm>>)
      tpu.yield
    }) : () -> ()
    return
  }
}

module attributes {stable_mosaic.version = 14 : i64} {
  func.func @_final_body(%arg0: i32, %arg1: memref<512x512xf32, #tpu.memory_space<vmem>>, %arg2: memref<512x512xf32, #tpu.memory_space<vmem>>, %arg3: memref<1x512xf32, #tpu.memory_space<vmem>>, %arg4: memref<512x512xf32, #tpu.memory_space<vmem>>) attributes {dimension_semantics = [#tpu.dimension_semantics<arbitrary>], iteration_bounds = array<i64: 8>, scalar_prefetch = 0 : i64, scratch_operands = 0 : i64, tpu.core_type = #tpu.core_type<tc>, window_params = [{transform_indices = @transform_0, window_bounds = array<i64: 512, 512>}, {transform_indices = @transform_1, window_bounds = array<i64: 512, 512>}, {transform_indices = @transform_2, window_bounds = array<i64: 1, 512>}, {transform_indices = @transform_3, window_bounds = array<i64: 512, 512>}]} {
    %get3A = arith.constant 0 : index
    %get3A_0 = arith.constant 0 : index
    %get3A_1 = vector.load %arg2[%get3A, %get3A_0] : memref<512x512xf32, #tpu.memory_space<vmem>>, vector<512x512xf32>
    %transpose3A = tpu.transpose %get3A_1, [1, 0] : vector<512x512xf32> -> vector<512x512xf32>
    %get3A_2 = arith.constant 0 : index
    %get3A_3 = arith.constant 0 : index
    %get3A_4 = vector.load %arg1[%get3A_2, %get3A_3] : memref<512x512xf32, #tpu.memory_space<vmem>>, vector<512x512xf32>
    %mul3A = arith.mulf %get3A_4, %transpose3A : vector<512x512xf32>
    %reduce_sum3A = arith.constant dense<0.000000e+00> : vector<512xf32>
    %reduce_sum3A_5 = vector.multi_reduction <add>, %mul3A, %reduce_sum3A [0] : vector<512x512xf32> to vector<512xf32>
    %broadcast_in_dim3A = vector.shape_cast %reduce_sum3A_5 : vector<512xf32> to vector<1x512xf32>
    %get3A_6 = arith.constant 0 : index
    %get3A_7 = arith.constant 0 : index
    %get3A_8 = vector.load %arg3[%get3A_6, %get3A_7] : memref<1x512xf32, #tpu.memory_space<vmem>>, vector<1x512xf32>
    %add3A = arith.constant 9.99999974E-6 : f32
    %add3A_9 = vector.broadcast %add3A : f32 to vector<1x512xf32>
    %add3A_10 = arith.addf %broadcast_in_dim3A, %add3A_9 : vector<1x512xf32>
    %div3A = arith.divf %get3A_8, %add3A_10 : vector<1x512xf32>
    %mul3A_11 = vector.broadcast %div3A : vector<1x512xf32> to vector<512x512xf32>
    %mul3A_12 = arith.mulf %mul3A, %mul3A_11 : vector<512x512xf32>
    %swap3A = arith.constant 0 : index
    %swap3A_13 = arith.constant 0 : index
    %swap3A_14 = vector.load %arg4[%swap3A, %swap3A_13] : memref<512x512xf32, #tpu.memory_space<vmem>>, vector<512x512xf32>
    tpu.vector_store %arg4[%swap3A, %swap3A_13], %mul3A_12 {strides = array<i32>} : memref<512x512xf32, #tpu.memory_space<vmem>>, vector<512x512xf32>,
    return
  }
  func.func @transform_0(%arg0: i32) -> (i32, i32) {
    %c0_i32 = arith.constant 0 : i32
    %c0_i32_0 = arith.constant 0 : i32
    return %c0_i32, %arg0 : i32, i32
  }
  func.func @transform_1(%arg0: i32) -> (i32, i32) {
    %c0_i32 = arith.constant 0 : i32
    %c0_i32_0 = arith.constant 0 : i32
    return %arg0, %c0_i32 : i32, i32
  }
  func.func @transform_2(%arg0: i32) -> (i32, i32) {
    %c0_i32 = arith.constant 0 : i32
    %c0_i32_0 = arith.constant 0 : i32
    return %c0_i32, %arg0 : i32, i32
  }
  func.func @transform_3(%arg0: i32) -> (i32, i32) {
    %c0_i32 = arith.constant 0 : i32
    %c0_i32_0 = arith.constant 0 : i32
    return %c0_i32, %arg0 : i32, i32
  }
}

module attributes {stable_mosaic.version = 14 : i64} {
  func.func @_matmul_argmax_body(%arg0: i32, %arg1: memref<1024x512xf32, #tpu.memory_space<vmem>>, %arg2: memref<512x512xf32, #tpu.memory_space<vmem>>, %arg3: memref<1x1024xi32, #tpu.memory_space<vmem>>, %arg4: memref<512x1024xf32, #tpu.memory_space<vmem>>, %arg5: memref<1x1024xf32, #tpu.memory_space<vmem>>, %arg6: memref<1x1024xi32, #tpu.memory_space<vmem>>) attributes {dimension_semantics = [#tpu.dimension_semantics<arbitrary>], iteration_bounds = array<i64: 8>, scalar_prefetch = 0 : i64, scratch_operands = 3 : i64, tpu.core_type = #tpu.core_type<tc>, window_params = [{pipeline_mode = #tpu.pipeline_mode<synchronous>, transform_indices = @transform_0, window_bounds = array<i64: 1024, 512>}, {transform_indices = @transform_1, window_bounds = array<i64: 512, 512>}, {pipeline_mode = #tpu.pipeline_mode<synchronous>, transform_indices = @transform_2, window_bounds = array<i64: 1, 1024>}]} {
    %eq3A = arith.constant 0 : i32
    %eq3A_0 = arith.cmpi eq, %arg0, %eq3A : i32
    %convert_element_type3A = arith.extui %eq3A_0 : i1 to i32
    %cond3A = arith.constant 0 : i32
    %cond3A_1 = arith.cmpi ne, %convert_element_type3A, %cond3A : i32
    scf.if %cond3A_1 {
      %get3A_30 = arith.constant 0 : index
      %get3A_31 = arith.constant 0 : index
      %get3A_32 = vector.load %arg1[%get3A_30, %get3A_31] : memref<1024x512xf32, #tpu.memory_space<vmem>>, vector<512x512xf32>
      %transpose3A = tpu.transpose %get3A_32, [1, 0] : vector<512x512xf32> -> vector<512x512xf32>
      %swap3A = arith.constant 0 : index
      %swap3A_33 = arith.constant 0 : index
      %swap3A_34 = vector.load %arg4[%swap3A, %swap3A_33] : memref<512x1024xf32, #tpu.memory_space<vmem>>, vector<512x512xf32>
      tpu.vector_store %arg4[%swap3A, %swap3A_33], %transpose3A {strides = array<i32>} : memref<512x1024xf32, #tpu.memory_space<vmem>>, vector<512x512xf32>,
      %get3A_35 = arith.constant 512 : index
      %get3A_36 = arith.constant 0 : index
      %get3A_37 = vector.load %arg1[%get3A_35, %get3A_36] : memref<1024x512xf32, #tpu.memory_space<vmem>>, vector<512x512xf32>
      %transpose3A_38 = tpu.transpose %get3A_37, [1, 0] : vector<512x512xf32> -> vector<512x512xf32>
      %swap3A_39 = arith.constant 0 : index
      %swap3A_40 = arith.constant 512 : index
      %swap3A_41 = vector.load %arg4[%swap3A_39, %swap3A_40] : memref<512x1024xf32, #tpu.memory_space<vmem>>, vector<512x512xf32>
      tpu.vector_store %arg4[%swap3A_39, %swap3A_40], %transpose3A_38 {strides = array<i32>} : memref<512x1024xf32, #tpu.memory_space<vmem>>, vector<512x512xf32>,
    } else {
    }
    %get3A = arith.constant 0 : index
    %get3A_2 = arith.constant 0 : index
    %get3A_3 = vector.load %arg2[%get3A, %get3A_2] : memref<512x512xf32, #tpu.memory_space<vmem>>, vector<512x512xf32>
    %get3A_4 = arith.constant 0 : index
    %get3A_5 = arith.constant 0 : index
    %get3A_6 = vector.load %arg4[%get3A_4, %get3A_5] : memref<512x1024xf32, #tpu.memory_space<vmem>>, vector<512x1024xf32>
    %dot_general3A = arith.constant dense<0.000000e+00> : vector<512x1024xf32>
    %dot_general3A_7 = tpu.matmul %get3A_3, %get3A_6, %dot_general3A {dimension_numbers = #tpu.dot_dimension_numbers<[1], [0], [0], [1], [0, 0, 1, 1], [], []>, transpose_lhs_hint = false} : vector<512x512xf32>, vector<512x1024xf32>, vector<512x1024xf32> -> vector<512x1024xf32>
    %iota3A = tpu.iota {dimensions = array<i32: 0>} : vector<512x1024xi32>
    %mul3A = arith.constant 512 : i32
    %mul3A_8 = arith.muli %arg0, %mul3A : i32
    %add3A = vector.broadcast %mul3A_8 : i32 to vector<512x1024xi32>
    %add3A_9 = arith.addi %iota3A, %add3A : vector<512x1024xi32>
    %reduce_max3A = arith.constant dense<0xFF800000> : vector<1024xf32>
    %reduce_max3A_10 = vector.multi_reduction <maximumf>, %dot_general3A_7, %reduce_max3A [0] : vector<512x1024xf32> to vector<1024xf32>
    %broadcast_in_dim3A = vector.shape_cast %reduce_max3A_10 : vector<1024xf32> to vector<1x1024xf32>
    %eq3A_11 = vector.broadcast %broadcast_in_dim3A : vector<1x1024xf32> to vector<512x1024xf32>
    %eq3A_12 = arith.cmpf oeq, %dot_general3A_7, %eq3A_11 : vector<512x1024xf32>
    %jit3A = arith.constant 4096 : i32
    %broadcast_in_dim3A_13 = vector.broadcast %jit3A : i32 to vector<512x1024xi32>
    %select_n3A = arith.select %eq3A_12, %add3A_9, %broadcast_in_dim3A_13 : vector<512x1024xi1>, vector<512x1024xi32>
    %reduce_min3A = arith.constant dense<2147483647> : vector<1024xi32>
    %reduce_min3A_14 = vector.multi_reduction <minsi>, %select_n3A, %reduce_min3A [0] : vector<512x1024xi32> to vector<1024xi32>
    %broadcast_in_dim3A_15 = vector.shape_cast %reduce_min3A_14 : vector<1024xi32> to vector<1x1024xi32>
    %eq3A_16 = arith.constant 0 : i32
    %eq3A_17 = arith.cmpi eq, %arg0, %eq3A_16 : i32
    %convert_element_type3A_18 = arith.extui %eq3A_17 : i1 to i32
    %cond3A_19 = arith.constant 0 : i32
    %cond3A_20 = arith.cmpi ne, %convert_element_type3A_18, %cond3A_19 : i32
    scf.if %cond3A_20 {
      %swap3A = arith.constant 0 : index
      %swap3A_30 = arith.constant 0 : index
      %swap3A_31 = vector.load %arg5[%swap3A, %swap3A_30] : memref<1x1024xf32, #tpu.memory_space<vmem>>, vector<1x1024xf32>
      tpu.vector_store %arg5[%swap3A, %swap3A_30], %broadcast_in_dim3A {strides = array<i32>} : memref<1x1024xf32, #tpu.memory_space<vmem>>, vector<1x1024xf32>,
      %swap3A_32 = arith.constant 0 : index
      %swap3A_33 = arith.constant 0 : index
      %swap3A_34 = vector.load %arg6[%swap3A_32, %swap3A_33] : memref<1x1024xi32, #tpu.memory_space<vmem>>, vector<1x1024xi32>
      tpu.vector_store %arg6[%swap3A_32, %swap3A_33], %broadcast_in_dim3A_15 {strides = array<i32>} : memref<1x1024xi32, #tpu.memory_space<vmem>>, vector<1x1024xi32>,
    } else {
    }
    %gt3A = arith.constant 0 : i32
    %gt3A_21 = arith.cmpi sgt, %arg0, %gt3A : i32
    %convert_element_type3A_22 = arith.extui %gt3A_21 : i1 to i32
    %cond3A_23 = arith.constant 0 : i32
    %cond3A_24 = arith.cmpi ne, %convert_element_type3A_22, %cond3A_23 : i32
    scf.if %cond3A_24 {
      %get3A_30 = arith.constant 0 : index
      %get3A_31 = arith.constant 0 : index
      %get3A_32 = vector.load %arg5[%get3A_30, %get3A_31] : memref<1x1024xf32, #tpu.memory_space<vmem>>, vector<1x1024xf32>
      %gt3A_33 = arith.cmpf ogt, %broadcast_in_dim3A, %get3A_32 : vector<1x1024xf32>
      %get3A_34 = arith.constant 0 : index
      %get3A_35 = arith.constant 0 : index
      %get3A_36 = vector.load %arg6[%get3A_34, %get3A_35] : memref<1x1024xi32, #tpu.memory_space<vmem>>, vector<1x1024xi32>
      %select_n3A_37 = arith.select %gt3A_33, %broadcast_in_dim3A_15, %get3A_36 : vector<1x1024xi1>, vector<1x1024xi32>
      %swap3A = arith.constant 0 : index
      %swap3A_38 = arith.constant 0 : index
      %swap3A_39 = vector.load %arg6[%swap3A, %swap3A_38] : memref<1x1024xi32, #tpu.memory_space<vmem>>, vector<1x1024xi32>
      tpu.vector_store %arg6[%swap3A, %swap3A_38], %select_n3A_37 {strides = array<i32>} : memref<1x1024xi32, #tpu.memory_space<vmem>>, vector<1x1024xi32>,
      %get3A_40 = arith.constant 0 : index
      %get3A_41 = arith.constant 0 : index
      %get3A_42 = vector.load %arg5[%get3A_40, %get3A_41] : memref<1x1024xf32, #tpu.memory_space<vmem>>, vector<1x1024xf32>
      %select_n3A_43 = arith.select %gt3A_33, %broadcast_in_dim3A, %get3A_42 : vector<1x1024xi1>, vector<1x1024xf32>
      %swap3A_44 = arith.constant 0 : index
      %swap3A_45 = arith.constant 0 : index
      %swap3A_46 = vector.load %arg5[%swap3A_44, %swap3A_45] : memref<1x1024xf32, #tpu.memory_space<vmem>>, vector<1x1024xf32>
      tpu.vector_store %arg5[%swap3A_44, %swap3A_45], %select_n3A_43 {strides = array<i32>} : memref<1x1024xf32, #tpu.memory_space<vmem>>, vector<1x1024xf32>,
    } else {
    }
    %eq3A_25 = arith.constant 7 : i32
    %eq3A_26 = arith.cmpi eq, %arg0, %eq3A_25 : i32
    %convert_element_type3A_27 = arith.extui %eq3A_26 : i1 to i32
    %cond3A_28 = arith.constant 0 : i32
    %cond3A_29 = arith.cmpi ne, %convert_element_type3A_27, %cond3A_28 : i32
    scf.if %cond3A_29 {
      %get3A_30 = arith.constant 0 : index
      %get3A_31 = arith.constant 0 : index
      %get3A_32 = vector.load %arg6[%get3A_30, %get3A_31] : memref<1x1024xi32, #tpu.memory_space<vmem>>, vector<1x1024xi32>
      %swap3A = arith.constant 0 : index
      %swap3A_33 = arith.constant 0 : index
      %swap3A_34 = vector.load %arg3[%swap3A, %swap3A_33] : memref<1x1024xi32, #tpu.memory_space<vmem>>, vector<1x1024xi32>
      tpu.vector_store %arg3[%swap3A, %swap3A_33], %get3A_32 {strides = array<i32>} : memref<1x1024xi32, #tpu.memory_space<vmem>>, vector<1x1024xi32>,
    } else {
    }
    return
  }
  func.func @transform_0(%arg0: i32) -> (i32, i32) {
    %c0_i32 = arith.constant 0 : i32
    %c0_i32_0 = arith.constant 0 : i32
    %c0_i32_1 = arith.constant 0 : i32
    return %c0_i32, %c0_i32_0 : i32, i32
  }
  func.func @transform_1(%arg0: i32) -> (i32, i32) {
    %c0_i32 = arith.constant 0 : i32
    %c0_i32_0 = arith.constant 0 : i32
    return %arg0, %c0_i32 : i32, i32
  }
  func.func @transform_2(%arg0: i32) -> (i32, i32) {
    %c0_i32 = arith.constant 0 : i32
    %c0_i32_0 = arith.constant 0 : i32
    %c0_i32_1 = arith.constant 0 : i32
    return %c0_i32, %c0_i32_0 : i32, i32
  }
}

module attributes {stable_mosaic.version = 14 : i64} {
  func.func @_select_transpose_body(%arg0: i32, %arg1: memref<32x128xf32, #tpu.memory_space<vmem>>, %arg2: memref<512x512xf32, #tpu.memory_space<vmem>>, %arg3: memref<32x128xf32, #tpu.memory_space<vmem>>, %arg4: memref<32x128xi32, #tpu.memory_space<vmem>>, %arg5: memref<32x128xi32, #tpu.memory_space<vmem>>, %arg6: memref<512x512xf32, #tpu.memory_space<vmem>>) attributes {dimension_semantics = [#tpu.dimension_semantics<arbitrary>], iteration_bounds = array<i64: 8>, scalar_prefetch = 0 : i64, scratch_operands = 0 : i64, tpu.core_type = #tpu.core_type<tc>, window_params = [{pipeline_mode = #tpu.pipeline_mode<synchronous>, transform_indices = @transform_0, window_bounds = array<i64: 32, 128>}, {transform_indices = @transform_1, window_bounds = array<i64: 512, 512>}, {pipeline_mode = #tpu.pipeline_mode<synchronous>, transform_indices = @transform_2, window_bounds = array<i64: 32, 128>}, {pipeline_mode = #tpu.pipeline_mode<synchronous>, transform_indices = @transform_3, window_bounds = array<i64: 32, 128>}, {pipeline_mode = #tpu.pipeline_mode<synchronous>, transform_indices = @transform_4, window_bounds = array<i64: 32, 128>}, {transform_indices = @transform_5, window_bounds = array<i64: 512, 512>}]} {
    %eq3A = arith.constant 0 : i32
    %eq3A_0 = arith.cmpi eq, %arg0, %eq3A : i32
    %convert_element_type3A = arith.extui %eq3A_0 : i1 to i32
    %cond3A = arith.constant 0 : i32
    %cond3A_1 = arith.cmpi ne, %convert_element_type3A, %cond3A : i32
    scf.if %cond3A_1 {
      %get3A_6 = arith.constant 0 : index
      %get3A_7 = arith.constant 0 : index
      %get3A_8 = vector.load %arg1[%get3A_6, %get3A_7] : memref<32x128xf32, #tpu.memory_space<vmem>>, vector<32x128xf32>
      %bitcast_convert_type3A = tpu.bitcast %get3A_8 : vector<32x128xf32> -> vector<32x128xi32>
      %scan3A = arith.constant 0 : i32
      %scan3A_9 = arith.constant 1065353215 : i32
      %scan3A_10 = arith.constant 0 : i32
      %scan3A_11 = arith.constant 31 : i32
      %scan3A_12 = arith.addi %scan3A_10, %scan3A_11 : i32
      %scan3A_13 = arith.constant 1 : i32
      %scan3A_14:2 = scf.for %scan3A_127 = %scan3A_10 to %scan3A_12 step %scan3A_13 iter_args(%scan3A_128 = %scan3A, %scan3A_129 = %scan3A_9) -> (i32, i32)  : i32 {
        %sub3A_130 = arith.subi %scan3A_129, %scan3A_128 : i32
        %add3A_131 = arith.constant 1 : i32
        %add3A_132 = arith.addi %sub3A_130, %add3A_131 : i32
        %shift_right_arithmetic3A = arith.constant 1 : i32
        %shift_right_arithmetic3A_133 = arith.shrsi %add3A_132, %shift_right_arithmetic3A : i32
        %add3A_134 = arith.addi %scan3A_128, %shift_right_arithmetic3A_133 : i32
        %ge3A = vector.broadcast %add3A_134 : i32 to vector<32x128xi32>
        %ge3A_135 = arith.cmpi sge, %bitcast_convert_type3A, %ge3A : vector<32x128xi32>
        %convert_element_type3A_136 = arith.extui %ge3A_135 : vector<32x128xi1> to vector<32x128xi32>
        %reduce_sum3A_137 = vector.shape_cast %convert_element_type3A_136 : vector<32x128xi32> to vector<1x32x128xi32>
        %reduce_sum3A_138 = arith.constant dense<0> : vector<1xi32>
        %reduce_sum3A_139 = vector.multi_reduction <add>, %reduce_sum3A_137, %reduce_sum3A_138 [1, 2] : vector<1x32x128xi32> to vector<1xi32>
        %reduce_sum3A_140 = vector.shape_cast %reduce_sum3A_139 : vector<1xi32> to vector<1x1x1xi32>
        %reduce_sum3A_141 = vector.extract %reduce_sum3A_140[0, 0, 0] : i32 from vector<1x1x1xi32>
        %ge3A_142 = arith.constant 819 : i32
        %ge3A_143 = arith.cmpi sge, %reduce_sum3A_141, %ge3A_142 : i32
        %select_n3A_144 = arith.select %ge3A_143, %add3A_134, %scan3A_128 : i32
        %sub3A_145 = arith.constant 1 : i32
        %sub3A_146 = arith.subi %add3A_134, %sub3A_145 : i32
        %select_n3A_147 = arith.select %ge3A_143, %scan3A_129, %sub3A_146 : i32
        scf.yield %select_n3A_144, %select_n3A_147 : i32, i32
      }
      %gt3A = vector.broadcast %scan3A_14#0 : i32 to vector<32x128xi32>
      %gt3A_15 = arith.cmpi sgt, %bitcast_convert_type3A, %gt3A : vector<32x128xi32>
      %eq3A_16 = vector.broadcast %scan3A_14#0 : i32 to vector<32x128xi32>
      %eq3A_17 = arith.cmpi eq, %bitcast_convert_type3A, %eq3A_16 : vector<32x128xi32>
      %convert_element_type3A_18 = arith.extui %gt3A_15 : vector<32x128xi1> to vector<32x128xi32>
      %reduce_sum3A = vector.shape_cast %convert_element_type3A_18 : vector<32x128xi32> to vector<1x32x128xi32>
      %reduce_sum3A_19 = arith.constant dense<0> : vector<1xi32>
      %reduce_sum3A_20 = vector.multi_reduction <add>, %reduce_sum3A, %reduce_sum3A_19 [1, 2] : vector<1x32x128xi32> to vector<1xi32>
      %reduce_sum3A_21 = vector.shape_cast %reduce_sum3A_20 : vector<1xi32> to vector<1x1x1xi32>
      %reduce_sum3A_22 = vector.extract %reduce_sum3A_21[0, 0, 0] : i32 from vector<1x1x1xi32>
      %sub3A = arith.constant 819 : i32
      %sub3A_23 = arith.subi %sub3A, %reduce_sum3A_22 : i32
      %convert_element_type3A_24 = arith.sitofp %sub3A_23 : i32 to f32
      %convert_element_type3A_25 = arith.extui %eq3A_17 : vector<32x128xi1> to vector<32x128xi32>
      %convert_element_type3A_26 = arith.sitofp %convert_element_type3A_25 : vector<32x128xi32> to vector<32x128xf32>
      %iota3A = tpu.iota {dimensions = array<i32: 0>} : vector<128x128xi32>
      %iota3A_27 = tpu.iota {dimensions = array<i32: 1>} : vector<128x128xi32>
      %le3A = arith.cmpi sle, %iota3A, %iota3A_27 : vector<128x128xi32>
      %convert_element_type3A_28 = arith.extui %le3A : vector<128x128xi1> to vector<128x128xi32>
      %convert_element_type3A_29 = arith.sitofp %convert_element_type3A_28 : vector<128x128xi32> to vector<128x128xf32>
      %dot_general3A = arith.constant dense<0.000000e+00> : vector<32x128xf32>
      %dot_general3A_30 = tpu.matmul %convert_element_type3A_26, %convert_element_type3A_29, %dot_general3A {dimension_numbers = #tpu.dot_dimension_numbers<[1], [0], [0], [1], [0, 0, 1, 1], [], []>, transpose_lhs_hint = false} : vector<32x128xf32>, vector<128x128xf32>, vector<32x128xf32> -> vector<32x128xf32>
      %slice3A = vector.extract_strided_slice %dot_general3A_30 {offsets = [0, 127], sizes = [32, 1], strides = [1, 1]} : vector<32x128xf32> to vector<32x1xf32>
      %iota3A_31 = tpu.iota {dimensions = array<i32: 0>} : vector<32x32xi32>
      %iota3A_32 = tpu.iota {dimensions = array<i32: 1>} : vector<32x32xi32>
      %lt3A = arith.cmpi slt, %iota3A_32, %iota3A_31 : vector<32x32xi32>
      %convert_element_type3A_33 = arith.extui %lt3A : vector<32x32xi1> to vector<32x32xi32>
      %convert_element_type3A_34 = arith.sitofp %convert_element_type3A_33 : vector<32x32xi32> to vector<32x32xf32>
      %dot_general3A_35 = arith.constant dense<0.000000e+00> : vector<32x1xf32>
      %dot_general3A_36 = tpu.matmul %convert_element_type3A_34, %slice3A, %dot_general3A_35 {dimension_numbers = #tpu.dot_dimension_numbers<[1], [0], [0], [1], [0, 0, 1, 1], [], []>, transpose_lhs_hint = false} : vector<32x32xf32>, vector<32x1xf32>, vector<32x1xf32> -> vector<32x1xf32>
      %sub3A_37 = arith.subf %dot_general3A_30, %convert_element_type3A_26 : vector<32x128xf32>
      %add3A = vector.broadcast %dot_general3A_36 : vector<32x1xf32> to vector<32x128xf32>
      %add3A_38 = arith.addf %sub3A_37, %add3A : vector<32x128xf32>
      %lt3A_39 = vector.broadcast %convert_element_type3A_24 : f32 to vector<32x128xf32>
      %lt3A_40 = arith.cmpf olt, %add3A_38, %lt3A_39 : vector<32x128xf32>
      %and3A = arith.andi %eq3A_17, %lt3A_40 : vector<32x128xi1>
      %or3A = arith.ori %gt3A_15, %and3A : vector<32x128xi1>
      %convert_element_type3A_41 = arith.extui %or3A : vector<32x128xi1> to vector<32x128xi32>
      %convert_element_type3A_42 = arith.sitofp %convert_element_type3A_41 : vector<32x128xi32> to vector<32x128xf32>
      %mul3A = arith.mulf %get3A_8, %convert_element_type3A_42 : vector<32x128xf32>
      %swap3A_43 = arith.constant 0 : index
      %swap3A_44 = arith.constant 0 : index
      %swap3A_45 = vector.load %arg3[%swap3A_43, %swap3A_44] : memref<32x128xf32, #tpu.memory_space<vmem>>, vector<32x128xf32>
      tpu.vector_store %arg3[%swap3A_43, %swap3A_44], %mul3A {strides = array<i32>} : memref<32x128xf32, #tpu.memory_space<vmem>>, vector<32x128xf32>,
      %scan3A_46 = arith.constant 0 : i32
      %scan3A_47 = arith.constant 1065353215 : i32
      %scan3A_48 = arith.constant 0 : i32
      %scan3A_49 = arith.constant 31 : i32
      %scan3A_50 = arith.addi %scan3A_48, %scan3A_49 : i32
      %scan3A_51 = arith.constant 1 : i32
      %scan3A_52:2 = scf.for %scan3A_127 = %scan3A_48 to %scan3A_50 step %scan3A_51 iter_args(%scan3A_128 = %scan3A_46, %scan3A_129 = %scan3A_47) -> (i32, i32)  : i32 {
        %sub3A_130 = arith.subi %scan3A_129, %scan3A_128 : i32
        %add3A_131 = arith.constant 1 : i32
        %add3A_132 = arith.addi %sub3A_130, %add3A_131 : i32
        %shift_right_arithmetic3A = arith.constant 1 : i32
        %shift_right_arithmetic3A_133 = arith.shrsi %add3A_132, %shift_right_arithmetic3A : i32
        %add3A_134 = arith.addi %scan3A_128, %shift_right_arithmetic3A_133 : i32
        %ge3A = vector.broadcast %add3A_134 : i32 to vector<32x128xi32>
        %ge3A_135 = arith.cmpi sge, %bitcast_convert_type3A, %ge3A : vector<32x128xi32>
        %convert_element_type3A_136 = arith.extui %ge3A_135 : vector<32x128xi1> to vector<32x128xi32>
        %reduce_sum3A_137 = vector.shape_cast %convert_element_type3A_136 : vector<32x128xi32> to vector<1x32x128xi32>
        %reduce_sum3A_138 = arith.constant dense<0> : vector<1xi32>
        %reduce_sum3A_139 = vector.multi_reduction <add>, %reduce_sum3A_137, %reduce_sum3A_138 [1, 2] : vector<1x32x128xi32> to vector<1xi32>
        %reduce_sum3A_140 = vector.shape_cast %reduce_sum3A_139 : vector<1xi32> to vector<1x1x1xi32>
        %reduce_sum3A_141 = vector.extract %reduce_sum3A_140[0, 0, 0] : i32 from vector<1x1x1xi32>
        %ge3A_142 = arith.constant 1024 : i32
        %ge3A_143 = arith.cmpi sge, %reduce_sum3A_141, %ge3A_142 : i32
        %select_n3A_144 = arith.select %ge3A_143, %add3A_134, %scan3A_128 : i32
        %sub3A_145 = arith.constant 1 : i32
        %sub3A_146 = arith.subi %add3A_134, %sub3A_145 : i32
        %select_n3A_147 = arith.select %ge3A_143, %scan3A_129, %sub3A_146 : i32
        scf.yield %select_n3A_144, %select_n3A_147 : i32, i32
      }
      %gt3A_53 = vector.broadcast %scan3A_52#0 : i32 to vector<32x128xi32>
      %gt3A_54 = arith.cmpi sgt, %bitcast_convert_type3A, %gt3A_53 : vector<32x128xi32>
      %eq3A_55 = vector.broadcast %scan3A_52#0 : i32 to vector<32x128xi32>
      %eq3A_56 = arith.cmpi eq, %bitcast_convert_type3A, %eq3A_55 : vector<32x128xi32>
      %convert_element_type3A_57 = arith.extui %gt3A_54 : vector<32x128xi1> to vector<32x128xi32>
      %reduce_sum3A_58 = vector.shape_cast %convert_element_type3A_57 : vector<32x128xi32> to vector<1x32x128xi32>
      %reduce_sum3A_59 = arith.constant dense<0> : vector<1xi32>
      %reduce_sum3A_60 = vector.multi_reduction <add>, %reduce_sum3A_58, %reduce_sum3A_59 [1, 2] : vector<1x32x128xi32> to vector<1xi32>
      %reduce_sum3A_61 = vector.shape_cast %reduce_sum3A_60 : vector<1xi32> to vector<1x1x1xi32>
      %reduce_sum3A_62 = vector.extract %reduce_sum3A_61[0, 0, 0] : i32 from vector<1x1x1xi32>
      %sub3A_63 = arith.constant 1024 : i32
      %sub3A_64 = arith.subi %sub3A_63, %reduce_sum3A_62 : i32
      %convert_element_type3A_65 = arith.sitofp %sub3A_64 : i32 to f32
      %convert_element_type3A_66 = arith.extui %eq3A_56 : vector<32x128xi1> to vector<32x128xi32>
      %convert_element_type3A_67 = arith.sitofp %convert_element_type3A_66 : vector<32x128xi32> to vector<32x128xf32>
      %iota3A_68 = tpu.iota {dimensions = array<i32: 0>} : vector<128x128xi32>
      %iota3A_69 = tpu.iota {dimensions = array<i32: 1>} : vector<128x128xi32>
      %le3A_70 = arith.cmpi sle, %iota3A_68, %iota3A_69 : vector<128x128xi32>
      %convert_element_type3A_71 = arith.extui %le3A_70 : vector<128x128xi1> to vector<128x128xi32>
      %convert_element_type3A_72 = arith.sitofp %convert_element_type3A_71 : vector<128x128xi32> to vector<128x128xf32>
      %dot_general3A_73 = arith.constant dense<0.000000e+00> : vector<32x128xf32>
      %dot_general3A_74 = tpu.matmul %convert_element_type3A_67, %convert_element_type3A_72, %dot_general3A_73 {dimension_numbers = #tpu.dot_dimension_numbers<[1], [0], [0], [1], [0, 0, 1, 1], [], []>, transpose_lhs_hint = false} : vector<32x128xf32>, vector<128x128xf32>, vector<32x128xf32> -> vector<32x128xf32>
      %slice3A_75 = vector.extract_strided_slice %dot_general3A_74 {offsets = [0, 127], sizes = [32, 1], strides = [1, 1]} : vector<32x128xf32> to vector<32x1xf32>
      %iota3A_76 = tpu.iota {dimensions = array<i32: 0>} : vector<32x32xi32>
      %iota3A_77 = tpu.iota {dimensions = array<i32: 1>} : vector<32x32xi32>
      %lt3A_78 = arith.cmpi slt, %iota3A_77, %iota3A_76 : vector<32x32xi32>
      %convert_element_type3A_79 = arith.extui %lt3A_78 : vector<32x32xi1> to vector<32x32xi32>
      %convert_element_type3A_80 = arith.sitofp %convert_element_type3A_79 : vector<32x32xi32> to vector<32x32xf32>
      %dot_general3A_81 = arith.constant dense<0.000000e+00> : vector<32x1xf32>
      %dot_general3A_82 = tpu.matmul %convert_element_type3A_80, %slice3A_75, %dot_general3A_81 {dimension_numbers = #tpu.dot_dimension_numbers<[1], [0], [0], [1], [0, 0, 1, 1], [], []>, transpose_lhs_hint = false} : vector<32x32xf32>, vector<32x1xf32>, vector<32x1xf32> -> vector<32x1xf32>
      %sub3A_83 = arith.subf %dot_general3A_74, %convert_element_type3A_67 : vector<32x128xf32>
      %add3A_84 = vector.broadcast %dot_general3A_82 : vector<32x1xf32> to vector<32x128xf32>
      %add3A_85 = arith.addf %sub3A_83, %add3A_84 : vector<32x128xf32>
      %lt3A_86 = vector.broadcast %convert_element_type3A_65 : f32 to vector<32x128xf32>
      %lt3A_87 = arith.cmpf olt, %add3A_85, %lt3A_86 : vector<32x128xf32>
      %and3A_88 = arith.andi %eq3A_56, %lt3A_87 : vector<32x128xi1>
      %or3A_89 = arith.ori %gt3A_54, %and3A_88 : vector<32x128xi1>
      %convert_element_type3A_90 = arith.extui %or3A_89 : vector<32x128xi1> to vector<32x128xi32>
      %convert_element_type3A_91 = arith.sitofp %convert_element_type3A_90 : vector<32x128xi32> to vector<32x128xf32>
      %iota3A_92 = tpu.iota {dimensions = array<i32: 0>} : vector<128x128xi32>
      %iota3A_93 = tpu.iota {dimensions = array<i32: 1>} : vector<128x128xi32>
      %le3A_94 = arith.cmpi sle, %iota3A_92, %iota3A_93 : vector<128x128xi32>
      %convert_element_type3A_95 = arith.extui %le3A_94 : vector<128x128xi1> to vector<128x128xi32>
      %convert_element_type3A_96 = arith.sitofp %convert_element_type3A_95 : vector<128x128xi32> to vector<128x128xf32>
      %dot_general3A_97 = arith.constant dense<0.000000e+00> : vector<32x128xf32>
      %dot_general3A_98 = tpu.matmul %convert_element_type3A_91, %convert_element_type3A_96, %dot_general3A_97 {dimension_numbers = #tpu.dot_dimension_numbers<[1], [0], [0], [1], [0, 0, 1, 1], [], []>, transpose_lhs_hint = false} : vector<32x128xf32>, vector<128x128xf32>, vector<32x128xf32> -> vector<32x128xf32>
      %slice3A_99 = vector.extract_strided_slice %dot_general3A_98 {offsets = [0, 127], sizes = [32, 1], strides = [1, 1]} : vector<32x128xf32> to vector<32x1xf32>
      %iota3A_100 = tpu.iota {dimensions = array<i32: 0>} : vector<32x32xi32>
      %iota3A_101 = tpu.iota {dimensions = array<i32: 1>} : vector<32x32xi32>
      %lt3A_102 = arith.cmpi slt, %iota3A_101, %iota3A_100 : vector<32x32xi32>
      %convert_element_type3A_103 = arith.extui %lt3A_102 : vector<32x32xi1> to vector<32x32xi32>
      %convert_element_type3A_104 = arith.sitofp %convert_element_type3A_103 : vector<32x32xi32> to vector<32x32xf32>
      %dot_general3A_105 = arith.constant dense<0.000000e+00> : vector<32x1xf32>
      %dot_general3A_106 = tpu.matmul %convert_element_type3A_104, %slice3A_99, %dot_general3A_105 {dimension_numbers = #tpu.dot_dimension_numbers<[1], [0], [0], [1], [0, 0, 1, 1], [], []>, transpose_lhs_hint = false} : vector<32x32xf32>, vector<32x1xf32>, vector<32x1xf32> -> vector<32x1xf32>
      %sub3A_107 = arith.subf %dot_general3A_98, %convert_element_type3A_91 : vector<32x128xf32>
      %add3A_108 = vector.broadcast %dot_general3A_106 : vector<32x1xf32> to vector<32x128xf32>
      %add3A_109 = arith.addf %sub3A_107, %add3A_108 : vector<32x128xf32>
      %convert_element_type3A_110 = arith.fptosi %add3A_109 : vector<32x128xf32> to vector<32x128xi32>
      %iota3A_111 = tpu.iota {dimensions = array<i32: 0>} : vector<32x128xi32>
      %iota3A_112 = tpu.iota {dimensions = array<i32: 1>} : vector<32x128xi32>
      %mul3A_113 = arith.constant 128 : i32
      %mul3A_114 = vector.broadcast %mul3A_113 : i32 to vector<32x128xi32>
      %mul3A_115 = arith.muli %iota3A_111, %mul3A_114 : vector<32x128xi32>
      %add3A_116 = arith.addi %mul3A_115, %iota3A_112 : vector<32x128xi32>
      %add3A_117 = arith.constant 1024 : i32
      %add3A_118 = vector.broadcast %add3A_117 : i32 to vector<32x128xi32>
      %add3A_119 = arith.addi %add3A_118, %add3A_116 : vector<32x128xi32>
      %select_n3A = arith.select %or3A_89, %convert_element_type3A_110, %add3A_119 : vector<32x128xi1>, vector<32x128xi32>
      %swap3A_120 = arith.constant 0 : index
      %swap3A_121 = arith.constant 0 : index
      %swap3A_122 = vector.load %arg4[%swap3A_120, %swap3A_121] : memref<32x128xi32, #tpu.memory_space<vmem>>, vector<32x128xi32>
      tpu.vector_store %arg4[%swap3A_120, %swap3A_121], %select_n3A {strides = array<i32>} : memref<32x128xi32, #tpu.memory_space<vmem>>, vector<32x128xi32>,
      %jit3A = arith.constant -1 : i32
      %broadcast_in_dim3A = vector.broadcast %jit3A : i32 to vector<32x128xi32>
      %select_n3A_123 = arith.select %or3A_89, %convert_element_type3A_110, %broadcast_in_dim3A : vector<32x128xi1>, vector<32x128xi32>
      %swap3A_124 = arith.constant 0 : index
      %swap3A_125 = arith.constant 0 : index
      %swap3A_126 = vector.load %arg5[%swap3A_124, %swap3A_125] : memref<32x128xi32, #tpu.memory_space<vmem>>, vector<32x128xi32>
      tpu.vector_store %arg5[%swap3A_124, %swap3A_125], %select_n3A_123 {strides = array<i32>} : memref<32x128xi32, #tpu.memory_space<vmem>>, vector<32x128xi32>,
    } else {
    }
    %get3A = arith.constant 0 : index
    %get3A_2 = arith.constant 0 : index
    %get3A_3 = vector.load %arg2[%get3A, %get3A_2] : memref<512x512xf32, #tpu.memory_space<vmem>>, vector<512x512xf32>
    %transpose3A = tpu.transpose %get3A_3, [1, 0] : vector<512x512xf32> -> vector<512x512xf32>
    %swap3A = arith.constant 0 : index
    %swap3A_4 = arith.constant 0 : index
    %swap3A_5 = vector.load %arg6[%swap3A, %swap3A_4] : memref<512x512xf32, #tpu.memory_space<vmem>>, vector<512x512xf32>
    tpu.vector_store %arg6[%swap3A, %swap3A_4], %transpose3A {strides = array<i32>} : memref<512x512xf32, #tpu.memory_space<vmem>>, vector<512x512xf32>,
    return
  }
  func.func @transform_0(%arg0: i32) -> (i32, i32) {
    %c0_i32 = arith.constant 0 : i32
    %c0_i32_0 = arith.constant 0 : i32
    %c0_i32_1 = arith.constant 0 : i32
    return %c0_i32, %c0_i32_0 : i32, i32
  }
  func.func @transform_1(%arg0: i32) -> (i32, i32) {
    %c0_i32 = arith.constant 0 : i32
    %c0_i32_0 = arith.constant 0 : i32
    return %c0_i32, %arg0 : i32, i32
  }
  func.func @transform_2(%arg0: i32) -> (i32, i32) {
    %c0_i32 = arith.constant 0 : i32
    %c0_i32_0 = arith.constant 0 : i32
    %c0_i32_1 = arith.constant 0 : i32
    return %c0_i32, %c0_i32_0 : i32, i32
  }
  func.func @transform_3(%arg0: i32) -> (i32, i32) {
    %c0_i32 = arith.constant 0 : i32
    %c0_i32_0 = arith.constant 0 : i32
    %c0_i32_1 = arith.constant 0 : i32
    return %c0_i32, %c0_i32_0 : i32, i32
  }
  func.func @transform_4(%arg0: i32) -> (i32, i32) {
    %c0_i32 = arith.constant 0 : i32
    %c0_i32_0 = arith.constant 0 : i32
    %c0_i32_1 = arith.constant 0 : i32
    return %c0_i32, %c0_i32_0 : i32, i32
  }
  func.func @transform_5(%arg0: i32) -> (i32, i32) {
    %c0_i32 = arith.constant 0 : i32
    %c0_i32_0 = arith.constant 0 : i32
    return %arg0, %c0_i32 : i32, i32
  }
}

</mosaic_0001>

<sc_bundles>
// kernel: kernel.10.cloned.1.call-start
scs
__scs_entry_jumppad:
0x0: {  	(pc) =	sbr.rel $0x88, $3  }
0x1: {  	(tag) =	ssettag $0x0;
	lr =	simm.s32 $0x1  }
0x2: {  	[smem:$0x3F9E] =	sst lr;
	_ =	strace $0xD0000000  }
0x3: {  	_ = 	snop  }
0x4: {  	_ = 	snop  }
0x5: {  	_ = 	snop  }
0x6: {  	_ = 	snop  }
0x7: {  	_ = 	snop  }
__scs_overlays_trampoline_lowered:
0x8: {  	[smem:$0x3FAD] =	sst s0  }
0x9: {  	[smem:$0x3FAE] =	sst s1  }
0xa: {  	[smem:$0x3FAF] =	sst s2  }
0xb: {  	[smem:$0x3FB0] =	sst s3  }
0xc: {  	[smem:$0x3FB1] =	sst s4  }
0xd: {  	[smem:$0x3FB2] =	sst s5  }
0xe: {  	[smem:$0x3FB3] =	sst s6  }
0xf: {  	[smem:$0x3FB4] =	sst s7  }
0x10: {  	[smem:$0x3FB5] =	sst s8  }
0x11: {  	[smem:$0x3FB6] =	sst s9;
	s0 =	simm.s32 @!p0 $0x0  }
0x12: {  	s1 =	sld [smem:$0x3F9C];
	s0 =	simm.s32 @p0 $0x1  }
0x13: {  	[smem:$0x3FB7] =	sst s0;
	s0 =	simm.s32 @!p1 $0x0  }
0x14: {  	s2 =	sld [smem:$0x3F9B];
	s0 =	simm.s32 @p1 $0x1  }
0x15: {  	[smem:$0x3FB8] =	sst s0;
	s0 =	simm.s32 @!p2 $0x0  }
0x16: {  	s3 =	sld [smem:$0x3FDB];
	s0 =	simm.s32 @p2 $0x1  }
0x17: {  	s4 =	simm.s32 $0x1BF5;
	[smem:$0x3FBA] =	sst s0  }
0x18: {  	s0 =	sld [smem:$0x3F9D];
	_ =	swait.ge [sflag:s4], $0x0  }
0x19: {  	s7 =	sld [smem:$0x3F9E]  }
0x1a: {  	s8 =	sadd.s32 $0xFFFFE003, lr  }
0x1b: {  	s9 =	sadd.s32 $0xFFFFFEF7, lr;
	s5 =	simm.s32 $0xFFFFFFFF;
	p2 =	slt.u32 s8, $0xFFFFF086  }
0x1c: {  	p1 =	slt.u32 s9, $0xF7A;
	s5 =	simm.s32 @!p2 $0x0  }
0x1d: {  	s5 =	simm.s32 @p1 $0x1;
	p0 =	seq.s32 s7, s2  }
0x1e: {  	s7 =	smul.u32 @!p0 $0xF7A, s2;
	p2 =	seq.s32 @!p0 s5, $0x0  }
0x1f: {  	s9 =	smul.u32 $0xF7A, s1;
	s8 =	simm.s32 @!p0 $0x1BF5;
	p2 =	por !p2, p0  }
0x20: {  	[sflag:s8] =	ssyncset.s32 @!p0 $0xFFFFF086;
	s6 =	sadd.s32 @!p0 s3, s7;
	s7 =	simm.s32 @!p0 $0x108  }
0x21: {  	s3 =	sadd.s32 s3, s9;
	s6 =	sadd.s32 @!p0 $0x88, s6;
	s7 =	simm.s32 @p2 $0x1082  }
0x22: {  	[simem:s7], [sflag:s8] =	dma.local @!p0 [hbm:s6], $0xF7A  }
0x23: {  	s9 =	sor.u32 $0xD0000000, s2;
	s6 =	simm.s32 $0x108;
	_ =	swait.ge @!p0 [sflag:s8], $0x0  }
0x24: {  	s3 =	sadd.s32 $0x88, s3;
	s6 =	simm.s32 @!p1 $0x1082;
	[sflag:s4] =	ssyncset.s32 $0xFFFFF086  }
0x25: {  	[simem:s6], [sflag:s4] =	dma.local [hbm:s3], $0xF7A  }
0x26: {  	[smem:$0x3F9E] =	sst s1;
	(tag) =	ssettag s2;
	_ =	strace s9  }
0x27: {  	s1 =	sld [smem:$0x3FAE]  }
0x28: {  	s2 =	sld [smem:$0x3FAF]  }
0x29: {  	s4 =	sld [smem:$0x3FB1]  }
0x2a: {  	p0 =	seq.s32 s5, $0x0;
	s5 =	sld [smem:$0x3FB2]  }
0x2b: {  	s6 =	sld [smem:$0x3FB3]  }
0x2c: {  	s7 =	sld [smem:$0x3FB4]  }
0x2d: {  	s3 =	simm.s32 $0x108;
	s8 =	sld [smem:$0x3FB5]  }
0x2e: {  	s3 =	simm.s32 @!p0 $0x1082;
	s9 =	sld [smem:$0x3FB6]  }
0x2f: {  	lr =	sadd.s32 s0, s3;
	s0 =	sld [smem:$0x3FAD]  }
0x30: {  	s3 =	sld [smem:$0x3FB0]  }
0x31: {  	[smem:$0x3FB9] =	sst s10  }
0x32: {  	s10 =	sld [smem:$0x3FB7];
	_ =	sdelay $0x3  }
0x33: {  	p0 =	seq.s32 s10, $0x1;
	s10 =	sld [smem:$0x3FB9];
	_ =	sdelay $0x3  }
0x34: {  	[smem:$0x3FB9] =	sst s10  }
0x35: {  	s10 =	sld [smem:$0x3FB8];
	_ =	sdelay $0x3  }
0x36: {  	p1 =	seq.s32 s10, $0x1;
	s10 =	sld [smem:$0x3FB9];
	_ =	sdelay $0x3  }
0x37: {  	[smem:$0x3FB9] =	sst s10  }
0x38: {  	s10 =	sld [smem:$0x3FBA]  }
0x39: {  	_ = 	snop;
	(pc) =	sbr.ind lr, $3  }
0x3a: {  	_ = 	snop  }
0x3b: {  	_ = 	snop  }
0x3c: {  	p2 =	seq.s32 s10, $0x1;
	s10 =	sld [smem:$0x3FB9]  }
0x3d: {  	_ =	shalt  }
0x3e: {  	_ =	shalt  }
0x3f: {  	_ =	shalt  }
0x40: {  	_ =	shalt  }
0x41: {  	_ =	shalt  }
0x42: {  	_ =	shalt  }
0x43: {  	_ =	shalt  }
0x44: {  	_ =	shalt  }
0x45: {  	_ =	shalt  }
0x46: {  	_ =	shalt  }
0x47: {  	_ =	shalt  }
0x48: {  	_ =	shalt  }
0x49: {  	_ =	shalt  }
0x4a: {  	_ =	shalt  }
0x4b: {  	_ =	shalt  }
0x4c: {  	_ =	shalt  }
0x4d: {  	_ =	shalt  }
0x4e: {  	_ =	shalt  }
0x4f: {  	_ =	shalt  }
0x50: {  	_ =	shalt  }
0x51: {  	_ =	shalt  }
0x52: {  	_ =	shalt  }
0x53: {  	_ =	shalt  }
0x54: {  	_ =	shalt  }
0x55: {  	_ =	shalt  }
0x56: {  	_ =	shalt  }
0x57: {  	_ =	shalt  }
0x58: {  	_ =	shalt  }
0x59: {  	_ =	shalt  }
0x5a: {  	_ =	shalt  }
0x5b: {  	_ =	shalt  }
0x5c: {  	_ =	shalt  }
0x5d: {  	_ =	shalt  }
0x5e: {  	_ =	shalt  }
0x5f: {  	_ =	shalt  }
0x60: {  	_ =	shalt  }
0x61: {  	_ =	shalt  }
0x62: {  	_ =	shalt  }
0x63: {  	_ =	shalt  }
0x64: {  	_ =	shalt  }
0x65: {  	_ =	shalt  }
0x66: {  	_ =	shalt  }
0x67: {  	_ =	shalt  }
0x68: {  	_ =	shalt  }
0x69: {  	_ =	shalt  }
0x6a: {  	_ =	shalt  }
0x6b: {  	_ =	shalt  }
0x6c: {  	_ =	shalt  }
0x6d: {  	_ =	shalt  }
0x6e: {  	_ =	shalt  }
0x6f: {  	_ =	shalt  }
0x70: {  	_ =	shalt  }
0x71: {  	_ =	shalt  }
0x72: {  	_ =	shalt  }
0x73: {  	_ =	shalt  }
0x74: {  	_ =	shalt  }
0x75: {  	_ =	shalt  }
0x76: {  	_ =	shalt  }
0x77: {  	_ =	shalt  }
0x78: {  	_ =	shalt  }
0x79: {  	_ =	shalt  }
0x7a: {  	_ =	shalt  }
0x7b: {  	_ =	shalt  }
0x7c: {  	_ =	shalt  }
0x7d: {  	_ =	shalt  }
0x7e: {  	_ =	shalt  }
0x7f: {  	_ =	shalt  }
0x80: {  	_ =	shalt  }
0x81: {  	_ =	shalt  }
0x82: {  	_ =	shalt  }
0x83: {  	_ =	shalt  }
0x84: {  	_ =	shalt  }
0x85: {  	_ =	shalt  }
0x86: {  	_ =	shalt  }
0x87: {  	_ =	shalt  }
.Lfunc_end0:
.L_simem_size_0:
called_computation.1_lowered:
.L_overlay_start_0:
0x88: {  	s2 =	sld [smem:$0x3FD9]  }
0x89: {  	s3 =	sld [smem:$0x3FFE];
	_ =	sdelay $0x1  }
0x8a: {  	s1 =	srdreg.scid  }
0x8b: {  	s0 =	sand.u32 $0x1, s1  }
0x8c: {  	s17 =	sshll.u32 s0, $0xA;
	s2 =	sadd.s32 s3, s2  }
0x8d: {  	s2 =	sadd.s32 s2, s17  }
0x8e: {  	[smem:$0x3FC5] =	sst s2  }
0x8f: {  	_ = 	snop  }
0x90: {  	s2 =	sld [smem:$0x3FC7]  }
0x91: {  	s18 =	sld [smem:$0x3FD0];
	(tm) =	ssettm $0x1  }
0x92: {  	s4 =	sld [smem:$0x3FFB];
	_ =	sdelay $0x3  }
0x93: {  	_ =	strace s4  }
0x94: {  	s4 =	sld [smem:$0x3FFC];
	_ =	sdelay $0x3  }
0x95: {  	_ =	strace s4  }
0x96: {  	s4 =	sld [smem:$0x3FFD];
	_ =	sdelay $0x3  }
0x97: {  	_ =	strace s4  }
0x98: {  	_ =	strace $0x8FFFFFFF  }
0x99: {  	s19 =	sld [smem:$0x3FDB];
	_ =	sdelay $0x1  }
0x9a: {  	s5 =	simm.s32 $_scs_section_size  }
0x9b: {  	s6 =	simm.s32 $_size__tile_overlayer_lowered;
	s7 =	simm.s32 $_tile_overlayer_lowered  }
0x9c: {  	s22 =	simm.s32 $0x1BFF;
	s21 =	sshll.u32 s7, $0x1;
	s4 =	sadd.s32 s5, s19  }
0x9d: {  	s8 =	simm.s32 $0x0;
	s20 =	sshll.u32 s6, $0x1;
	s6 =	sadd.s32 s21, s4  }
0x9e: {  	[timem:s8], [sflag:s22] =	dma.local [hbm:s6], s20  }
0x9f: {  	_ =	swait.ge [sflag:s22], s20  }
0xa0: {  	s5 =	ssub.s32 $0x0, s20;
	[sflag:s22] =	ssyncset.done $0x0  }
0xa1: {  	[sflag:s22] =	ssyncadd.s32 s5;
	_ =	sdelay $0x1  }
0xa2: {  	s23 =	simm.s32 $0x1B8B  }
0xa3: {  	_ =	swait.ge [sflag:s23], $0x1  }
0xa4: {  	[sflag:s23] =	ssyncset.done $0x0  }
0xa5: {  	s25 =	simm.s32 $0x1B8E;
	s24 =	sld [smem:$0x3FFE];
	[sflag:s23] =	ssyncadd.s32 $0xFFFFFFFF  }
0xa6: {  	s26 =	simm.s32 $execute0_lowered;
	[smem:$0x3FD2] =	sst s25  }
0xa7: {  	s6 =	sshll.u32 s26, $0x1;
	_ =	strace $0x80000049;
	[dreg:$0x1] =	wrdreg $0xFFFFFFFF  }
0xa8: {  	s28 =	simm.s32 $_size_execute0_lowered;
	s4 =	sadd.s32 s4, s6;
	[dreg:$0x0] =	wrdreg $0x0  }
0xa9: {  	s6 =	sshll.u32 s28, $0x1;
	[dreg:$0x2] =	wrdreg s4  }
0xaa: {  	[dreg:$0x3] =	wrdreg s6  }
0xab: {  	[dreg:$0x4] =	wrdreg $0xC0  }
0xac: {  	_ =	task [dreg:s8], $0x5FFFF  }
0xad: {  	[dreg:$0x1] =	wrdreg $0xFFFFFFFF  }
0xae: {  	[dreg:$0x0] =	wrdreg $0x60  }
0xaf: {  	[dreg:$0x2] =	wrdreg s24  }
0xb0: {  	[dreg:$0x3] =	wrdreg s2  }
0xb1: {  	[dreg:$0x4] =	wrdreg s18  }
0xb2: {  	[dreg:$0x5] =	wrdreg $0x9  }
0xb3: {  	_ =	task.clear_ibuf [dreg:s8], $0x6FFFF;
	_ =	strace $0x90000049  }
0xb4: {  	s29 =	simm.s32 $0x9;
	_ =	strace $0x8000004B  }
0xb5: {  	_ =	swait.ge [sflag:s29], $0x1  }
0xb6: {  	[sflag:s29] =	ssyncadd.s32 $0xFFFFFFFF  }
0xb7: {  	_ =	strace $0x9000004B  }
0xb8: {  	_ =	sfence  }
0xb9: {  	s30 =	sld [smem:$0x0];
	_ =	sdelay $0x2  }
0xba: {  	s31 =	sshll.u32 s1, $0xD;
	s1 =	sshrl.u32 s1, $0x2  }
0xbb: {  	s3 =	sand.u32 $0x4000, s31;
	s1 =	sadd.s32 s1, s30  }
0xbc: {  	s0 =	sor.u32 s3, s0;
	s1 =	sshll.u32 s1, $0x11  }
0xbd: {  	s0 =	sor.u32 s1, s0  }
0xbe: {  	s0 =	sadd.s32 $0x8F2B, s0  }
0xbf: {  	[sflag:s0] =	ssyncadd.remote.s32 $0x1  }
0xc0: {  	_ =	sfence.sel $0xFFFF  }
0xc1: {  	[dreg:$0x0] =	wrdreg $0xFFFFFFFF;
	(pc) =	sbr.abs _section_cstart, $3  }
0xc2: {  	[dreg:$0x1] =	wrdreg $0xFFFFFFFF  }
0xc3: {  	_ =	task.clear_ibuf [dreg:s8], $0x2FFFF;
	_ =	strace $0x9FFFFFFF  }
0xc4: {  	(tm) =	ssettm $0x7FFFFFFF  }
0xc5: {  	_ =	shalt  }
tec
execute0_lowered:
.L_overlay_start_1:
0x0: {  	(tag) =	ssettag $0x1  }
0x1: {  	s0 =	rddreg [dreg:$0x0]  }
0x2: {  	s2 =	rddreg [dreg:$0x1]  }
0x3: {  	s4 =	rddreg [dreg:$0x2];
	s3 =	srdreg.scid  }
0x4: {  	s1 =	stileid.u32;
	s5 =	sand.u32 $0x1, s3;
	s3 =	simm.s32 $0x0  }
0x5: {  	s10 =	simm.s32 $0xD00;
	s11 =	simm.s32 $0x1500;
	[smem:$0x7FF] =	sst s3  }
0x6: {  	s12 =	simm.s32 $0x1D00;
	_ =	strace $0x8000004A;
	[dreg:$0x7] =	wrdreg s10  }
0x7: {  	s13 =	simm.s32 $0x2500;
	s14 =	simm.s32 $0x2D00;
	[dreg:$0x8] =	wrdreg s11  }
0x8: {  	s15 =	simm.s32 $0x3500;
	s16 =	simm.s32 $0x3D00;
	[dreg:$0x9] =	wrdreg s12  }
0x9: {  	s18 =	simm.s32 $0x4500;
	s19 =	simm.s32 $0x4D00;
	[dreg:$0xa] =	wrdreg s13  }
0xa: {  	s28 =	simm.s32 $0xE500;
	s29 =	simm.s32 $0xED00;
	[dreg:$0xb] =	wrdreg s14  }
0xb: {  	s30 =	simm.s32 $0xF500;
	s31 =	simm.s32 $0xFD00;
	[dreg:$0xc] =	wrdreg s15  }
0xc: {  	s6 =	sshll.u32 s1, $0x8;
	s7 =	sshll.u32 s5, $0x7;
	[dreg:$0xd] =	wrdreg s16  }
0xd: {  	s5 =	ssub.s32 $0x2, s5;
	s17 =	sor.u32 s7, s6;
	[dreg:$0xe] =	wrdreg s18  }
0xe: {  	s1 =	sshrl.u32 s5, $0x1;
	[dreg:$0xf] =	wrdreg s19;
	s10 =	simm.s32 $0x5D00  }
0xf: {  	s11 =	simm.s32 $0x6500;
	s12 =	simm.s32 $0x6D00;
	s13 =	simm.s32 $0x7500  }
0x10: {  	s14 =	simm.s32 $0x7D00;
	s15 =	simm.s32 $0x8500;
	s16 =	simm.s32 $0x8D00  }
0x11: {  	s18 =	simm.s32 $0x9D00;
	s19 =	simm.s32 $0xA500;
	s6 =	sshrl.u32 s17, $0x3  }
0x12: {  	s7 =	ssub.s32 s5, s1;
	s20 =	sor.u32 $0x10, s17;
	s9 =	sshll.u32 s17, $0x6  }
0x13: {  	s21 =	sor.u32 $0x20, s17;
	s22 =	sor.u32 $0x30, s17;
	s23 =	sor.u32 $0x40, s17  }
0x14: {  	v10 =	vlaneseq.u32;
	s24 =	sor.u32 $0x50, s17;
	s25 =	sor.u32 $0x60, s17;
	s26 =	sor.u32 $0x70, s17  }
0x15: {  	v0 =	vor.u32 s17, v10;
	s17 =	simm.s32 $0x9500;
	s6 =	sadd.s32 s6, s0;
	s0 =	sadd.s32 $0x1E00, s0  }
0x16: {  	s4 =	sadd.s32 s4, s9;
	s5 =	smax.u32 s7, $0x1;
	s7 =	simm.s32 $0x80  }
0x17: {  	v1 =	vor.u32 s20, v10;
	v2 =	vor.u32 s21, v10;
	v3 =	vor.u32 s22, v10;
	s20 =	simm.s32 $0xAD00;
	s21 =	simm.s32 $0xB500;
	s22 =	simm.s32 $0xBD00  }
0x18: {  	v4 =	vor.u32 s23, v10;
	v5 =	vor.u32 s24, v10;
	v6 =	vor.u32 s25, v10;
	s23 =	simm.s32 $0xC500;
	s24 =	simm.s32 $0xCD00;
	s25 =	simm.s32 $0xD500  }
0x19: {  	v7 =	vor.u32 s26, v10;
	s26 =	simm.s32 $0xDD00;
	[dreg:$0x4] =	wrdreg s0;
	s8 =	sadd.s32 $0x2000, s6  }
0x1a: {  	vm0 =	vmmov $0xffff;
	v9 =	vshrl.u32 v10, $0x3;
	[dreg:$0x6] =	wrdreg s4;
	s4 =	sadd.s32 $0x100, s2;
	s6 =	simm.s32 $0x2  }
0x1b: {  	v8 =	vand.u32 $0x7, v10;
	v9 =	vmul.u32 $0x8, v9;
	v10 =	vor.u32 $0x8, v10;
	s0 =	simm.s32 $0x1;
	[dreg:$0x5] =	wrdreg s8;
	s8 =	simm.s32 $0x500  }
.LBB2_1:
0x1c: {  	s1 =	rddreg [dreg:$0x5]  }
0x1d: {  	[tilespmem:s3], [sflag:$0x2] =	stream.linear.gather [hbm4b:s1+s3], $0x80, $0x38;
	[tilespmem:$0x10500] =	vst v63  }
0x1e: {  	_ =	swait.ge [sflag:s6], $0x80  }
0x1f: {  	[sflag:s6] =	ssyncset.done $0x0  }
0x20: {  	s9 =	rddreg [dreg:$0x4];
	[sflag:s6] =	ssyncadd.s32 $0xFFFFFF80  }
0x21: {  	[tilespmem:s7], [sflag:$0x2] =	stream.linear.gather [hbm4b:s9+s3], $0x400, $0x38;
	[tilespmem:$0x10500] =	vst v63  }
0x22: {  	_ =	swait.ge [sflag:s6], $0x400  }
0x23: {  	[sflag:s6] =	ssyncset.done $0x0  }
0x24: {  	[sflag:s6] =	ssyncadd.s32 $0xFFFFFC00  }
0x25: {  	v11 =	vld [tilespmem:$0x0];
	_ =	sdelay $0x4  }
0x26: {  	vm1 =	vlt.s32 v11, $0x0  }
0x27: {  	v11 =	vsel vm1, $0x0, v11  }
0x28: {  	v12 =	vld [tilespmem:$0x10];
	_ =	sdelay $0x3  }
0x29: {  	v11 =	vld.idx.msk [tilespmem:v11+s7+$0x0], $0xffff  }
0x2a: {  	vm2 =	vlt.s32 v12, $0x0  }
0x2b: {  	v12 =	vsel vm2, $0x0, v12  }
0x2c: {  	v13 =	vld [tilespmem:$0x20];
	_ =	sdelay $0x1  }
0x2d: {  	v11 =	vsel vm1, v0, v11  }
0x2e: {  	[tilespmem:$0x480] =	vst v11  }
0x2f: {  	v12 =	vld.idx.msk [tilespmem:v12+s7+$0x0], $0xffff  }
0x30: {  	vm1 =	vlt.s32 v13, $0x0  }
0x31: {  	v13 =	vsel vm1, $0x0, v13  }
0x32: {  	v14 =	vld [tilespmem:$0x30];
	_ =	sdelay $0x1  }
0x33: {  	v12 =	vsel vm2, v1, v12  }
0x34: {  	[tilespmem:$0x490] =	vst v12  }
0x35: {  	v12 =	vld.idx.msk [tilespmem:v13+s7+$0x0], $0xffff  }
0x36: {  	vm2 =	vlt.s32 v14, $0x0  }
0x37: {  	v46 =	vsel vm2, $0x0, v14  }
0x38: {  	v47 =	vld [tilespmem:$0x40];
	_ =	sdelay $0x1  }
0x39: {  	v12 =	vsel vm1, v2, v12  }
0x3a: {  	[tilespmem:$0x4A0] =	vst v12  }
0x3b: {  	v12 =	vld.idx.msk [tilespmem:v46+s7+$0x0], $0xffff  }
0x3c: {  	vm1 =	vlt.s32 v47, $0x0  }
0x3d: {  	v48 =	vsel vm1, $0x0, v47  }
0x3e: {  	v49 =	vld [tilespmem:$0x50];
	_ =	sdelay $0x1  }
0x3f: {  	v12 =	vsel vm2, v3, v12  }
0x40: {  	[tilespmem:$0x4B0] =	vst v12  }
0x41: {  	v12 =	vld.idx.msk [tilespmem:v48+s7+$0x0], $0xffff  }
0x42: {  	vm2 =	vlt.s32 v49, $0x0  }
0x43: {  	v50 =	vsel vm2, $0x0, v49  }
0x44: {  	v51 =	vld [tilespmem:$0x60];
	_ =	sdelay $0x1  }
0x45: {  	v12 =	vsel vm1, v4, v12  }
0x46: {  	[tilespmem:$0x4C0] =	vst v12  }
0x47: {  	v12 =	vld.idx.msk [tilespmem:v50+s7+$0x0], $0xffff  }
0x48: {  	vm1 =	vlt.s32 v51, $0x0  }
0x49: {  	v52 =	vsel vm1, $0x0, v51  }
0x4a: {  	v53 =	vld [tilespmem:$0x70];
	_ =	sdelay $0x1  }
0x4b: {  	v12 =	vsel vm2, v5, v12  }
0x4c: {  	[tilespmem:$0x4D0] =	vst v12  }
0x4d: {  	v12 =	vld.idx.msk [tilespmem:v52+s7+$0x0], $0xffff  }
0x4e: {  	vm2 =	vlt.s32 v53, $0x0  }
0x4f: {  	v54 =	vsel vm2, $0x0, v53;
	_ =	sdelay $0x1  }
0x50: {  	v55 =	vshll.u32 v11, $0x2  }
0x51: {  	v11 =	vand.u32 $0x7, v11;
	v14 =	vand.u32 $0xFFFFFFE0, v55;
	v12 =	vsel vm1, v6, v12  }
0x52: {  	v11 =	vor.u32 v11, v14;
	[tilespmem:$0x4E0] =	vst v12  }
0x53: {  	v56 =	vperm.xlane v11, v8;
	v12 =	vld.idx.msk [tilespmem:v54+s7+$0x0], $0xffff;
	_ =	sdelay $0x1  }
0x54: {  	v13 =	vadd.s32 v9, v56;
	_ =	sdelay $0x1  }
0x55: {  	v11 =	vperm.xlane v11, v10  }
0x56: {  	v12 =	vsel vm2, v7, v12  }
0x57: {  	v11 =	vadd.s32 v9, v11;
	[tilespmem:$0x4F0] =	vst v12  }
0x58: {  	[tilespmem:s8], [sflag:$0x1] =	stream.indirect_vreg.gather [hbm4b:s2+s3], $0x80, v13, vm0, $0xb8;
	[tilespmem:$0x10500] =	vst v63  }
0x59: {  	s1 =	rddreg [dreg:$0x7]  }
0x5a: {  	[tilespmem:s1], [sflag:$0x1] =	stream.indirect_vreg.gather [hbm4b:s4+s3], $0x80, v13, vm0, $0xb8;
	[tilespmem:$0x10500] =	vst v63  }
0x5b: {  	s9 =	rddreg [dreg:$0x8]  }
0x5c: {  	[tilespmem:s9], [sflag:$0x1] =	stream.indirect_vreg.gather [hbm4b:s2+s3], $0x80, v11, vm0, $0xb8;
	[tilespmem:$0x10500] =	vst v63  }
0x5d: {  	s1 =	rddreg [dreg:$0x9]  }
0x5e: {  	[tilespmem:s1], [sflag:$0x1] =	stream.indirect_vreg.gather [hbm4b:s4+s3], $0x80, v11, vm0, $0xb8;
	[tilespmem:$0x10500] =	vst v63  }
0x5f: {  	v11 =	vld [tilespmem:$0x490];
	_ =	sdelay $0x4  }
0x60: {  	v57 =	vshll.u32 v11, $0x2  }
0x61: {  	v11 =	vand.u32 $0x7, v11;
	v12 =	vand.u32 $0xFFFFFFE0, v57  }
0x62: {  	v11 =	vor.u32 v11, v12  }
0x63: {  	v12 =	vperm.xlane v11, v8;
	_ =	sdelay $0x1  }
0x64: {  	v12 =	vadd.s32 v9, v12;
	_ =	sdelay $0x1  }
0x65: {  	v11 =	vperm.xlane v11, v10;
	_ =	sdelay $0x1  }
0x66: {  	s1 =	rddreg [dreg:$0xa];
	v11 =	vadd.s32 v9, v11  }
0x67: {  	[tilespmem:s1], [sflag:$0x1] =	stream.indirect_vreg.gather [hbm4b:s2+s3], $0x80, v12, vm0, $0xb8;
	[tilespmem:$0x10500] =	vst v63  }
0x68: {  	s9 =	rddreg [dreg:$0xb]  }
0x69: {  	[tilespmem:s9], [sflag:$0x1] =	stream.indirect_vreg.gather [hbm4b:s4+s3], $0x80, v12, vm0, $0xb8;
	[tilespmem:$0x10500] =	vst v63  }
0x6a: {  	s1 =	rddreg [dreg:$0xc]  }
0x6b: {  	[tilespmem:s1], [sflag:$0x1] =	stream.indirect_vreg.gather [hbm4b:s2+s3], $0x80, v11, vm0, $0xb8;
	[tilespmem:$0x10500] =	vst v63  }
0x6c: {  	s9 =	rddreg [dreg:$0xd]  }
0x6d: {  	[tilespmem:s9], [sflag:$0x1] =	stream.indirect_vreg.gather [hbm4b:s4+s3], $0x80, v11, vm0, $0xb8;
	[tilespmem:$0x10500] =	vst v63  }
0x6e: {  	v11 =	vld [tilespmem:$0x4A0];
	_ =	sdelay $0x4  }
0x6f: {  	v58 =	vshll.u32 v11, $0x2  }
0x70: {  	v11 =	vand.u32 $0x7, v11;
	v12 =	vand.u32 $0xFFFFFFE0, v58  }
0x71: {  	v11 =	vor.u32 v11, v12  }
0x72: {  	v12 =	vperm.xlane v11, v8;
	_ =	sdelay $0x1  }
0x73: {  	v12 =	vadd.s32 v9, v12;
	_ =	sdelay $0x1  }
0x74: {  	v11 =	vperm.xlane v11, v10;
	_ =	sdelay $0x1  }
0x75: {  	s1 =	rddreg [dreg:$0xe];
	v11 =	vadd.s32 v9, v11  }
0x76: {  	[tilespmem:s1], [sflag:$0x1] =	stream.indirect_vreg.gather [hbm4b:s2+s3], $0x80, v12, vm0, $0xb8;
	[tilespmem:$0x10500] =	vst v63  }
0x77: {  	s9 =	rddreg [dreg:$0xf]  }
0x78: {  	[tilespmem:s9], [sflag:$0x1] =	stream.indirect_vreg.gather [hbm4b:s4+s3], $0x80, v12, vm0, $0xb8;
	[tilespmem:$0x10500] =	vst v63  }
0x79: {  	s9 =	simm.s32 $0x5500  }
0x7a: {  	[tilespmem:s9], [sflag:$0x1] =	stream.indirect_vreg.gather [hbm4b:s2+s3], $0x80, v11, vm0, $0xb8;
	[tilespmem:$0x10500] =	vst v63  }
0x7b: {  	_ = 	snop  }
0x7c: {  	[tilespmem:s10], [sflag:$0x1] =	stream.indirect_vreg.gather [hbm4b:s4+s3], $0x80, v11, vm0, $0xb8;
	[tilespmem:$0x10500] =	vst v63  }
0x7d: {  	v11 =	vld [tilespmem:$0x4B0];
	_ =	sdelay $0x4  }
0x7e: {  	v59 =	vshll.u32 v11, $0x2  }
0x7f: {  	v11 =	vand.u32 $0x7, v11;
	v12 =	vand.u32 $0xFFFFFFE0, v59  }
0x80: {  	v11 =	vor.u32 v11, v12  }
0x81: {  	v12 =	vperm.xlane v11, v8;
	_ =	sdelay $0x1  }
0x82: {  	v12 =	vadd.s32 v9, v12;
	_ =	sdelay $0x1  }
0x83: {  	v11 =	vperm.xlane v11, v10;
	_ =	sdelay $0x1  }
0x84: {  	v11 =	vadd.s32 v9, v11  }
0x85: {  	[tilespmem:s11], [sflag:$0x1] =	stream.indirect_vreg.gather [hbm4b:s2+s3], $0x80, v12, vm0, $0xb8;
	[tilespmem:$0x10500] =	vst v63  }
0x86: {  	_ = 	snop  }
0x87: {  	[tilespmem:s12], [sflag:$0x1] =	stream.indirect_vreg.gather [hbm4b:s4+s3], $0x80, v12, vm0, $0xb8;
	[tilespmem:$0x10500] =	vst v63  }
0x88: {  	_ = 	snop  }
0x89: {  	[tilespmem:s13], [sflag:$0x1] =	stream.indirect_vreg.gather [hbm4b:s2+s3], $0x80, v11, vm0, $0xb8;
	[tilespmem:$0x10500] =	vst v63  }
0x8a: {  	_ = 	snop  }
0x8b: {  	[tilespmem:s14], [sflag:$0x1] =	stream.indirect_vreg.gather [hbm4b:s4+s3], $0x80, v11, vm0, $0xb8;
	[tilespmem:$0x10500] =	vst v63  }
0x8c: {  	v11 =	vld [tilespmem:$0x4C0];
	_ =	sdelay $0x4  }
0x8d: {  	v60 =	vshll.u32 v11, $0x2  }
0x8e: {  	v11 =	vand.u32 $0x7, v11;
	v12 =	vand.u32 $0xFFFFFFE0, v60  }
0x8f: {  	v11 =	vor.u32 v11, v12  }
0x90: {  	v12 =	vperm.xlane v11, v8;
	_ =	sdelay $0x1  }
0x91: {  	v12 =	vadd.s32 v9, v12;
	_ =	sdelay $0x1  }
0x92: {  	v11 =	vperm.xlane v11, v10;
	_ =	sdelay $0x1  }
0x93: {  	v11 =	vadd.s32 v9, v11  }
0x94: {  	[tilespmem:s15], [sflag:$0x1] =	stream.indirect_vreg.gather [hbm4b:s2+s3], $0x80, v12, vm0, $0xb8;
	[tilespmem:$0x10500] =	vst v63  }
0x95: {  	_ = 	snop  }
0x96: {  	[tilespmem:s16], [sflag:$0x1] =	stream.indirect_vreg.gather [hbm4b:s4+s3], $0x80, v12, vm0, $0xb8;
	[tilespmem:$0x10500] =	vst v63  }
0x97: {  	_ = 	snop  }
0x98: {  	[tilespmem:s17], [sflag:$0x1] =	stream.indirect_vreg.gather [hbm4b:s2+s3], $0x80, v11, vm0, $0xb8;
	[tilespmem:$0x10500] =	vst v63  }
0x99: {  	_ = 	snop  }
0x9a: {  	[tilespmem:s18], [sflag:$0x1] =	stream.indirect_vreg.gather [hbm4b:s4+s3], $0x80, v11, vm0, $0xb8;
	[tilespmem:$0x10500] =	vst v63  }
0x9b: {  	v11 =	vld [tilespmem:$0x4D0];
	_ =	sdelay $0x4  }
0x9c: {  	v61 =	vshll.u32 v11, $0x2  }
0x9d: {  	v11 =	vand.u32 $0x7, v11;
	v12 =	vand.u32 $0xFFFFFFE0, v61  }
0x9e: {  	v11 =	vor.u32 v11, v12  }
0x9f: {  	v12 =	vperm.xlane v11, v8;
	_ =	sdelay $0x1  }
0xa0: {  	v12 =	vadd.s32 v9, v12;
	_ =	sdelay $0x1  }
0xa1: {  	v11 =	vperm.xlane v11, v10;
	_ =	sdelay $0x1  }
0xa2: {  	v11 =	vadd.s32 v9, v11  }
0xa3: {  	[tilespmem:s19], [sflag:$0x1] =	stream.indirect_vreg.gather [hbm4b:s2+s3], $0x80, v12, vm0, $0xb8;
	[tilespmem:$0x10500] =	vst v63  }
0xa4: {  	_ = 	snop  }
0xa5: {  	[tilespmem:s20], [sflag:$0x1] =	stream.indirect_vreg.gather [hbm4b:s4+s3], $0x80, v12, vm0, $0xb8;
	[tilespmem:$0x10500] =	vst v63  }
0xa6: {  	_ = 	snop  }
0xa7: {  	[tilespmem:s21], [sflag:$0x1] =	stream.indirect_vreg.gather [hbm4b:s2+s3], $0x80, v11, vm0, $0xb8;
	[tilespmem:$0x10500] =	vst v63  }
0xa8: {  	_ = 	snop  }
0xa9: {  	[tilespmem:s22], [sflag:$0x1] =	stream.indirect_vreg.gather [hbm4b:s4+s3], $0x80, v11, vm0, $0xb8;
	[tilespmem:$0x10500] =	vst v63  }
0xaa: {  	v11 =	vld [tilespmem:$0x4E0];
	_ =	sdelay $0x4  }
0xab: {  	v62 =	vshll.u32 v11, $0x2  }
0xac: {  	v11 =	vand.u32 $0x7, v11;
	v12 =	vand.u32 $0xFFFFFFE0, v62  }
0xad: {  	v11 =	vor.u32 v11, v12  }
0xae: {  	v12 =	vperm.xlane v11, v8;
	_ =	sdelay $0x1  }
0xaf: {  	v12 =	vadd.s32 v9, v12;
	_ =	sdelay $0x1  }
0xb0: {  	v11 =	vperm.xlane v11, v10;
	_ =	sdelay $0x1  }
0xb1: {  	v11 =	vadd.s32 v9, v11  }
0xb2: {  	[tilespmem:s23], [sflag:$0x1] =	stream.indirect_vreg.gather [hbm4b:s2+s3], $0x80, v12, vm0, $0xb8;
	[tilespmem:$0x10500] =	vst v63  }
0xb3: {  	_ = 	snop  }
0xb4: {  	[tilespmem:s24], [sflag:$0x1] =	stream.indirect_vreg.gather [hbm4b:s4+s3], $0x80, v12, vm0, $0xb8;
	[tilespmem:$0x10500] =	vst v63  }
0xb5: {  	_ = 	snop  }
0xb6: {  	[tilespmem:s25], [sflag:$0x1] =	stream.indirect_vreg.gather [hbm4b:s2+s3], $0x80, v11, vm0, $0xb8;
	[tilespmem:$0x10500] =	vst v63  }
0xb7: {  	_ = 	snop  }
0xb8: {  	[tilespmem:s26], [sflag:$0x1] =	stream.indirect_vreg.gather [hbm4b:s4+s3], $0x80, v11, vm0, $0xb8;
	[tilespmem:$0x10500] =	vst v63  }
0xb9: {  	v11 =	vld [tilespmem:$0x4F0];
	_ =	sdelay $0x4  }
0xba: {  	v63 =	vshll.u32 v11, $0x2  }
0xbb: {  	v11 =	vand.u32 $0x7, v11;
	v12 =	vand.u32 $0xFFFFFFE0, v63  }
0xbc: {  	v11 =	vor.u32 v11, v12  }
0xbd: {  	v12 =	vperm.xlane v11, v8;
	_ =	sdelay $0x1  }
0xbe: {  	v12 =	vadd.s32 v9, v12;
	_ =	sdelay $0x1  }
0xbf: {  	v11 =	vperm.xlane v11, v10;
	_ =	sdelay $0x1  }
0xc0: {  	v11 =	vadd.s32 v9, v11  }
0xc1: {  	[tilespmem:s28], [sflag:$0x1] =	stream.indirect_vreg.gather [hbm4b:s2+s3], $0x80, v12, vm0, $0xb8;
	[tilespmem:$0x10500] =	vst v63  }
0xc2: {  	_ = 	snop  }
0xc3: {  	[tilespmem:s29], [sflag:$0x1] =	stream.indirect_vreg.gather [hbm4b:s4+s3], $0x80, v12, vm0, $0xb8;
	[tilespmem:$0x10500] =	vst v63  }
0xc4: {  	_ = 	snop  }
0xc5: {  	[tilespmem:s30], [sflag:$0x1] =	stream.indirect_vreg.gather [hbm4b:s2+s3], $0x80, v11, vm0, $0xb8;
	[tilespmem:$0x10500] =	vst v63  }
0xc6: {  	_ = 	snop  }
0xc7: {  	[tilespmem:s31], [sflag:$0x1] =	stream.indirect_vreg.gather [hbm4b:s4+s3], $0x80, v11, vm0, $0xb8;
	[tilespmem:$0x10500] =	vst v63  }
0xc8: {  	_ =	swait.ge [sflag:s0], $0x10000  }
0xc9: {  	p0 =	sne.s32 s5, $0x1;
	[sflag:s0] =	ssyncset.done $0x0  }
.Ltmp0:
0xca: {  	s9 =	rddreg [dreg:$0x6];
	[sflag:s0] =	ssyncadd.s32 $0xFFFF0000;
	(pc) =	sbr.rel @p0 .LBB2_1-.Ltmp0, $4  }
0xcb: {  	[hbm4b:s9+s3] =	stream.linear.scatter [tilespmem:s8], [sflag:$0x2], $0x10000, $0x38;
	[tilespmem:$0x10500] =	vst v63  }
0xcc: {  	_ =	swait.ge [sflag:s6], $0x10000  }
0xcd: {  	[sflag:s6] =	ssyncset.done $0x0  }
0xce: {  	s5 =	sadd.s32 $0xFFFFFFFF, s5;
	[sflag:s6] =	ssyncadd.s32 $0xFFFF0000  }
0xcf: {  	_ =	sfence.sel $0x180000  }
0xd0: {  	[bflag:$0x0] =	sbarrier.arrive $0xFFFF  }
0xd1: {  	_ =	strace $0x9000004A  }
0xd2: {  	s0 =	stileid.u32;
	[bflag:$0x2] =	sbarrier.arrive $0xFFFF  }
0xd3: {  	p0 =	sne.s32 s0, $0x0;
	s0 =	rddreg [dreg:$0x3]  }
0xd4: {  	s0 =	sadd.s32 @!p0 $0x100000, s0  }
0xd5: {  	[sflag:s0] =	ssyncadd.tile.s32 @!p0 $0x1;
	_ =	shalt  }
.Lfunc_end2:
_tile_overlayer_lowered:
.L_overlay_start_2:
0xd6: {  	(tag) =	ssettag $0x2  }
0xd7: {  	s0 =	rddreg [dreg:$0x0];
	s2 =	stileid.u32  }
0xd8: {  	s1 =	rddreg [dreg:$0x1];
	p0 =	sne.s32 s2, $0x0  }
0xd9: {  	s3 =	rddreg [dreg:$0x2];
	[bflag:$0x3] =	sbarrier.arrive $0xFFFF;
	s2 =	simm.s32 @!p0 $0x1C02  }
0xda: {  	[timem:s3], [sflag:s2] =	dma.local @!p0 [hbm:s0], s1  }
0xdb: {  	s0 =	simm.s32 @!p0 $0x2  }
0xdc: {  	_ =	swait.ge @!p0 [sflag:s0], s1  }
0xdd: {  	s1 =	ssub.s32 @!p0 $0x0, s1;
	[sflag:s0] =	ssyncset.done @!p0 $0x0  }
0xde: {  	[sflag:s0] =	ssyncadd.s32 @!p0 s1  }
0xdf: {  	[bflag:$0x3] =	sbarrier.arrive $0xFFFF  }
0xe0: {  	_ =	shalt  }

// kernel: kernel.7.cloned.1.call-start
scs
__scs_entry_jumppad:
0x0: {  	(pc) =	sbr.rel $0x88, $3  }
0x1: {  	(tag) =	ssettag $0x0;
	lr =	simm.s32 $0x1  }
0x2: {  	[smem:$0x3F9E] =	sst lr;
	_ =	strace $0xD0000000  }
0x3: {  	_ = 	snop  }
0x4: {  	_ = 	snop  }
0x5: {  	_ = 	snop  }
0x6: {  	_ = 	snop  }
0x7: {  	_ = 	snop  }
__scs_overlays_trampoline_lowered:
0x8: {  	[smem:$0x3FAD] =	sst s0  }
0x9: {  	[smem:$0x3FAE] =	sst s1  }
0xa: {  	[smem:$0x3FAF] =	sst s2  }
0xb: {  	[smem:$0x3FB0] =	sst s3  }
0xc: {  	[smem:$0x3FB1] =	sst s4  }
0xd: {  	[smem:$0x3FB2] =	sst s5  }
0xe: {  	[smem:$0x3FB3] =	sst s6  }
0xf: {  	[smem:$0x3FB4] =	sst s7  }
0x10: {  	[smem:$0x3FB5] =	sst s8  }
0x11: {  	[smem:$0x3FB6] =	sst s9;
	s0 =	simm.s32 @!p0 $0x0  }
0x12: {  	s1 =	sld [smem:$0x3F9C];
	s0 =	simm.s32 @p0 $0x1  }
0x13: {  	[smem:$0x3FB7] =	sst s0;
	s0 =	simm.s32 @!p1 $0x0  }
0x14: {  	s2 =	sld [smem:$0x3F9B];
	s0 =	simm.s32 @p1 $0x1  }
0x15: {  	[smem:$0x3FB8] =	sst s0;
	s0 =	simm.s32 @!p2 $0x0  }
0x16: {  	s3 =	sld [smem:$0x3FDB];
	s0 =	simm.s32 @p2 $0x1  }
0x17: {  	s4 =	simm.s32 $0x1BF5;
	[smem:$0x3FBA] =	sst s0  }
0x18: {  	s0 =	sld [smem:$0x3F9D];
	_ =	swait.ge [sflag:s4], $0x0  }
0x19: {  	s7 =	sld [smem:$0x3F9E]  }
0x1a: {  	s8 =	sadd.s32 $0xFFFFE003, lr  }
0x1b: {  	s9 =	sadd.s32 $0xFFFFFEF7, lr;
	s5 =	simm.s32 $0xFFFFFFFF;
	p2 =	slt.u32 s8, $0xFFFFF086  }
0x1c: {  	p1 =	slt.u32 s9, $0xF7A;
	s5 =	simm.s32 @!p2 $0x0  }
0x1d: {  	s5 =	simm.s32 @p1 $0x1;
	p0 =	seq.s32 s7, s2  }
0x1e: {  	s7 =	smul.u32 @!p0 $0xF7A, s2;
	p2 =	seq.s32 @!p0 s5, $0x0  }
0x1f: {  	s9 =	smul.u32 $0xF7A, s1;
	s8 =	simm.s32 @!p0 $0x1BF5;
	p2 =	por !p2, p0  }
0x20: {  	[sflag:s8] =	ssyncset.s32 @!p0 $0xFFFFF086;
	s6 =	sadd.s32 @!p0 s3, s7;
	s7 =	simm.s32 @!p0 $0x108  }
0x21: {  	s3 =	sadd.s32 s3, s9;
	s6 =	sadd.s32 @!p0 $0x88, s6;
	s7 =	simm.s32 @p2 $0x1082  }
0x22: {  	[simem:s7], [sflag:s8] =	dma.local @!p0 [hbm:s6], $0xF7A  }
0x23: {  	s9 =	sor.u32 $0xD0000000, s2;
	s6 =	simm.s32 $0x108;
	_ =	swait.ge @!p0 [sflag:s8], $0x0  }
0x24: {  	s3 =	sadd.s32 $0x88, s3;
	s6 =	simm.s32 @!p1 $0x1082;
	[sflag:s4] =	ssyncset.s32 $0xFFFFF086  }
0x25: {  	[simem:s6], [sflag:s4] =	dma.local [hbm:s3], $0xF7A  }
0x26: {  	[smem:$0x3F9E] =	sst s1;
	(tag) =	ssettag s2;
	_ =	strace s9  }
0x27: {  	s1 =	sld [smem:$0x3FAE]  }
0x28: {  	s2 =	sld [smem:$0x3FAF]  }
0x29: {  	s4 =	sld [smem:$0x3FB1]  }
0x2a: {  	p0 =	seq.s32 s5, $0x0;
	s5 =	sld [smem:$0x3FB2]  }
0x2b: {  	s6 =	sld [smem:$0x3FB3]  }
0x2c: {  	s7 =	sld [smem:$0x3FB4]  }
0x2d: {  	s3 =	simm.s32 $0x108;
	s8 =	sld [smem:$0x3FB5]  }
0x2e: {  	s3 =	simm.s32 @!p0 $0x1082;
	s9 =	sld [smem:$0x3FB6]  }
0x2f: {  	lr =	sadd.s32 s0, s3;
	s0 =	sld [smem:$0x3FAD]  }
0x30: {  	s3 =	sld [smem:$0x3FB0]  }
0x31: {  	[smem:$0x3FB9] =	sst s10  }
0x32: {  	s10 =	sld [smem:$0x3FB7];
	_ =	sdelay $0x3  }
0x33: {  	p0 =	seq.s32 s10, $0x1;
	s10 =	sld [smem:$0x3FB9];
	_ =	sdelay $0x3  }
0x34: {  	[smem:$0x3FB9] =	sst s10  }
0x35: {  	s10 =	sld [smem:$0x3FB8];
	_ =	sdelay $0x3  }
0x36: {  	p1 =	seq.s32 s10, $0x1;
	s10 =	sld [smem:$0x3FB9];
	_ =	sdelay $0x3  }
0x37: {  	[smem:$0x3FB9] =	sst s10  }
0x38: {  	s10 =	sld [smem:$0x3FBA]  }
0x39: {  	_ = 	snop;
	(pc) =	sbr.ind lr, $3  }
0x3a: {  	_ = 	snop  }
0x3b: {  	_ = 	snop  }
0x3c: {  	p2 =	seq.s32 s10, $0x1;
	s10 =	sld [smem:$0x3FB9]  }
0x3d: {  	_ =	shalt  }
0x3e: {  	_ =	shalt  }
0x3f: {  	_ =	shalt  }
0x40: {  	_ =	shalt  }
0x41: {  	_ =	shalt  }
0x42: {  	_ =	shalt  }
0x43: {  	_ =	shalt  }
0x44: {  	_ =	shalt  }
0x45: {  	_ =	shalt  }
0x46: {  	_ =	shalt  }
0x47: {  	_ =	shalt  }
0x48: {  	_ =	shalt  }
0x49: {  	_ =	shalt  }
0x4a: {  	_ =	shalt  }
0x4b: {  	_ =	shalt  }
0x4c: {  	_ =	shalt  }
0x4d: {  	_ =	shalt  }
0x4e: {  	_ =	shalt  }
0x4f: {  	_ =	shalt  }
0x50: {  	_ =	shalt  }
0x51: {  	_ =	shalt  }
0x52: {  	_ =	shalt  }
0x53: {  	_ =	shalt  }
0x54: {  	_ =	shalt  }
0x55: {  	_ =	shalt  }
0x56: {  	_ =	shalt  }
0x57: {  	_ =	shalt  }
0x58: {  	_ =	shalt  }
0x59: {  	_ =	shalt  }
0x5a: {  	_ =	shalt  }
0x5b: {  	_ =	shalt  }
0x5c: {  	_ =	shalt  }
0x5d: {  	_ =	shalt  }
0x5e: {  	_ =	shalt  }
0x5f: {  	_ =	shalt  }
0x60: {  	_ =	shalt  }
0x61: {  	_ =	shalt  }
0x62: {  	_ =	shalt  }
0x63: {  	_ =	shalt  }
0x64: {  	_ =	shalt  }
0x65: {  	_ =	shalt  }
0x66: {  	_ =	shalt  }
0x67: {  	_ =	shalt  }
0x68: {  	_ =	shalt  }
0x69: {  	_ =	shalt  }
0x6a: {  	_ =	shalt  }
0x6b: {  	_ =	shalt  }
0x6c: {  	_ =	shalt  }
0x6d: {  	_ =	shalt  }
0x6e: {  	_ =	shalt  }
0x6f: {  	_ =	shalt  }
0x70: {  	_ =	shalt  }
0x71: {  	_ =	shalt  }
0x72: {  	_ =	shalt  }
0x73: {  	_ =	shalt  }
0x74: {  	_ =	shalt  }
0x75: {  	_ =	shalt  }
0x76: {  	_ =	shalt  }
0x77: {  	_ =	shalt  }
0x78: {  	_ =	shalt  }
0x79: {  	_ =	shalt  }
0x7a: {  	_ =	shalt  }
0x7b: {  	_ =	shalt  }
0x7c: {  	_ =	shalt  }
0x7d: {  	_ =	shalt  }
0x7e: {  	_ =	shalt  }
0x7f: {  	_ =	shalt  }
0x80: {  	_ =	shalt  }
0x81: {  	_ =	shalt  }
0x82: {  	_ =	shalt  }
0x83: {  	_ =	shalt  }
0x84: {  	_ =	shalt  }
0x85: {  	_ =	shalt  }
0x86: {  	_ =	shalt  }
0x87: {  	_ =	shalt  }
.Lfunc_end0:
.L_simem_size_0:
called_computation_lowered:
.L_overlay_start_0:
0x88: {  	s2 =	sld [smem:$0x3FD9]  }
0x89: {  	s3 =	sld [smem:$0x3FFE];
	_ =	sdelay $0x1  }
0x8a: {  	s1 =	srdreg.scid  }
0x8b: {  	s0 =	sand.u32 $0x1, s1  }
0x8c: {  	s17 =	sshll.u32 s0, $0xA;
	s2 =	sadd.s32 s3, s2  }
0x8d: {  	s2 =	sadd.s32 s2, s17  }
0x8e: {  	[smem:$0x3FC5] =	sst s2  }
0x8f: {  	_ = 	snop  }
0x90: {  	s2 =	sld [smem:$0x3FD0];
	(tm) =	ssettm $0x1  }
0x91: {  	s18 =	sld [smem:$0x3FFB];
	_ =	sdelay $0x3  }
0x92: {  	_ =	strace s18  }
0x93: {  	s3 =	sld [smem:$0x3FFC];
	_ =	sdelay $0x3  }
0x94: {  	_ =	strace s3  }
0x95: {  	s3 =	sld [smem:$0x3FFD];
	_ =	sdelay $0x3  }
0x96: {  	_ =	strace s3  }
0x97: {  	_ =	strace $0x8FFFFFFF  }
0x98: {  	s19 =	sld [smem:$0x3FDB];
	_ =	sdelay $0x1  }
0x99: {  	s4 =	simm.s32 $_scs_section_size  }
0x9a: {  	s5 =	simm.s32 $_size__tile_overlayer_lowered;
	s6 =	simm.s32 $_tile_overlayer_lowered  }
0x9b: {  	s22 =	simm.s32 $0x1BFF;
	s21 =	sshll.u32 s6, $0x1;
	s3 =	sadd.s32 s4, s19  }
0x9c: {  	s7 =	simm.s32 $0x0;
	s20 =	sshll.u32 s5, $0x1;
	s5 =	sadd.s32 s21, s3  }
0x9d: {  	[timem:s7], [sflag:s22] =	dma.local [hbm:s5], s20  }
0x9e: {  	_ =	swait.ge [sflag:s22], s20  }
0x9f: {  	s4 =	ssub.s32 $0x0, s20;
	[sflag:s22] =	ssyncset.done $0x0  }
0xa0: {  	[sflag:s22] =	ssyncadd.s32 s4;
	_ =	sdelay $0x1  }
0xa1: {  	s23 =	simm.s32 $0x1B8B  }
0xa2: {  	_ =	swait.ge [sflag:s23], $0x1  }
0xa3: {  	[sflag:s23] =	ssyncset.done $0x0  }
0xa4: {  	s25 =	simm.s32 $0x1B8E;
	s24 =	sld [smem:$0x3FFE];
	[sflag:s23] =	ssyncadd.s32 $0xFFFFFFFF  }
0xa5: {  	s26 =	simm.s32 $execute0_lowered;
	[smem:$0x3FD2] =	sst s25  }
0xa6: {  	s5 =	sshll.u32 s26, $0x1;
	_ =	strace $0x80000046;
	[dreg:$0x1] =	wrdreg $0xFFFFFFFF  }
0xa7: {  	s28 =	simm.s32 $_size_execute0_lowered;
	s3 =	sadd.s32 s3, s5;
	[dreg:$0x0] =	wrdreg $0x0  }
0xa8: {  	s5 =	sshll.u32 s28, $0x1;
	[dreg:$0x2] =	wrdreg s3  }
0xa9: {  	[dreg:$0x3] =	wrdreg s5  }
0xaa: {  	[dreg:$0x4] =	wrdreg $0xC0  }
0xab: {  	_ =	task [dreg:s7], $0x5FFFF  }
0xac: {  	[dreg:$0x1] =	wrdreg $0xFFFFFFFF  }
0xad: {  	[dreg:$0x0] =	wrdreg $0x60  }
0xae: {  	[dreg:$0x2] =	wrdreg s24  }
0xaf: {  	[dreg:$0x3] =	wrdreg s2  }
0xb0: {  	[dreg:$0x4] =	wrdreg $0x9  }
0xb1: {  	_ =	task.clear_ibuf [dreg:s7], $0x5FFFF;
	_ =	strace $0x90000046  }
0xb2: {  	s29 =	simm.s32 $0x9;
	_ =	strace $0x80000048  }
0xb3: {  	_ =	swait.ge [sflag:s29], $0x1  }
0xb4: {  	[sflag:s29] =	ssyncadd.s32 $0xFFFFFFFF  }
0xb5: {  	_ =	strace $0x90000048  }
0xb6: {  	_ =	sfence  }
0xb7: {  	s30 =	sld [smem:$0x0];
	_ =	sdelay $0x2  }
0xb8: {  	s31 =	sshll.u32 s1, $0xD;
	s1 =	sshrl.u32 s1, $0x2  }
0xb9: {  	s3 =	sand.u32 $0x4000, s31;
	s1 =	sadd.s32 s1, s30  }
0xba: {  	s0 =	sor.u32 s3, s0;
	s1 =	sshll.u32 s1, $0x11  }
0xbb: {  	s0 =	sor.u32 s1, s0  }
0xbc: {  	s0 =	sadd.s32 $0x8F2B, s0  }
0xbd: {  	[sflag:s0] =	ssyncadd.remote.s32 $0x1  }
0xbe: {  	_ =	sfence.sel $0xFFFF  }
0xbf: {  	[dreg:$0x0] =	wrdreg $0xFFFFFFFF;
	(pc) =	sbr.abs _section_cstart, $3  }
0xc0: {  	[dreg:$0x1] =	wrdreg $0xFFFFFFFF  }
0xc1: {  	_ =	task.clear_ibuf [dreg:s7], $0x2FFFF;
	_ =	strace $0x9FFFFFFF  }
0xc2: {  	(tm) =	ssettm $0x7FFFFFFF  }
0xc3: {  	_ =	shalt  }
tec
execute0_lowered:
.L_overlay_start_1:
0x0: {  	(tag) =	ssettag $0x1  }
0x1: {  	vm0 =	vmmov $0xffff;
	v0 =	vlaneseq.u32  }
0x2: {  	v1 =	vor.u32 $0x10, v0;
	v6 =	vor.u32 $0x60, v0;
	v7 =	vor.u32 $0x70, v0  }
0x3: {  	v8 =	vor.u32 $0x80, v0;
	v9 =	vor.u32 $0x90, v0;
	v10 =	vor.u32 $0xA0, v0  }
0x4: {  	v11 =	vor.u32 $0xB0, v0;
	v12 =	vor.u32 $0xC0, v0;
	v13 =	vor.u32 $0xD0, v0  }
0x5: {  	v14 =	vor.u32 $0xE0, v0;
	v15 =	vor.u32 $0xF0, v0;
	v16 =	vor.u32 $0x100, v0  }
0x6: {  	v17 =	vor.u32 $0x110, v0;
	v18 =	vor.u32 $0x120, v0;
	v19 =	vor.u32 $0x130, v0  }
0x7: {  	v20 =	vor.u32 $0x140, v0;
	v21 =	vor.u32 $0x150, v0;
	v22 =	vor.u32 $0x160, v0  }
0x8: {  	v23 =	vor.u32 $0x170, v0;
	v24 =	vor.u32 $0x180, v0;
	v25 =	vor.u32 $0x190, v0  }
0x9: {  	v26 =	vor.u32 $0x1A0, v0;
	v27 =	vor.u32 $0x1B0, v0;
	v28 =	vor.u32 $0x1C0, v0  }
0xa: {  	v29 =	vor.u32 $0x1D0, v0;
	v30 =	vor.u32 $0x1E0, v0;
	v31 =	vor.u32 $0x1F0, v0  }
0xb: {  	s6 =	rddreg [dreg:$0x0];
	v32 =	vor.u32 $0x200, v0;
	v33 =	vor.u32 $0x210, v0;
	v34 =	vor.u32 $0x220, v0  }
0xc: {  	s1 =	rddreg [dreg:$0x1];
	s3 =	srdreg.scid;
	v35 =	vor.u32 $0x230, v0;
	v36 =	vor.u32 $0x240, v0;
	v37 =	vor.u32 $0x250, v0  }
0xd: {  	s0 =	rddreg [dreg:$0x2];
	s2 =	stileid.u32;
	v38 =	vor.u32 $0x260, v0;
	v39 =	vor.u32 $0x270, v0;
	v40 =	vor.u32 $0x280, v0  }
0xe: {  	s9 =	simm.s32 $0x2;
	s10 =	simm.s32 $0x1000;
	s11 =	simm.s32 $0x2400;
	v41 =	vor.u32 $0x290, v0;
	v42 =	vor.u32 $0x2A0, v0;
	v43 =	vor.u32 $0x2B0, v0  }
0xf: {  	s12 =	simm.s32 $0x2C00;
	s13 =	simm.s32 $0x3400;
	s14 =	simm.s32 $0x3C00;
	v44 =	vor.u32 $0x2C0, v0;
	v45 =	vor.u32 $0x2D0, v0;
	v46 =	vor.u32 $0x2E0, v0  }
0x10: {  	s15 =	simm.s32 $0x4400;
	s16 =	simm.s32 $0x4C00;
	s17 =	simm.s32 $0x5400;
	v47 =	vor.u32 $0x2F0, v0;
	v48 =	vor.u32 $0x300, v0;
	v49 =	vor.u32 $0x310, v0  }
0x11: {  	s18 =	simm.s32 $0x5C00;
	s19 =	simm.s32 $0x1;
	s5 =	sand.u32 $0x1, s3;
	v50 =	vor.u32 $0x320, v0;
	v51 =	vor.u32 $0x330, v0;
	[tilespmem:$0x1FFB0] =	vst v1;
	v1 =	vor.u32 $0x20, v0  }
0x12: {  	s3 =	simm.s32 $0x0;
	s4 =	sshll.u32 s2, $0x6;
	v52 =	vor.u32 $0x340, v0;
	v53 =	vor.u32 $0x350, v0;
	s7 =	sshll.u32 s5, $0x5;
	[tilespmem:$0x1FFC0] =	vst v1;
	v1 =	vor.u32 $0x30, v0  }
0x13: {  	v54 =	vor.u32 $0x360, v0;
	v55 =	vor.u32 $0x370, v0;
	[smem:$0x7FF] =	sst s3;
	s8 =	ssub.s32 $0x2, s5;
	s4 =	sor.u32 s7, s4;
	[tilespmem:$0x1FFD0] =	vst v1;
	v1 =	vor.u32 $0x40, v0  }
0x14: {  	v56 =	vor.u32 $0x380, v0;
	v57 =	vor.u32 $0x390, v0;
	s5 =	sadd.s32 $0x1E00, s6;
	s31 =	sshrl.u32 s8, $0x1;
	s7 =	sshll.u32 s4, $0x6;
	[tilespmem:$0x1FFE0] =	vst v1;
	v1 =	vor.u32 $0x50, v0  }
0x15: {  	v58 =	vor.u32 $0x3A0, v0;
	v59 =	vor.u32 $0x3B0, v0;
	v60 =	vor.u32 $0x3C0, v0;
	s8 =	ssub.s32 s8, s31;
	s7 =	sadd.s32 s7, s6;
	s6 =	sadd.s32 $0x100, s1;
	[tilespmem:$0x1FFF0] =	vst v1  }
0x16: {  	v61 =	vor.u32 $0x3D0, v0;
	v62 =	vor.u32 $0x3E0, v0;
	v63 =	vor.u32 $0x3F0, v0;
	s8 =	smax.u32 s8, $0x1;
	s7 =	sadd.s32 $0x2200, s7;
	_ =	strace $0x80000047  }
.LBB2_1:
0x17: {  	[tilespmem:s3], [sflag:$0x2] =	stream.linear.gather [hbm4b:s5+s3], $0x1000, $0x38;
	[tilespmem:$0x6400] =	vst v63  }
0x18: {  	_ =	swait.ge [sflag:s9], $0x1000  }
0x19: {  	[sflag:s9] =	ssyncset.done $0x0  }
0x1a: {  	[sflag:s9] =	ssyncadd.s32 $0xFFFFF000  }
0x1b: {  	v1 =	vld [tilespmem:$0x0];
	_ =	sdelay $0x7  }
0x1c: {  	[tilespmem:v1+s10+$0x0] =	vst.idx.msk $0xffff, v0  }
0x1d: {  	v1 =	vld [tilespmem:$0x10];
	_ =	sdelay $0x2  }
0x1e: {  	v2 =	vld [tilespmem:$0x1FFB0];
	_ =	sdelay $0x4  }
0x1f: {  	[tilespmem:v1+s10+$0x0] =	vst.idx.msk $0xffff, v2  }
0x20: {  	v1 =	vld [tilespmem:$0x20];
	_ =	sdelay $0x2  }
0x21: {  	v2 =	vld [tilespmem:$0x1FFC0];
	_ =	sdelay $0x4  }
0x22: {  	[tilespmem:v1+s10+$0x0] =	vst.idx.msk $0xffff, v2  }
0x23: {  	v1 =	vld [tilespmem:$0x30];
	_ =	sdelay $0x2  }
0x24: {  	v2 =	vld [tilespmem:$0x1FFD0];
	_ =	sdelay $0x4  }
0x25: {  	[tilespmem:v1+s10+$0x0] =	vst.idx.msk $0xffff, v2  }
0x26: {  	v1 =	vld [tilespmem:$0x40];
	_ =	sdelay $0x2  }
0x27: {  	v2 =	vld [tilespmem:$0x1FFE0];
	_ =	sdelay $0x4  }
0x28: {  	[tilespmem:v1+s10+$0x0] =	vst.idx.msk $0xffff, v2  }
0x29: {  	v1 =	vld [tilespmem:$0x50];
	_ =	sdelay $0x2  }
0x2a: {  	v2 =	vld [tilespmem:$0x1FFF0];
	_ =	sdelay $0x4  }
0x2b: {  	[tilespmem:v1+s10+$0x0] =	vst.idx.msk $0xffff, v2  }
0x2c: {  	v1 =	vld [tilespmem:$0x60];
	_ =	sdelay $0x7  }
0x2d: {  	[tilespmem:v1+s10+$0x0] =	vst.idx.msk $0xffff, v6  }
0x2e: {  	v1 =	vld [tilespmem:$0x70];
	_ =	sdelay $0x7  }
0x2f: {  	[tilespmem:v1+s10+$0x0] =	vst.idx.msk $0xffff, v7  }
0x30: {  	v1 =	vld [tilespmem:$0x80];
	_ =	sdelay $0x7  }
0x31: {  	[tilespmem:v1+s10+$0x0] =	vst.idx.msk $0xffff, v8  }
0x32: {  	v1 =	vld [tilespmem:$0x90];
	_ =	sdelay $0x7  }
0x33: {  	[tilespmem:v1+s10+$0x0] =	vst.idx.msk $0xffff, v9  }
0x34: {  	v1 =	vld [tilespmem:$0xA0];
	_ =	sdelay $0x7  }
0x35: {  	[tilespmem:v1+s10+$0x0] =	vst.idx.msk $0xffff, v10  }
0x36: {  	v1 =	vld [tilespmem:$0xB0];
	_ =	sdelay $0x7  }
0x37: {  	[tilespmem:v1+s10+$0x0] =	vst.idx.msk $0xffff, v11  }
0x38: {  	v1 =	vld [tilespmem:$0xC0];
	_ =	sdelay $0x7  }
0x39: {  	[tilespmem:v1+s10+$0x0] =	vst.idx.msk $0xffff, v12  }
0x3a: {  	v1 =	vld [tilespmem:$0xD0];
	_ =	sdelay $0x7  }
0x3b: {  	[tilespmem:v1+s10+$0x0] =	vst.idx.msk $0xffff, v13  }
0x3c: {  	v1 =	vld [tilespmem:$0xE0];
	_ =	sdelay $0x7  }
0x3d: {  	[tilespmem:v1+s10+$0x0] =	vst.idx.msk $0xffff, v14  }
0x3e: {  	v1 =	vld [tilespmem:$0xF0];
	_ =	sdelay $0x7  }
0x3f: {  	[tilespmem:v1+s10+$0x0] =	vst.idx.msk $0xffff, v15  }
0x40: {  	v1 =	vld [tilespmem:$0x100];
	_ =	sdelay $0x7  }
0x41: {  	[tilespmem:v1+s10+$0x0] =	vst.idx.msk $0xffff, v16  }
0x42: {  	v1 =	vld [tilespmem:$0x110];
	_ =	sdelay $0x7  }
0x43: {  	[tilespmem:v1+s10+$0x0] =	vst.idx.msk $0xffff, v17  }
0x44: {  	v1 =	vld [tilespmem:$0x120];
	_ =	sdelay $0x7  }
0x45: {  	[tilespmem:v1+s10+$0x0] =	vst.idx.msk $0xffff, v18  }
0x46: {  	v1 =	vld [tilespmem:$0x130];
	_ =	sdelay $0x7  }
0x47: {  	[tilespmem:v1+s10+$0x0] =	vst.idx.msk $0xffff, v19  }
0x48: {  	v1 =	vld [tilespmem:$0x140];
	_ =	sdelay $0x7  }
0x49: {  	[tilespmem:v1+s10+$0x0] =	vst.idx.msk $0xffff, v20  }
0x4a: {  	v1 =	vld [tilespmem:$0x150];
	_ =	sdelay $0x7  }
0x4b: {  	[tilespmem:v1+s10+$0x0] =	vst.idx.msk $0xffff, v21  }
0x4c: {  	v1 =	vld [tilespmem:$0x160];
	_ =	sdelay $0x7  }
0x4d: {  	[tilespmem:v1+s10+$0x0] =	vst.idx.msk $0xffff, v22  }
0x4e: {  	v1 =	vld [tilespmem:$0x170];
	_ =	sdelay $0x7  }
0x4f: {  	[tilespmem:v1+s10+$0x0] =	vst.idx.msk $0xffff, v23  }
0x50: {  	v1 =	vld [tilespmem:$0x180];
	_ =	sdelay $0x7  }
0x51: {  	[tilespmem:v1+s10+$0x0] =	vst.idx.msk $0xffff, v24  }
0x52: {  	v1 =	vld [tilespmem:$0x190];
	_ =	sdelay $0x7  }
0x53: {  	[tilespmem:v1+s10+$0x0] =	vst.idx.msk $0xffff, v25  }
0x54: {  	v1 =	vld [tilespmem:$0x1A0];
	_ =	sdelay $0x7  }
0x55: {  	[tilespmem:v1+s10+$0x0] =	vst.idx.msk $0xffff, v26  }
0x56: {  	v1 =	vld [tilespmem:$0x1B0];
	_ =	sdelay $0x7  }
0x57: {  	[tilespmem:v1+s10+$0x0] =	vst.idx.msk $0xffff, v27  }
0x58: {  	v1 =	vld [tilespmem:$0x1C0];
	_ =	sdelay $0x7  }
0x59: {  	[tilespmem:v1+s10+$0x0] =	vst.idx.msk $0xffff, v28  }
0x5a: {  	v1 =	vld [tilespmem:$0x1D0];
	_ =	sdelay $0x7  }
0x5b: {  	[tilespmem:v1+s10+$0x0] =	vst.idx.msk $0xffff, v29  }
0x5c: {  	v1 =	vld [tilespmem:$0x1E0];
	_ =	sdelay $0x7  }
0x5d: {  	[tilespmem:v1+s10+$0x0] =	vst.idx.msk $0xffff, v30  }
0x5e: {  	v1 =	vld [tilespmem:$0x1F0];
	_ =	sdelay $0x7  }
0x5f: {  	[tilespmem:v1+s10+$0x0] =	vst.idx.msk $0xffff, v31  }
0x60: {  	v1 =	vld [tilespmem:$0x200];
	_ =	sdelay $0x7  }
0x61: {  	[tilespmem:v1+s10+$0x0] =	vst.idx.msk $0xffff, v32  }
0x62: {  	v1 =	vld [tilespmem:$0x210];
	_ =	sdelay $0x7  }
0x63: {  	[tilespmem:v1+s10+$0x0] =	vst.idx.msk $0xffff, v33  }
0x64: {  	v1 =	vld [tilespmem:$0x220];
	_ =	sdelay $0x7  }
0x65: {  	[tilespmem:v1+s10+$0x0] =	vst.idx.msk $0xffff, v34  }
0x66: {  	v1 =	vld [tilespmem:$0x230];
	_ =	sdelay $0x7  }
0x67: {  	[tilespmem:v1+s10+$0x0] =	vst.idx.msk $0xffff, v35  }
0x68: {  	v1 =	vld [tilespmem:$0x240];
	_ =	sdelay $0x7  }
0x69: {  	[tilespmem:v1+s10+$0x0] =	vst.idx.msk $0xffff, v36  }
0x6a: {  	v1 =	vld [tilespmem:$0x250];
	_ =	sdelay $0x7  }
0x6b: {  	[tilespmem:v1+s10+$0x0] =	vst.idx.msk $0xffff, v37  }
0x6c: {  	v1 =	vld [tilespmem:$0x260];
	_ =	sdelay $0x7  }
0x6d: {  	[tilespmem:v1+s10+$0x0] =	vst.idx.msk $0xffff, v38  }
0x6e: {  	v1 =	vld [tilespmem:$0x270];
	_ =	sdelay $0x7  }
0x6f: {  	[tilespmem:v1+s10+$0x0] =	vst.idx.msk $0xffff, v39  }
0x70: {  	v1 =	vld [tilespmem:$0x280];
	_ =	sdelay $0x7  }
0x71: {  	[tilespmem:v1+s10+$0x0] =	vst.idx.msk $0xffff, v40  }
0x72: {  	v1 =	vld [tilespmem:$0x290];
	_ =	sdelay $0x7  }
0x73: {  	[tilespmem:v1+s10+$0x0] =	vst.idx.msk $0xffff, v41  }
0x74: {  	v1 =	vld [tilespmem:$0x2A0];
	_ =	sdelay $0x7  }
0x75: {  	[tilespmem:v1+s10+$0x0] =	vst.idx.msk $0xffff, v42  }
0x76: {  	v1 =	vld [tilespmem:$0x2B0];
	_ =	sdelay $0x7  }
0x77: {  	[tilespmem:v1+s10+$0x0] =	vst.idx.msk $0xffff, v43  }
0x78: {  	v1 =	vld [tilespmem:$0x2C0];
	_ =	sdelay $0x7  }
0x79: {  	[tilespmem:v1+s10+$0x0] =	vst.idx.msk $0xffff, v44  }
0x7a: {  	v1 =	vld [tilespmem:$0x2D0];
	_ =	sdelay $0x7  }
0x7b: {  	[tilespmem:v1+s10+$0x0] =	vst.idx.msk $0xffff, v45  }
0x7c: {  	v1 =	vld [tilespmem:$0x2E0];
	_ =	sdelay $0x7  }
0x7d: {  	[tilespmem:v1+s10+$0x0] =	vst.idx.msk $0xffff, v46  }
0x7e: {  	v1 =	vld [tilespmem:$0x2F0];
	_ =	sdelay $0x7  }
0x7f: {  	[tilespmem:v1+s10+$0x0] =	vst.idx.msk $0xffff, v47  }
0x80: {  	v1 =	vld [tilespmem:$0x300];
	_ =	sdelay $0x7  }
0x81: {  	[tilespmem:v1+s10+$0x0] =	vst.idx.msk $0xffff, v48  }
0x82: {  	v1 =	vld [tilespmem:$0x310];
	_ =	sdelay $0x7  }
0x83: {  	[tilespmem:v1+s10+$0x0] =	vst.idx.msk $0xffff, v49  }
0x84: {  	v1 =	vld [tilespmem:$0x320];
	_ =	sdelay $0x7  }
0x85: {  	[tilespmem:v1+s10+$0x0] =	vst.idx.msk $0xffff, v50  }
0x86: {  	v1 =	vld [tilespmem:$0x330];
	_ =	sdelay $0x7  }
0x87: {  	[tilespmem:v1+s10+$0x0] =	vst.idx.msk $0xffff, v51  }
0x88: {  	v1 =	vld [tilespmem:$0x340];
	_ =	sdelay $0x7  }
0x89: {  	[tilespmem:v1+s10+$0x0] =	vst.idx.msk $0xffff, v52  }
0x8a: {  	v1 =	vld [tilespmem:$0x350];
	_ =	sdelay $0x7  }
0x8b: {  	[tilespmem:v1+s10+$0x0] =	vst.idx.msk $0xffff, v53  }
0x8c: {  	v1 =	vld [tilespmem:$0x360];
	_ =	sdelay $0x7  }
0x8d: {  	[tilespmem:v1+s10+$0x0] =	vst.idx.msk $0xffff, v54  }
0x8e: {  	v1 =	vld [tilespmem:$0x370];
	_ =	sdelay $0x7  }
0x8f: {  	[tilespmem:v1+s10+$0x0] =	vst.idx.msk $0xffff, v55  }
0x90: {  	v1 =	vld [tilespmem:$0x380];
	_ =	sdelay $0x7  }
0x91: {  	[tilespmem:v1+s10+$0x0] =	vst.idx.msk $0xffff, v56  }
0x92: {  	v1 =	vld [tilespmem:$0x390];
	_ =	sdelay $0x7  }
0x93: {  	[tilespmem:v1+s10+$0x0] =	vst.idx.msk $0xffff, v57  }
0x94: {  	v1 =	vld [tilespmem:$0x3A0];
	_ =	sdelay $0x7  }
0x95: {  	[tilespmem:v1+s10+$0x0] =	vst.idx.msk $0xffff, v58  }
0x96: {  	v1 =	vld [tilespmem:$0x3B0];
	_ =	sdelay $0x7  }
0x97: {  	[tilespmem:v1+s10+$0x0] =	vst.idx.msk $0xffff, v59  }
0x98: {  	v1 =	vld [tilespmem:$0x3C0];
	_ =	sdelay $0x7  }
0x99: {  	[tilespmem:v1+s10+$0x0] =	vst.idx.msk $0xffff, v60  }
0x9a: {  	v1 =	vld [tilespmem:$0x3D0];
	_ =	sdelay $0x7  }
0x9b: {  	[tilespmem:v1+s10+$0x0] =	vst.idx.msk $0xffff, v61  }
0x9c: {  	v1 =	vld [tilespmem:$0x3E0];
	_ =	sdelay $0x7  }
0x9d: {  	[tilespmem:v1+s10+$0x0] =	vst.idx.msk $0xffff, v62  }
0x9e: {  	v1 =	vld [tilespmem:$0x3F0];
	_ =	sdelay $0x7  }
0x9f: {  	[tilespmem:v1+s10+$0x0] =	vst.idx.msk $0xffff, v63  }
0xa0: {  	v1 =	vld [tilespmem:$0x400];
	_ =	sdelay $0x6  }
0xa1: {  	v2 =	vor.u32 $0x400, v0  }
0xa2: {  	[tilespmem:v1+s10+$0x0] =	vst.idx.msk $0xffff, v2  }
0xa3: {  	v1 =	vld [tilespmem:$0x410];
	_ =	sdelay $0x6  }
0xa4: {  	v2 =	vor.u32 $0x410, v0  }
0xa5: {  	[tilespmem:v1+s10+$0x0] =	vst.idx.msk $0xffff, v2  }
0xa6: {  	v1 =	vld [tilespmem:$0x420];
	_ =	sdelay $0x6  }
0xa7: {  	v2 =	vor.u32 $0x420, v0  }
0xa8: {  	[tilespmem:v1+s10+$0x0] =	vst.idx.msk $0xffff, v2  }
0xa9: {  	v1 =	vld [tilespmem:$0x430];
	_ =	sdelay $0x6  }
0xaa: {  	v2 =	vor.u32 $0x430, v0  }
0xab: {  	[tilespmem:v1+s10+$0x0] =	vst.idx.msk $0xffff, v2  }
0xac: {  	v1 =	vld [tilespmem:$0x440];
	_ =	sdelay $0x6  }
0xad: {  	v2 =	vor.u32 $0x440, v0  }
0xae: {  	[tilespmem:v1+s10+$0x0] =	vst.idx.msk $0xffff, v2  }
0xaf: {  	v1 =	vld [tilespmem:$0x450];
	_ =	sdelay $0x6  }
0xb0: {  	v2 =	vor.u32 $0x450, v0  }
0xb1: {  	[tilespmem:v1+s10+$0x0] =	vst.idx.msk $0xffff, v2  }
0xb2: {  	v1 =	vld [tilespmem:$0x460];
	_ =	sdelay $0x6  }
0xb3: {  	v2 =	vor.u32 $0x460, v0  }
0xb4: {  	[tilespmem:v1+s10+$0x0] =	vst.idx.msk $0xffff, v2  }
0xb5: {  	v1 =	vld [tilespmem:$0x470];
	_ =	sdelay $0x6  }
0xb6: {  	v2 =	vor.u32 $0x470, v0  }
0xb7: {  	[tilespmem:v1+s10+$0x0] =	vst.idx.msk $0xffff, v2  }
0xb8: {  	v1 =	vld [tilespmem:$0x480];
	_ =	sdelay $0x6  }
0xb9: {  	v2 =	vor.u32 $0x480, v0  }
0xba: {  	[tilespmem:v1+s10+$0x0] =	vst.idx.msk $0xffff, v2  }
0xbb: {  	v1 =	vld [tilespmem:$0x490];
	_ =	sdelay $0x6  }
0xbc: {  	v2 =	vor.u32 $0x490, v0  }
0xbd: {  	[tilespmem:v1+s10+$0x0] =	vst.idx.msk $0xffff, v2  }
0xbe: {  	v1 =	vld [tilespmem:$0x4A0];
	_ =	sdelay $0x6  }
0xbf: {  	v2 =	vor.u32 $0x4A0, v0  }
0xc0: {  	[tilespmem:v1+s10+$0x0] =	vst.idx.msk $0xffff, v2  }
0xc1: {  	v1 =	vld [tilespmem:$0x4B0];
	_ =	sdelay $0x6  }
0xc2: {  	v2 =	vor.u32 $0x4B0, v0  }
0xc3: {  	[tilespmem:v1+s10+$0x0] =	vst.idx.msk $0xffff, v2  }
0xc4: {  	v1 =	vld [tilespmem:$0x4C0];
	_ =	sdelay $0x6  }
0xc5: {  	v2 =	vor.u32 $0x4C0, v0  }
0xc6: {  	[tilespmem:v1+s10+$0x0] =	vst.idx.msk $0xffff, v2  }
0xc7: {  	v1 =	vld [tilespmem:$0x4D0];
	_ =	sdelay $0x6  }
0xc8: {  	v2 =	vor.u32 $0x4D0, v0  }
0xc9: {  	[tilespmem:v1+s10+$0x0] =	vst.idx.msk $0xffff, v2  }
0xca: {  	v1 =	vld [tilespmem:$0x4E0];
	_ =	sdelay $0x6  }
0xcb: {  	v2 =	vor.u32 $0x4E0, v0  }
0xcc: {  	[tilespmem:v1+s10+$0x0] =	vst.idx.msk $0xffff, v2  }
0xcd: {  	v1 =	vld [tilespmem:$0x4F0];
	_ =	sdelay $0x6  }
0xce: {  	v2 =	vor.u32 $0x4F0, v0  }
0xcf: {  	[tilespmem:v1+s10+$0x0] =	vst.idx.msk $0xffff, v2  }
0xd0: {  	v1 =	vld [tilespmem:$0x500];
	_ =	sdelay $0x6  }
0xd1: {  	v2 =	vor.u32 $0x500, v0  }
0xd2: {  	[tilespmem:v1+s10+$0x0] =	vst.idx.msk $0xffff, v2  }
0xd3: {  	v1 =	vld [tilespmem:$0x510];
	_ =	sdelay $0x6  }
0xd4: {  	v2 =	vor.u32 $0x510, v0  }
0xd5: {  	[tilespmem:v1+s10+$0x0] =	vst.idx.msk $0xffff, v2  }
0xd6: {  	v1 =	vld [tilespmem:$0x520];
	_ =	sdelay $0x6  }
0xd7: {  	v2 =	vor.u32 $0x520, v0  }
0xd8: {  	[tilespmem:v1+s10+$0x0] =	vst.idx.msk $0xffff, v2  }
0xd9: {  	v1 =	vld [tilespmem:$0x530];
	_ =	sdelay $0x6  }
0xda: {  	v2 =	vor.u32 $0x530, v0  }
0xdb: {  	[tilespmem:v1+s10+$0x0] =	vst.idx.msk $0xffff, v2  }
0xdc: {  	v1 =	vld [tilespmem:$0x540];
	_ =	sdelay $0x6  }
0xdd: {  	v2 =	vor.u32 $0x540, v0  }
0xde: {  	[tilespmem:v1+s10+$0x0] =	vst.idx.msk $0xffff, v2  }
0xdf: {  	v1 =	vld [tilespmem:$0x550];
	_ =	sdelay $0x6  }
0xe0: {  	v2 =	vor.u32 $0x550, v0  }
0xe1: {  	[tilespmem:v1+s10+$0x0] =	vst.idx.msk $0xffff, v2  }
0xe2: {  	v1 =	vld [tilespmem:$0x560];
	_ =	sdelay $0x6  }
0xe3: {  	v2 =	vor.u32 $0x560, v0  }
0xe4: {  	[tilespmem:v1+s10+$0x0] =	vst.idx.msk $0xffff, v2  }
0xe5: {  	v1 =	vld [tilespmem:$0x570];
	_ =	sdelay $0x6  }
0xe6: {  	v2 =	vor.u32 $0x570, v0  }
0xe7: {  	[tilespmem:v1+s10+$0x0] =	vst.idx.msk $0xffff, v2  }
0xe8: {  	v1 =	vld [tilespmem:$0x580];
	_ =	sdelay $0x6  }
0xe9: {  	v2 =	vor.u32 $0x580, v0  }
0xea: {  	[tilespmem:v1+s10+$0x0] =	vst.idx.msk $0xffff, v2  }
0xeb: {  	v1 =	vld [tilespmem:$0x590];
	_ =	sdelay $0x6  }
0xec: {  	v2 =	vor.u32 $0x590, v0  }
0xed: {  	[tilespmem:v1+s10+$0x0] =	vst.idx.msk $0xffff, v2  }
0xee: {  	v1 =	vld [tilespmem:$0x5A0];
	_ =	sdelay $0x6  }
0xef: {  	v2 =	vor.u32 $0x5A0, v0  }
0xf0: {  	[tilespmem:v1+s10+$0x0] =	vst.idx.msk $0xffff, v2  }
0xf1: {  	v1 =	vld [tilespmem:$0x5B0];
	_ =	sdelay $0x6  }
0xf2: {  	v2 =	vor.u32 $0x5B0, v0  }
0xf3: {  	[tilespmem:v1+s10+$0x0] =	vst.idx.msk $0xffff, v2  }
0xf4: {  	v1 =	vld [tilespmem:$0x5C0];
	_ =	sdelay $0x6  }
0xf5: {  	v2 =	vor.u32 $0x5C0, v0  }
0xf6: {  	[tilespmem:v1+s10+$0x0] =	vst.idx.msk $0xffff, v2  }
0xf7: {  	v1 =	vld [tilespmem:$0x5D0];
	_ =	sdelay $0x6  }
0xf8: {  	v2 =	vor.u32 $0x5D0, v0  }
0xf9: {  	[tilespmem:v1+s10+$0x0] =	vst.idx.msk $0xffff, v2  }
0xfa: {  	v1 =	vld [tilespmem:$0x5E0];
	_ =	sdelay $0x6  }
0xfb: {  	v2 =	vor.u32 $0x5E0, v0  }
0xfc: {  	[tilespmem:v1+s10+$0x0] =	vst.idx.msk $0xffff, v2  }
0xfd: {  	v1 =	vld [tilespmem:$0x5F0];
	_ =	sdelay $0x6  }
0xfe: {  	v2 =	vor.u32 $0x5F0, v0  }
0xff: {  	[tilespmem:v1+s10+$0x0] =	vst.idx.msk $0xffff, v2  }
0x100: {  	v1 =	vld [tilespmem:$0x600];
	_ =	sdelay $0x6  }
0x101: {  	v2 =	vor.u32 $0x600, v0  }
0x102: {  	[tilespmem:v1+s10+$0x0] =	vst.idx.msk $0xffff, v2  }
0x103: {  	v1 =	vld [tilespmem:$0x610];
	_ =	sdelay $0x6  }
0x104: {  	v2 =	vor.u32 $0x610, v0  }
0x105: {  	[tilespmem:v1+s10+$0x0] =	vst.idx.msk $0xffff, v2  }
0x106: {  	v1 =	vld [tilespmem:$0x620];
	_ =	sdelay $0x6  }
0x107: {  	v2 =	vor.u32 $0x620, v0  }
0x108: {  	[tilespmem:v1+s10+$0x0] =	vst.idx.msk $0xffff, v2  }
0x109: {  	v1 =	vld [tilespmem:$0x630];
	_ =	sdelay $0x6  }
0x10a: {  	v2 =	vor.u32 $0x630, v0  }
0x10b: {  	[tilespmem:v1+s10+$0x0] =	vst.idx.msk $0xffff, v2  }
0x10c: {  	v1 =	vld [tilespmem:$0x640];
	_ =	sdelay $0x6  }
0x10d: {  	v2 =	vor.u32 $0x640, v0  }
0x10e: {  	[tilespmem:v1+s10+$0x0] =	vst.idx.msk $0xffff, v2  }
0x10f: {  	v1 =	vld [tilespmem:$0x650];
	_ =	sdelay $0x6  }
0x110: {  	v2 =	vor.u32 $0x650, v0  }
0x111: {  	[tilespmem:v1+s10+$0x0] =	vst.idx.msk $0xffff, v2  }
0x112: {  	v1 =	vld [tilespmem:$0x660];
	_ =	sdelay $0x6  }
0x113: {  	v2 =	vor.u32 $0x660, v0  }
0x114: {  	[tilespmem:v1+s10+$0x0] =	vst.idx.msk $0xffff, v2  }
0x115: {  	v1 =	vld [tilespmem:$0x670];
	_ =	sdelay $0x6  }
0x116: {  	v2 =	vor.u32 $0x670, v0  }
0x117: {  	[tilespmem:v1+s10+$0x0] =	vst.idx.msk $0xffff, v2  }
0x118: {  	v1 =	vld [tilespmem:$0x680];
	_ =	sdelay $0x6  }
0x119: {  	v2 =	vor.u32 $0x680, v0  }
0x11a: {  	[tilespmem:v1+s10+$0x0] =	vst.idx.msk $0xffff, v2  }
0x11b: {  	v1 =	vld [tilespmem:$0x690];
	_ =	sdelay $0x6  }
0x11c: {  	v2 =	vor.u32 $0x690, v0  }
0x11d: {  	[tilespmem:v1+s10+$0x0] =	vst.idx.msk $0xffff, v2  }
0x11e: {  	v1 =	vld [tilespmem:$0x6A0];
	_ =	sdelay $0x6  }
0x11f: {  	v2 =	vor.u32 $0x6A0, v0  }
0x120: {  	[tilespmem:v1+s10+$0x0] =	vst.idx.msk $0xffff, v2  }
0x121: {  	v1 =	vld [tilespmem:$0x6B0];
	_ =	sdelay $0x6  }
0x122: {  	v2 =	vor.u32 $0x6B0, v0  }
0x123: {  	[tilespmem:v1+s10+$0x0] =	vst.idx.msk $0xffff, v2  }
0x124: {  	v1 =	vld [tilespmem:$0x6C0];
	_ =	sdelay $0x6  }
0x125: {  	v2 =	vor.u32 $0x6C0, v0  }
0x126: {  	[tilespmem:v1+s10+$0x0] =	vst.idx.msk $0xffff, v2  }
0x127: {  	v1 =	vld [tilespmem:$0x6D0];
	_ =	sdelay $0x6  }
0x128: {  	v2 =	vor.u32 $0x6D0, v0  }
0x129: {  	[tilespmem:v1+s10+$0x0] =	vst.idx.msk $0xffff, v2  }
0x12a: {  	v1 =	vld [tilespmem:$0x6E0];
	_ =	sdelay $0x6  }
0x12b: {  	v2 =	vor.u32 $0x6E0, v0  }
0x12c: {  	[tilespmem:v1+s10+$0x0] =	vst.idx.msk $0xffff, v2  }
0x12d: {  	v1 =	vld [tilespmem:$0x6F0];
	_ =	sdelay $0x6  }
0x12e: {  	v2 =	vor.u32 $0x6F0, v0  }
0x12f: {  	[tilespmem:v1+s10+$0x0] =	vst.idx.msk $0xffff, v2  }
0x130: {  	v1 =	vld [tilespmem:$0x700];
	_ =	sdelay $0x6  }
0x131: {  	v2 =	vor.u32 $0x700, v0  }
0x132: {  	[tilespmem:v1+s10+$0x0] =	vst.idx.msk $0xffff, v2  }
0x133: {  	v1 =	vld [tilespmem:$0x710];
	_ =	sdelay $0x6  }
0x134: {  	v2 =	vor.u32 $0x710, v0  }
0x135: {  	[tilespmem:v1+s10+$0x0] =	vst.idx.msk $0xffff, v2  }
0x136: {  	v1 =	vld [tilespmem:$0x720];
	_ =	sdelay $0x6  }
0x137: {  	v2 =	vor.u32 $0x720, v0  }
0x138: {  	[tilespmem:v1+s10+$0x0] =	vst.idx.msk $0xffff, v2  }
0x139: {  	v1 =	vld [tilespmem:$0x730];
	_ =	sdelay $0x6  }
0x13a: {  	v2 =	vor.u32 $0x730, v0  }
0x13b: {  	[tilespmem:v1+s10+$0x0] =	vst.idx.msk $0xffff, v2  }
0x13c: {  	v1 =	vld [tilespmem:$0x740];
	_ =	sdelay $0x6  }
0x13d: {  	v2 =	vor.u32 $0x740, v0  }
0x13e: {  	[tilespmem:v1+s10+$0x0] =	vst.idx.msk $0xffff, v2  }
0x13f: {  	v1 =	vld [tilespmem:$0x750];
	_ =	sdelay $0x6  }
0x140: {  	v2 =	vor.u32 $0x750, v0  }
0x141: {  	[tilespmem:v1+s10+$0x0] =	vst.idx.msk $0xffff, v2  }
0x142: {  	v1 =	vld [tilespmem:$0x760];
	_ =	sdelay $0x6  }
0x143: {  	v2 =	vor.u32 $0x760, v0  }
0x144: {  	[tilespmem:v1+s10+$0x0] =	vst.idx.msk $0xffff, v2  }
0x145: {  	v1 =	vld [tilespmem:$0x770];
	_ =	sdelay $0x6  }
0x146: {  	v2 =	vor.u32 $0x770, v0  }
0x147: {  	[tilespmem:v1+s10+$0x0] =	vst.idx.msk $0xffff, v2  }
0x148: {  	v1 =	vld [tilespmem:$0x780];
	_ =	sdelay $0x6  }
0x149: {  	v2 =	vor.u32 $0x780, v0  }
0x14a: {  	[tilespmem:v1+s10+$0x0] =	vst.idx.msk $0xffff, v2  }
0x14b: {  	v1 =	vld [tilespmem:$0x790];
	_ =	sdelay $0x6  }
0x14c: {  	v2 =	vor.u32 $0x790, v0  }
0x14d: {  	[tilespmem:v1+s10+$0x0] =	vst.idx.msk $0xffff, v2  }
0x14e: {  	v1 =	vld [tilespmem:$0x7A0];
	_ =	sdelay $0x6  }
0x14f: {  	v2 =	vor.u32 $0x7A0, v0  }
0x150: {  	[tilespmem:v1+s10+$0x0] =	vst.idx.msk $0xffff, v2  }
0x151: {  	v1 =	vld [tilespmem:$0x7B0];
	_ =	sdelay $0x6  }
0x152: {  	v2 =	vor.u32 $0x7B0, v0  }
0x153: {  	[tilespmem:v1+s10+$0x0] =	vst.idx.msk $0xffff, v2  }
0x154: {  	v1 =	vld [tilespmem:$0x7C0];
	_ =	sdelay $0x6  }
0x155: {  	v2 =	vor.u32 $0x7C0, v0  }
0x156: {  	[tilespmem:v1+s10+$0x0] =	vst.idx.msk $0xffff, v2  }
0x157: {  	v1 =	vld [tilespmem:$0x7D0];
	_ =	sdelay $0x6  }
0x158: {  	v2 =	vor.u32 $0x7D0, v0  }
0x159: {  	[tilespmem:v1+s10+$0x0] =	vst.idx.msk $0xffff, v2  }
0x15a: {  	v1 =	vld [tilespmem:$0x7E0];
	_ =	sdelay $0x6  }
0x15b: {  	v2 =	vor.u32 $0x7E0, v0  }
0x15c: {  	[tilespmem:v1+s10+$0x0] =	vst.idx.msk $0xffff, v2  }
0x15d: {  	v1 =	vld [tilespmem:$0x7F0];
	_ =	sdelay $0x6  }
0x15e: {  	v2 =	vor.u32 $0x7F0, v0  }
0x15f: {  	[tilespmem:v1+s10+$0x0] =	vst.idx.msk $0xffff, v2  }
0x160: {  	v1 =	vld [tilespmem:$0x800];
	_ =	sdelay $0x6  }
0x161: {  	v2 =	vor.u32 $0x800, v0  }
0x162: {  	[tilespmem:v1+s10+$0x0] =	vst.idx.msk $0xffff, v2  }
0x163: {  	v1 =	vld [tilespmem:$0x810];
	_ =	sdelay $0x6  }
0x164: {  	v2 =	vor.u32 $0x810, v0  }
0x165: {  	[tilespmem:v1+s10+$0x0] =	vst.idx.msk $0xffff, v2  }
0x166: {  	v1 =	vld [tilespmem:$0x820];
	_ =	sdelay $0x6  }
0x167: {  	v2 =	vor.u32 $0x820, v0  }
0x168: {  	[tilespmem:v1+s10+$0x0] =	vst.idx.msk $0xffff, v2  }
0x169: {  	v1 =	vld [tilespmem:$0x830];
	_ =	sdelay $0x6  }
0x16a: {  	v2 =	vor.u32 $0x830, v0  }
0x16b: {  	[tilespmem:v1+s10+$0x0] =	vst.idx.msk $0xffff, v2  }
0x16c: {  	v1 =	vld [tilespmem:$0x840];
	_ =	sdelay $0x6  }
0x16d: {  	v2 =	vor.u32 $0x840, v0  }
0x16e: {  	[tilespmem:v1+s10+$0x0] =	vst.idx.msk $0xffff, v2  }
0x16f: {  	v1 =	vld [tilespmem:$0x850];
	_ =	sdelay $0x6  }
0x170: {  	v2 =	vor.u32 $0x850, v0  }
0x171: {  	[tilespmem:v1+s10+$0x0] =	vst.idx.msk $0xffff, v2  }
0x172: {  	v1 =	vld [tilespmem:$0x860];
	_ =	sdelay $0x6  }
0x173: {  	v2 =	vor.u32 $0x860, v0  }
0x174: {  	[tilespmem:v1+s10+$0x0] =	vst.idx.msk $0xffff, v2  }
0x175: {  	v1 =	vld [tilespmem:$0x870];
	_ =	sdelay $0x6  }
0x176: {  	v2 =	vor.u32 $0x870, v0  }
0x177: {  	[tilespmem:v1+s10+$0x0] =	vst.idx.msk $0xffff, v2  }
0x178: {  	v1 =	vld [tilespmem:$0x880];
	_ =	sdelay $0x6  }
0x179: {  	v2 =	vor.u32 $0x880, v0  }
0x17a: {  	[tilespmem:v1+s10+$0x0] =	vst.idx.msk $0xffff, v2  }
0x17b: {  	v1 =	vld [tilespmem:$0x890];
	_ =	sdelay $0x6  }
0x17c: {  	v2 =	vor.u32 $0x890, v0  }
0x17d: {  	[tilespmem:v1+s10+$0x0] =	vst.idx.msk $0xffff, v2  }
0x17e: {  	v1 =	vld [tilespmem:$0x8A0];
	_ =	sdelay $0x6  }
0x17f: {  	v2 =	vor.u32 $0x8A0, v0  }
0x180: {  	[tilespmem:v1+s10+$0x0] =	vst.idx.msk $0xffff, v2  }
0x181: {  	v1 =	vld [tilespmem:$0x8B0];
	_ =	sdelay $0x6  }
0x182: {  	v2 =	vor.u32 $0x8B0, v0  }
0x183: {  	[tilespmem:v1+s10+$0x0] =	vst.idx.msk $0xffff, v2  }
0x184: {  	v1 =	vld [tilespmem:$0x8C0];
	_ =	sdelay $0x6  }
0x185: {  	v2 =	vor.u32 $0x8C0, v0  }
0x186: {  	[tilespmem:v1+s10+$0x0] =	vst.idx.msk $0xffff, v2  }
0x187: {  	v1 =	vld [tilespmem:$0x8D0];
	_ =	sdelay $0x6  }
0x188: {  	v2 =	vor.u32 $0x8D0, v0  }
0x189: {  	[tilespmem:v1+s10+$0x0] =	vst.idx.msk $0xffff, v2  }
0x18a: {  	v1 =	vld [tilespmem:$0x8E0];
	_ =	sdelay $0x6  }
0x18b: {  	v2 =	vor.u32 $0x8E0, v0  }
0x18c: {  	[tilespmem:v1+s10+$0x0] =	vst.idx.msk $0xffff, v2  }
0x18d: {  	v1 =	vld [tilespmem:$0x8F0];
	_ =	sdelay $0x6  }
0x18e: {  	v2 =	vor.u32 $0x8F0, v0  }
0x18f: {  	[tilespmem:v1+s10+$0x0] =	vst.idx.msk $0xffff, v2  }
0x190: {  	v1 =	vld [tilespmem:$0x900];
	_ =	sdelay $0x6  }
0x191: {  	v2 =	vor.u32 $0x900, v0  }
0x192: {  	[tilespmem:v1+s10+$0x0] =	vst.idx.msk $0xffff, v2  }
0x193: {  	v1 =	vld [tilespmem:$0x910];
	_ =	sdelay $0x6  }
0x194: {  	v2 =	vor.u32 $0x910, v0  }
0x195: {  	[tilespmem:v1+s10+$0x0] =	vst.idx.msk $0xffff, v2  }
0x196: {  	v1 =	vld [tilespmem:$0x920];
	_ =	sdelay $0x6  }
0x197: {  	v2 =	vor.u32 $0x920, v0  }
0x198: {  	[tilespmem:v1+s10+$0x0] =	vst.idx.msk $0xffff, v2  }
0x199: {  	v1 =	vld [tilespmem:$0x930];
	_ =	sdelay $0x6  }
0x19a: {  	v2 =	vor.u32 $0x930, v0  }
0x19b: {  	[tilespmem:v1+s10+$0x0] =	vst.idx.msk $0xffff, v2  }
0x19c: {  	v1 =	vld [tilespmem:$0x940];
	_ =	sdelay $0x6  }
0x19d: {  	v2 =	vor.u32 $0x940, v0  }
0x19e: {  	[tilespmem:v1+s10+$0x0] =	vst.idx.msk $0xffff, v2  }
0x19f: {  	v1 =	vld [tilespmem:$0x950];
	_ =	sdelay $0x6  }
0x1a0: {  	v2 =	vor.u32 $0x950, v0  }
0x1a1: {  	[tilespmem:v1+s10+$0x0] =	vst.idx.msk $0xffff, v2  }
0x1a2: {  	v1 =	vld [tilespmem:$0x960];
	_ =	sdelay $0x6  }
0x1a3: {  	v2 =	vor.u32 $0x960, v0  }
0x1a4: {  	[tilespmem:v1+s10+$0x0] =	vst.idx.msk $0xffff, v2  }
0x1a5: {  	v1 =	vld [tilespmem:$0x970];
	_ =	sdelay $0x6  }
0x1a6: {  	v2 =	vor.u32 $0x970, v0  }
0x1a7: {  	[tilespmem:v1+s10+$0x0] =	vst.idx.msk $0xffff, v2  }
0x1a8: {  	v1 =	vld [tilespmem:$0x980];
	_ =	sdelay $0x6  }
0x1a9: {  	v2 =	vor.u32 $0x980, v0  }
0x1aa: {  	[tilespmem:v1+s10+$0x0] =	vst.idx.msk $0xffff, v2  }
0x1ab: {  	v1 =	vld [tilespmem:$0x990];
	_ =	sdelay $0x6  }
0x1ac: {  	v2 =	vor.u32 $0x990, v0  }
0x1ad: {  	[tilespmem:v1+s10+$0x0] =	vst.idx.msk $0xffff, v2  }
0x1ae: {  	v1 =	vld [tilespmem:$0x9A0];
	_ =	sdelay $0x6  }
0x1af: {  	v2 =	vor.u32 $0x9A0, v0  }
0x1b0: {  	[tilespmem:v1+s10+$0x0] =	vst.idx.msk $0xffff, v2  }
0x1b1: {  	v1 =	vld [tilespmem:$0x9B0];
	_ =	sdelay $0x6  }
0x1b2: {  	v2 =	vor.u32 $0x9B0, v0  }
0x1b3: {  	[tilespmem:v1+s10+$0x0] =	vst.idx.msk $0xffff, v2  }
0x1b4: {  	v1 =	vld [tilespmem:$0x9C0];
	_ =	sdelay $0x6  }
0x1b5: {  	v2 =	vor.u32 $0x9C0, v0  }
0x1b6: {  	[tilespmem:v1+s10+$0x0] =	vst.idx.msk $0xffff, v2  }
0x1b7: {  	v1 =	vld [tilespmem:$0x9D0];
	_ =	sdelay $0x6  }
0x1b8: {  	v2 =	vor.u32 $0x9D0, v0  }
0x1b9: {  	[tilespmem:v1+s10+$0x0] =	vst.idx.msk $0xffff, v2  }
0x1ba: {  	v1 =	vld [tilespmem:$0x9E0];
	_ =	sdelay $0x6  }
0x1bb: {  	v2 =	vor.u32 $0x9E0, v0  }
0x1bc: {  	[tilespmem:v1+s10+$0x0] =	vst.idx.msk $0xffff, v2  }
0x1bd: {  	v1 =	vld [tilespmem:$0x9F0];
	_ =	sdelay $0x6  }
0x1be: {  	v2 =	vor.u32 $0x9F0, v0  }
0x1bf: {  	[tilespmem:v1+s10+$0x0] =	vst.idx.msk $0xffff, v2  }
0x1c0: {  	v1 =	vld [tilespmem:$0xA00];
	_ =	sdelay $0x6  }
0x1c1: {  	v2 =	vor.u32 $0xA00, v0  }
0x1c2: {  	[tilespmem:v1+s10+$0x0] =	vst.idx.msk $0xffff, v2  }
0x1c3: {  	v1 =	vld [tilespmem:$0xA10];
	_ =	sdelay $0x6  }
0x1c4: {  	v2 =	vor.u32 $0xA10, v0  }
0x1c5: {  	[tilespmem:v1+s10+$0x0] =	vst.idx.msk $0xffff, v2  }
0x1c6: {  	v1 =	vld [tilespmem:$0xA20];
	_ =	sdelay $0x6  }
0x1c7: {  	v2 =	vor.u32 $0xA20, v0  }
0x1c8: {  	[tilespmem:v1+s10+$0x0] =	vst.idx.msk $0xffff, v2  }
0x1c9: {  	v1 =	vld [tilespmem:$0xA30];
	_ =	sdelay $0x6  }
0x1ca: {  	v2 =	vor.u32 $0xA30, v0  }
0x1cb: {  	[tilespmem:v1+s10+$0x0] =	vst.idx.msk $0xffff, v2  }
0x1cc: {  	v1 =	vld [tilespmem:$0xA40];
	_ =	sdelay $0x6  }
0x1cd: {  	v2 =	vor.u32 $0xA40, v0  }
0x1ce: {  	[tilespmem:v1+s10+$0x0] =	vst.idx.msk $0xffff, v2  }
0x1cf: {  	v1 =	vld [tilespmem:$0xA50];
	_ =	sdelay $0x6  }
0x1d0: {  	v2 =	vor.u32 $0xA50, v0  }
0x1d1: {  	[tilespmem:v1+s10+$0x0] =	vst.idx.msk $0xffff, v2  }
0x1d2: {  	v1 =	vld [tilespmem:$0xA60];
	_ =	sdelay $0x6  }
0x1d3: {  	v2 =	vor.u32 $0xA60, v0  }
0x1d4: {  	[tilespmem:v1+s10+$0x0] =	vst.idx.msk $0xffff, v2  }
0x1d5: {  	v1 =	vld [tilespmem:$0xA70];
	_ =	sdelay $0x6  }
0x1d6: {  	v2 =	vor.u32 $0xA70, v0  }
0x1d7: {  	[tilespmem:v1+s10+$0x0] =	vst.idx.msk $0xffff, v2  }
0x1d8: {  	v1 =	vld [tilespmem:$0xA80];
	_ =	sdelay $0x6  }
0x1d9: {  	v2 =	vor.u32 $0xA80, v0  }
0x1da: {  	[tilespmem:v1+s10+$0x0] =	vst.idx.msk $0xffff, v2  }
0x1db: {  	v1 =	vld [tilespmem:$0xA90];
	_ =	sdelay $0x6  }
0x1dc: {  	v2 =	vor.u32 $0xA90, v0  }
0x1dd: {  	[tilespmem:v1+s10+$0x0] =	vst.idx.msk $0xffff, v2  }
0x1de: {  	v1 =	vld [tilespmem:$0xAA0];
	_ =	sdelay $0x6  }
0x1df: {  	v2 =	vor.u32 $0xAA0, v0  }
0x1e0: {  	[tilespmem:v1+s10+$0x0] =	vst.idx.msk $0xffff, v2  }
0x1e1: {  	v1 =	vld [tilespmem:$0xAB0];
	_ =	sdelay $0x6  }
0x1e2: {  	v2 =	vor.u32 $0xAB0, v0  }
0x1e3: {  	[tilespmem:v1+s10+$0x0] =	vst.idx.msk $0xffff, v2  }
0x1e4: {  	v1 =	vld [tilespmem:$0xAC0];
	_ =	sdelay $0x6  }
0x1e5: {  	v2 =	vor.u32 $0xAC0, v0  }
0x1e6: {  	[tilespmem:v1+s10+$0x0] =	vst.idx.msk $0xffff, v2  }
0x1e7: {  	v1 =	vld [tilespmem:$0xAD0];
	_ =	sdelay $0x6  }
0x1e8: {  	v2 =	vor.u32 $0xAD0, v0  }
0x1e9: {  	[tilespmem:v1+s10+$0x0] =	vst.idx.msk $0xffff, v2  }
0x1ea: {  	v1 =	vld [tilespmem:$0xAE0];
	_ =	sdelay $0x6  }
0x1eb: {  	v2 =	vor.u32 $0xAE0, v0  }
0x1ec: {  	[tilespmem:v1+s10+$0x0] =	vst.idx.msk $0xffff, v2  }
0x1ed: {  	v1 =	vld [tilespmem:$0xAF0];
	_ =	sdelay $0x6  }
0x1ee: {  	v2 =	vor.u32 $0xAF0, v0  }
0x1ef: {  	[tilespmem:v1+s10+$0x0] =	vst.idx.msk $0xffff, v2  }
0x1f0: {  	v1 =	vld [tilespmem:$0xB00];
	_ =	sdelay $0x6  }
0x1f1: {  	v2 =	vor.u32 $0xB00, v0  }
0x1f2: {  	[tilespmem:v1+s10+$0x0] =	vst.idx.msk $0xffff, v2  }
0x1f3: {  	v1 =	vld [tilespmem:$0xB10];
	_ =	sdelay $0x6  }
0x1f4: {  	v2 =	vor.u32 $0xB10, v0  }
0x1f5: {  	[tilespmem:v1+s10+$0x0] =	vst.idx.msk $0xffff, v2  }
0x1f6: {  	v1 =	vld [tilespmem:$0xB20];
	_ =	sdelay $0x6  }
0x1f7: {  	v2 =	vor.u32 $0xB20, v0  }
0x1f8: {  	[tilespmem:v1+s10+$0x0] =	vst.idx.msk $0xffff, v2  }
0x1f9: {  	v1 =	vld [tilespmem:$0xB30];
	_ =	sdelay $0x6  }
0x1fa: {  	v2 =	vor.u32 $0xB30, v0  }
0x1fb: {  	[tilespmem:v1+s10+$0x0] =	vst.idx.msk $0xffff, v2  }
0x1fc: {  	v1 =	vld [tilespmem:$0xB40];
	_ =	sdelay $0x6  }
0x1fd: {  	v2 =	vor.u32 $0xB40, v0  }
0x1fe: {  	[tilespmem:v1+s10+$0x0] =	vst.idx.msk $0xffff, v2  }
0x1ff: {  	v1 =	vld [tilespmem:$0xB50];
	_ =	sdelay $0x6  }
0x200: {  	v2 =	vor.u32 $0xB50, v0  }
0x201: {  	[tilespmem:v1+s10+$0x0] =	vst.idx.msk $0xffff, v2  }
0x202: {  	v1 =	vld [tilespmem:$0xB60];
	_ =	sdelay $0x6  }
0x203: {  	v2 =	vor.u32 $0xB60, v0  }
0x204: {  	[tilespmem:v1+s10+$0x0] =	vst.idx.msk $0xffff, v2  }
0x205: {  	v1 =	vld [tilespmem:$0xB70];
	_ =	sdelay $0x6  }
0x206: {  	v2 =	vor.u32 $0xB70, v0  }
0x207: {  	[tilespmem:v1+s10+$0x0] =	vst.idx.msk $0xffff, v2  }
0x208: {  	v1 =	vld [tilespmem:$0xB80];
	_ =	sdelay $0x6  }
0x209: {  	v2 =	vor.u32 $0xB80, v0  }
0x20a: {  	[tilespmem:v1+s10+$0x0] =	vst.idx.msk $0xffff, v2  }
0x20b: {  	v1 =	vld [tilespmem:$0xB90];
	_ =	sdelay $0x6  }
0x20c: {  	v2 =	vor.u32 $0xB90, v0  }
0x20d: {  	[tilespmem:v1+s10+$0x0] =	vst.idx.msk $0xffff, v2  }
0x20e: {  	v1 =	vld [tilespmem:$0xBA0];
	_ =	sdelay $0x6  }
0x20f: {  	v2 =	vor.u32 $0xBA0, v0  }
0x210: {  	[tilespmem:v1+s10+$0x0] =	vst.idx.msk $0xffff, v2  }
0x211: {  	v1 =	vld [tilespmem:$0xBB0];
	_ =	sdelay $0x6  }
0x212: {  	v2 =	vor.u32 $0xBB0, v0  }
0x213: {  	[tilespmem:v1+s10+$0x0] =	vst.idx.msk $0xffff, v2  }
0x214: {  	v1 =	vld [tilespmem:$0xBC0];
	_ =	sdelay $0x6  }
0x215: {  	v2 =	vor.u32 $0xBC0, v0  }
0x216: {  	[tilespmem:v1+s10+$0x0] =	vst.idx.msk $0xffff, v2  }
0x217: {  	v1 =	vld [tilespmem:$0xBD0];
	_ =	sdelay $0x6  }
0x218: {  	v2 =	vor.u32 $0xBD0, v0  }
0x219: {  	[tilespmem:v1+s10+$0x0] =	vst.idx.msk $0xffff, v2  }
0x21a: {  	v1 =	vld [tilespmem:$0xBE0];
	_ =	sdelay $0x6  }
0x21b: {  	v2 =	vor.u32 $0xBE0, v0  }
0x21c: {  	[tilespmem:v1+s10+$0x0] =	vst.idx.msk $0xffff, v2  }
0x21d: {  	v1 =	vld [tilespmem:$0xBF0];
	_ =	sdelay $0x6  }
0x21e: {  	v2 =	vor.u32 $0xBF0, v0  }
0x21f: {  	[tilespmem:v1+s10+$0x0] =	vst.idx.msk $0xffff, v2  }
0x220: {  	v1 =	vld [tilespmem:$0xC00];
	_ =	sdelay $0x6  }
0x221: {  	v2 =	vor.u32 $0xC00, v0  }
0x222: {  	[tilespmem:v1+s10+$0x0] =	vst.idx.msk $0xffff, v2  }
0x223: {  	v1 =	vld [tilespmem:$0xC10];
	_ =	sdelay $0x6  }
0x224: {  	v2 =	vor.u32 $0xC10, v0  }
0x225: {  	[tilespmem:v1+s10+$0x0] =	vst.idx.msk $0xffff, v2  }
0x226: {  	v1 =	vld [tilespmem:$0xC20];
	_ =	sdelay $0x6  }
0x227: {  	v2 =	vor.u32 $0xC20, v0  }
0x228: {  	[tilespmem:v1+s10+$0x0] =	vst.idx.msk $0xffff, v2  }
0x229: {  	v1 =	vld [tilespmem:$0xC30];
	_ =	sdelay $0x6  }
0x22a: {  	v2 =	vor.u32 $0xC30, v0  }
0x22b: {  	[tilespmem:v1+s10+$0x0] =	vst.idx.msk $0xffff, v2  }
0x22c: {  	v1 =	vld [tilespmem:$0xC40];
	_ =	sdelay $0x6  }
0x22d: {  	v2 =	vor.u32 $0xC40, v0  }
0x22e: {  	[tilespmem:v1+s10+$0x0] =	vst.idx.msk $0xffff, v2  }
0x22f: {  	v1 =	vld [tilespmem:$0xC50];
	_ =	sdelay $0x6  }
0x230: {  	v2 =	vor.u32 $0xC50, v0  }
0x231: {  	[tilespmem:v1+s10+$0x0] =	vst.idx.msk $0xffff, v2  }
0x232: {  	v1 =	vld [tilespmem:$0xC60];
	_ =	sdelay $0x6  }
0x233: {  	v2 =	vor.u32 $0xC60, v0  }
0x234: {  	[tilespmem:v1+s10+$0x0] =	vst.idx.msk $0xffff, v2  }
0x235: {  	v1 =	vld [tilespmem:$0xC70];
	_ =	sdelay $0x6  }
0x236: {  	v2 =	vor.u32 $0xC70, v0  }
0x237: {  	[tilespmem:v1+s10+$0x0] =	vst.idx.msk $0xffff, v2  }
0x238: {  	v1 =	vld [tilespmem:$0xC80];
	_ =	sdelay $0x6  }
0x239: {  	v2 =	vor.u32 $0xC80, v0  }
0x23a: {  	[tilespmem:v1+s10+$0x0] =	vst.idx.msk $0xffff, v2  }
0x23b: {  	v1 =	vld [tilespmem:$0xC90];
	_ =	sdelay $0x6  }
0x23c: {  	v2 =	vor.u32 $0xC90, v0  }
0x23d: {  	[tilespmem:v1+s10+$0x0] =	vst.idx.msk $0xffff, v2  }
0x23e: {  	v1 =	vld [tilespmem:$0xCA0];
	_ =	sdelay $0x6  }
0x23f: {  	v2 =	vor.u32 $0xCA0, v0  }
0x240: {  	[tilespmem:v1+s10+$0x0] =	vst.idx.msk $0xffff, v2  }
0x241: {  	v1 =	vld [tilespmem:$0xCB0];
	_ =	sdelay $0x6  }
0x242: {  	v2 =	vor.u32 $0xCB0, v0  }
0x243: {  	[tilespmem:v1+s10+$0x0] =	vst.idx.msk $0xffff, v2  }
0x244: {  	v1 =	vld [tilespmem:$0xCC0];
	_ =	sdelay $0x6  }
0x245: {  	v2 =	vor.u32 $0xCC0, v0  }
0x246: {  	[tilespmem:v1+s10+$0x0] =	vst.idx.msk $0xffff, v2  }
0x247: {  	v1 =	vld [tilespmem:$0xCD0];
	_ =	sdelay $0x6  }
0x248: {  	v2 =	vor.u32 $0xCD0, v0  }
0x249: {  	[tilespmem:v1+s10+$0x0] =	vst.idx.msk $0xffff, v2  }
0x24a: {  	v1 =	vld [tilespmem:$0xCE0];
	_ =	sdelay $0x6  }
0x24b: {  	v2 =	vor.u32 $0xCE0, v0  }
0x24c: {  	[tilespmem:v1+s10+$0x0] =	vst.idx.msk $0xffff, v2  }
0x24d: {  	v1 =	vld [tilespmem:$0xCF0];
	_ =	sdelay $0x6  }
0x24e: {  	v2 =	vor.u32 $0xCF0, v0  }
0x24f: {  	[tilespmem:v1+s10+$0x0] =	vst.idx.msk $0xffff, v2  }
0x250: {  	v1 =	vld [tilespmem:$0xD00];
	_ =	sdelay $0x6  }
0x251: {  	v2 =	vor.u32 $0xD00, v0  }
0x252: {  	[tilespmem:v1+s10+$0x0] =	vst.idx.msk $0xffff, v2  }
0x253: {  	v1 =	vld [tilespmem:$0xD10];
	_ =	sdelay $0x6  }
0x254: {  	v2 =	vor.u32 $0xD10, v0  }
0x255: {  	[tilespmem:v1+s10+$0x0] =	vst.idx.msk $0xffff, v2  }
0x256: {  	v1 =	vld [tilespmem:$0xD20];
	_ =	sdelay $0x6  }
0x257: {  	v2 =	vor.u32 $0xD20, v0  }
0x258: {  	[tilespmem:v1+s10+$0x0] =	vst.idx.msk $0xffff, v2  }
0x259: {  	v1 =	vld [tilespmem:$0xD30];
	_ =	sdelay $0x6  }
0x25a: {  	v2 =	vor.u32 $0xD30, v0  }
0x25b: {  	[tilespmem:v1+s10+$0x0] =	vst.idx.msk $0xffff, v2  }
0x25c: {  	v1 =	vld [tilespmem:$0xD40];
	_ =	sdelay $0x6  }
0x25d: {  	v2 =	vor.u32 $0xD40, v0  }
0x25e: {  	[tilespmem:v1+s10+$0x0] =	vst.idx.msk $0xffff, v2  }
0x25f: {  	v1 =	vld [tilespmem:$0xD50];
	_ =	sdelay $0x6  }
0x260: {  	v2 =	vor.u32 $0xD50, v0  }
0x261: {  	[tilespmem:v1+s10+$0x0] =	vst.idx.msk $0xffff, v2  }
0x262: {  	v1 =	vld [tilespmem:$0xD60];
	_ =	sdelay $0x6  }
0x263: {  	v2 =	vor.u32 $0xD60, v0  }
0x264: {  	[tilespmem:v1+s10+$0x0] =	vst.idx.msk $0xffff, v2  }
0x265: {  	v1 =	vld [tilespmem:$0xD70];
	_ =	sdelay $0x6  }
0x266: {  	v2 =	vor.u32 $0xD70, v0  }
0x267: {  	[tilespmem:v1+s10+$0x0] =	vst.idx.msk $0xffff, v2  }
0x268: {  	v1 =	vld [tilespmem:$0xD80];
	_ =	sdelay $0x6  }
0x269: {  	v2 =	vor.u32 $0xD80, v0  }
0x26a: {  	[tilespmem:v1+s10+$0x0] =	vst.idx.msk $0xffff, v2  }
0x26b: {  	v1 =	vld [tilespmem:$0xD90];
	_ =	sdelay $0x6  }
0x26c: {  	v2 =	vor.u32 $0xD90, v0  }
0x26d: {  	[tilespmem:v1+s10+$0x0] =	vst.idx.msk $0xffff, v2  }
0x26e: {  	v1 =	vld [tilespmem:$0xDA0];
	_ =	sdelay $0x6  }
0x26f: {  	v2 =	vor.u32 $0xDA0, v0  }
0x270: {  	[tilespmem:v1+s10+$0x0] =	vst.idx.msk $0xffff, v2  }
0x271: {  	v1 =	vld [tilespmem:$0xDB0];
	_ =	sdelay $0x6  }
0x272: {  	v2 =	vor.u32 $0xDB0, v0  }
0x273: {  	[tilespmem:v1+s10+$0x0] =	vst.idx.msk $0xffff, v2  }
0x274: {  	v1 =	vld [tilespmem:$0xDC0];
	_ =	sdelay $0x6  }
0x275: {  	v2 =	vor.u32 $0xDC0, v0  }
0x276: {  	[tilespmem:v1+s10+$0x0] =	vst.idx.msk $0xffff, v2  }
0x277: {  	v1 =	vld [tilespmem:$0xDD0];
	_ =	sdelay $0x6  }
0x278: {  	v2 =	vor.u32 $0xDD0, v0  }
0x279: {  	[tilespmem:v1+s10+$0x0] =	vst.idx.msk $0xffff, v2  }
0x27a: {  	v1 =	vld [tilespmem:$0xDE0];
	_ =	sdelay $0x6  }
0x27b: {  	v2 =	vor.u32 $0xDE0, v0  }
0x27c: {  	[tilespmem:v1+s10+$0x0] =	vst.idx.msk $0xffff, v2  }
0x27d: {  	v1 =	vld [tilespmem:$0xDF0];
	_ =	sdelay $0x6  }
0x27e: {  	v2 =	vor.u32 $0xDF0, v0  }
0x27f: {  	[tilespmem:v1+s10+$0x0] =	vst.idx.msk $0xffff, v2  }
0x280: {  	v1 =	vld [tilespmem:$0xE00];
	_ =	sdelay $0x6  }
0x281: {  	v2 =	vor.u32 $0xE00, v0  }
0x282: {  	[tilespmem:v1+s10+$0x0] =	vst.idx.msk $0xffff, v2  }
0x283: {  	v1 =	vld [tilespmem:$0xE10];
	_ =	sdelay $0x6  }
0x284: {  	v2 =	vor.u32 $0xE10, v0  }
0x285: {  	[tilespmem:v1+s10+$0x0] =	vst.idx.msk $0xffff, v2  }
0x286: {  	v1 =	vld [tilespmem:$0xE20];
	_ =	sdelay $0x6  }
0x287: {  	v2 =	vor.u32 $0xE20, v0  }
0x288: {  	[tilespmem:v1+s10+$0x0] =	vst.idx.msk $0xffff, v2  }
0x289: {  	v1 =	vld [tilespmem:$0xE30];
	_ =	sdelay $0x6  }
0x28a: {  	v2 =	vor.u32 $0xE30, v0  }
0x28b: {  	[tilespmem:v1+s10+$0x0] =	vst.idx.msk $0xffff, v2  }
0x28c: {  	v1 =	vld [tilespmem:$0xE40];
	_ =	sdelay $0x6  }
0x28d: {  	v2 =	vor.u32 $0xE40, v0  }
0x28e: {  	[tilespmem:v1+s10+$0x0] =	vst.idx.msk $0xffff, v2  }
0x28f: {  	v1 =	vld [tilespmem:$0xE50];
	_ =	sdelay $0x6  }
0x290: {  	v2 =	vor.u32 $0xE50, v0  }
0x291: {  	[tilespmem:v1+s10+$0x0] =	vst.idx.msk $0xffff, v2  }
0x292: {  	v1 =	vld [tilespmem:$0xE60];
	_ =	sdelay $0x6  }
0x293: {  	v2 =	vor.u32 $0xE60, v0  }
0x294: {  	[tilespmem:v1+s10+$0x0] =	vst.idx.msk $0xffff, v2  }
0x295: {  	v1 =	vld [tilespmem:$0xE70];
	_ =	sdelay $0x6  }
0x296: {  	v2 =	vor.u32 $0xE70, v0  }
0x297: {  	[tilespmem:v1+s10+$0x0] =	vst.idx.msk $0xffff, v2  }
0x298: {  	v1 =	vld [tilespmem:$0xE80];
	_ =	sdelay $0x6  }
0x299: {  	v2 =	vor.u32 $0xE80, v0  }
0x29a: {  	[tilespmem:v1+s10+$0x0] =	vst.idx.msk $0xffff, v2  }
0x29b: {  	v1 =	vld [tilespmem:$0xE90];
	_ =	sdelay $0x6  }
0x29c: {  	v2 =	vor.u32 $0xE90, v0  }
0x29d: {  	[tilespmem:v1+s10+$0x0] =	vst.idx.msk $0xffff, v2  }
0x29e: {  	v1 =	vld [tilespmem:$0xEA0];
	_ =	sdelay $0x6  }
0x29f: {  	v2 =	vor.u32 $0xEA0, v0  }
0x2a0: {  	[tilespmem:v1+s10+$0x0] =	vst.idx.msk $0xffff, v2  }
0x2a1: {  	v1 =	vld [tilespmem:$0xEB0];
	_ =	sdelay $0x6  }
0x2a2: {  	v2 =	vor.u32 $0xEB0, v0  }
0x2a3: {  	[tilespmem:v1+s10+$0x0] =	vst.idx.msk $0xffff, v2  }
0x2a4: {  	v1 =	vld [tilespmem:$0xEC0];
	_ =	sdelay $0x6  }
0x2a5: {  	v2 =	vor.u32 $0xEC0, v0  }
0x2a6: {  	[tilespmem:v1+s10+$0x0] =	vst.idx.msk $0xffff, v2  }
0x2a7: {  	v1 =	vld [tilespmem:$0xED0];
	_ =	sdelay $0x6  }
0x2a8: {  	v2 =	vor.u32 $0xED0, v0  }
0x2a9: {  	[tilespmem:v1+s10+$0x0] =	vst.idx.msk $0xffff, v2  }
0x2aa: {  	v1 =	vld [tilespmem:$0xEE0];
	_ =	sdelay $0x6  }
0x2ab: {  	v2 =	vor.u32 $0xEE0, v0  }
0x2ac: {  	[tilespmem:v1+s10+$0x0] =	vst.idx.msk $0xffff, v2  }
0x2ad: {  	v1 =	vld [tilespmem:$0xEF0];
	_ =	sdelay $0x6  }
0x2ae: {  	v2 =	vor.u32 $0xEF0, v0  }
0x2af: {  	[tilespmem:v1+s10+$0x0] =	vst.idx.msk $0xffff, v2  }
0x2b0: {  	v1 =	vld [tilespmem:$0xF00];
	_ =	sdelay $0x6  }
0x2b1: {  	v2 =	vor.u32 $0xF00, v0  }
0x2b2: {  	[tilespmem:v1+s10+$0x0] =	vst.idx.msk $0xffff, v2  }
0x2b3: {  	v1 =	vld [tilespmem:$0xF10];
	_ =	sdelay $0x6  }
0x2b4: {  	v2 =	vor.u32 $0xF10, v0  }
0x2b5: {  	[tilespmem:v1+s10+$0x0] =	vst.idx.msk $0xffff, v2  }
0x2b6: {  	v1 =	vld [tilespmem:$0xF20];
	_ =	sdelay $0x6  }
0x2b7: {  	v2 =	vor.u32 $0xF20, v0  }
0x2b8: {  	[tilespmem:v1+s10+$0x0] =	vst.idx.msk $0xffff, v2  }
0x2b9: {  	v1 =	vld [tilespmem:$0xF30];
	_ =	sdelay $0x6  }
0x2ba: {  	v2 =	vor.u32 $0xF30, v0  }
0x2bb: {  	[tilespmem:v1+s10+$0x0] =	vst.idx.msk $0xffff, v2  }
0x2bc: {  	v1 =	vld [tilespmem:$0xF40];
	_ =	sdelay $0x6  }
0x2bd: {  	v2 =	vor.u32 $0xF40, v0  }
0x2be: {  	[tilespmem:v1+s10+$0x0] =	vst.idx.msk $0xffff, v2  }
0x2bf: {  	v1 =	vld [tilespmem:$0xF50];
	_ =	sdelay $0x6  }
0x2c0: {  	v2 =	vor.u32 $0xF50, v0  }
0x2c1: {  	[tilespmem:v1+s10+$0x0] =	vst.idx.msk $0xffff, v2  }
0x2c2: {  	v1 =	vld [tilespmem:$0xF60];
	_ =	sdelay $0x6  }
0x2c3: {  	v2 =	vor.u32 $0xF60, v0  }
0x2c4: {  	[tilespmem:v1+s10+$0x0] =	vst.idx.msk $0xffff, v2  }
0x2c5: {  	v1 =	vld [tilespmem:$0xF70];
	_ =	sdelay $0x6  }
0x2c6: {  	v2 =	vor.u32 $0xF70, v0  }
0x2c7: {  	[tilespmem:v1+s10+$0x0] =	vst.idx.msk $0xffff, v2  }
0x2c8: {  	v1 =	vld [tilespmem:$0xF80];
	_ =	sdelay $0x6  }
0x2c9: {  	v2 =	vor.u32 $0xF80, v0  }
0x2ca: {  	[tilespmem:v1+s10+$0x0] =	vst.idx.msk $0xffff, v2  }
0x2cb: {  	v1 =	vld [tilespmem:$0xF90];
	_ =	sdelay $0x6  }
0x2cc: {  	v2 =	vor.u32 $0xF90, v0  }
0x2cd: {  	[tilespmem:v1+s10+$0x0] =	vst.idx.msk $0xffff, v2  }
0x2ce: {  	v1 =	vld [tilespmem:$0xFA0];
	_ =	sdelay $0x6  }
0x2cf: {  	v2 =	vor.u32 $0xFA0, v0  }
0x2d0: {  	[tilespmem:v1+s10+$0x0] =	vst.idx.msk $0xffff, v2  }
0x2d1: {  	v1 =	vld [tilespmem:$0xFB0];
	_ =	sdelay $0x6  }
0x2d2: {  	v2 =	vor.u32 $0xFB0, v0  }
0x2d3: {  	[tilespmem:v1+s10+$0x0] =	vst.idx.msk $0xffff, v2  }
0x2d4: {  	v1 =	vld [tilespmem:$0xFC0];
	_ =	sdelay $0x6  }
0x2d5: {  	v2 =	vor.u32 $0xFC0, v0  }
0x2d6: {  	[tilespmem:v1+s10+$0x0] =	vst.idx.msk $0xffff, v2  }
0x2d7: {  	v1 =	vld [tilespmem:$0xFD0];
	_ =	sdelay $0x6  }
0x2d8: {  	v2 =	vor.u32 $0xFD0, v0  }
0x2d9: {  	[tilespmem:v1+s10+$0x0] =	vst.idx.msk $0xffff, v2  }
0x2da: {  	v1 =	vld [tilespmem:$0xFE0];
	_ =	sdelay $0x6  }
0x2db: {  	v2 =	vor.u32 $0xFE0, v0  }
0x2dc: {  	[tilespmem:v1+s10+$0x0] =	vst.idx.msk $0xffff, v2  }
0x2dd: {  	v1 =	vld [tilespmem:$0xFF0];
	_ =	sdelay $0x6  }
0x2de: {  	v2 =	vor.u32 $0xFF0, v0  }
0x2df: {  	[tilespmem:v1+s10+$0x0] =	vst.idx.msk $0xffff, v2  }
0x2e0: {  	v1 =	vld [tilespmem:s4+$0x1000];
	_ =	sdelay $0x4  }
0x2e1: {  	v2 =	vshll.u32 v1, $0x2  }
0x2e2: {  	v1 =	vand.u32 $0x7, v1;
	v2 =	vand.u32 $0xFFFFFFE0, v2  }
0x2e3: {  	v3 =	vshrl.u32 v0, $0x3;
	v1 =	vor.u32 v1, v2;
	v2 =	vand.u32 $0x7, v0  }
0x2e4: {  	v3 =	vmul.u32 $0x8, v3;
	v4 =	vperm.xlane v1, v2;
	_ =	sdelay $0x1  }
0x2e5: {  	v4 =	vadd.s32 v3, v4  }
0x2e6: {  	v5 =	vor.u32 $0x8, v0  }
0x2e7: {  	v1 =	vperm.xlane v1, v5;
	_ =	sdelay $0x1  }
0x2e8: {  	v1 =	vadd.s32 v3, v1  }
0x2e9: {  	[tilespmem:s11], [sflag:$0x1] =	stream.indirect_vreg.gather [hbm4b:s1+s3], $0x80, v4, vm0, $0xb8;
	[tilespmem:$0x6400] =	vst v63  }
0x2ea: {  	_ = 	snop  }
0x2eb: {  	[tilespmem:s12], [sflag:$0x1] =	stream.indirect_vreg.gather [hbm4b:s6+s3], $0x80, v4, vm0, $0xb8;
	[tilespmem:$0x6400] =	vst v63  }
0x2ec: {  	_ = 	snop  }
0x2ed: {  	[tilespmem:s13], [sflag:$0x1] =	stream.indirect_vreg.gather [hbm4b:s1+s3], $0x80, v1, vm0, $0xb8;
	[tilespmem:$0x6400] =	vst v63  }
0x2ee: {  	_ = 	snop  }
0x2ef: {  	[tilespmem:s14], [sflag:$0x1] =	stream.indirect_vreg.gather [hbm4b:s6+s3], $0x80, v1, vm0, $0xb8;
	[tilespmem:$0x6400] =	vst v63  }
0x2f0: {  	v1 =	vld [tilespmem:s4+$0x1010];
	_ =	sdelay $0x4  }
0x2f1: {  	v4 =	vshll.u32 v1, $0x2  }
0x2f2: {  	v1 =	vand.u32 $0x7, v1;
	v4 =	vand.u32 $0xFFFFFFE0, v4  }
0x2f3: {  	v1 =	vor.u32 v1, v4  }
0x2f4: {  	v2 =	vperm.xlane v1, v2;
	_ =	sdelay $0x1  }
0x2f5: {  	v2 =	vadd.s32 v3, v2;
	_ =	sdelay $0x1  }
0x2f6: {  	v1 =	vperm.xlane v1, v5;
	_ =	sdelay $0x1  }
0x2f7: {  	v1 =	vadd.s32 v3, v1  }
0x2f8: {  	[tilespmem:s15], [sflag:$0x1] =	stream.indirect_vreg.gather [hbm4b:s1+s3], $0x80, v2, vm0, $0xb8;
	[tilespmem:$0x6400] =	vst v63  }
0x2f9: {  	_ = 	snop  }
0x2fa: {  	[tilespmem:s16], [sflag:$0x1] =	stream.indirect_vreg.gather [hbm4b:s6+s3], $0x80, v2, vm0, $0xb8;
	[tilespmem:$0x6400] =	vst v63  }
0x2fb: {  	_ = 	snop  }
0x2fc: {  	[tilespmem:s17], [sflag:$0x1] =	stream.indirect_vreg.gather [hbm4b:s1+s3], $0x80, v1, vm0, $0xb8;
	[tilespmem:$0x6400] =	vst v63  }
0x2fd: {  	_ = 	snop  }
0x2fe: {  	[tilespmem:s18], [sflag:$0x1] =	stream.indirect_vreg.gather [hbm4b:s6+s3], $0x80, v1, vm0, $0xb8;
	[tilespmem:$0x6400] =	vst v63  }
0x2ff: {  	_ =	swait.ge [sflag:s19], $0x4000  }
0x300: {  	p0 =	sne.s32 s8, $0x1;
	[sflag:s19] =	ssyncset.done $0x0  }
.Ltmp0:
0x301: {  	[sflag:s19] =	ssyncadd.s32 $0xFFFFC000;
	(pc) =	sbr.rel @p0 .LBB2_1-.Ltmp0, $4  }
0x302: {  	[hbm4b:s7+s3] =	stream.linear.scatter [tilespmem:s11], [sflag:$0x2], $0x4000, $0x38;
	[tilespmem:$0x6400] =	vst v63  }
0x303: {  	_ =	swait.ge [sflag:s9], $0x4000  }
0x304: {  	[sflag:s9] =	ssyncset.done $0x0  }
0x305: {  	s8 =	sadd.s32 $0xFFFFFFFF, s8;
	[sflag:s9] =	ssyncadd.s32 $0xFFFFC000  }
0x306: {  	_ =	sfence.sel $0x180000  }
0x307: {  	[bflag:$0x0] =	sbarrier.arrive $0xFFFF  }
0x308: {  	p0 =	sne.s32 s2, $0x0;
	_ =	strace $0x90000047  }
0x309: {  	s0 =	sadd.s32 @!p0 $0x100000, s0;
	[bflag:$0x2] =	sbarrier.arrive $0xFFFF  }
0x30a: {  	[sflag:s0] =	ssyncadd.tile.s32 @!p0 $0x1;
	_ =	shalt  }
.Lfunc_end2:
_tile_overlayer_lowered:
.L_overlay_start_2:
0x30b: {  	(tag) =	ssettag $0x2  }
0x30c: {  	s0 =	rddreg [dreg:$0x0];
	s2 =	stileid.u32  }
0x30d: {  	s1 =	rddreg [dreg:$0x1];
	p0 =	sne.s32 s2, $0x0  }
0x30e: {  	s3 =	rddreg [dreg:$0x2];
	[bflag:$0x3] =	sbarrier.arrive $0xFFFF;
	s2 =	simm.s32 @!p0 $0x1C02  }
0x30f: {  	[timem:s3], [sflag:s2] =	dma.local @!p0 [hbm:s0], s1  }
0x310: {  	s0 =	simm.s32 @!p0 $0x2  }
0x311: {  	_ =	swait.ge @!p0 [sflag:s0], s1  }
0x312: {  	s1 =	ssub.s32 @!p0 $0x0, s1;
	[sflag:s0] =	ssyncset.done @!p0 $0x0  }
0x313: {  	[sflag:s0] =	ssyncadd.s32 @!p0 s1  }
0x314: {  	[bflag:$0x3] =	sbarrier.arrive $0xFFFF  }
0x315: {  	_ =	shalt  }

</sc_bundles>
